<compile_context>
chip_gen: v7x
topology: tpu7x:2x2x1
jax: 0.10.2.dev20260603
libtpu: 0.0.44.dev20260713+nightly
codegen_flags: <defaults>
</compile_context>

<pallas_src>
import functools

import jax
import jax.numpy as jnp
from jax import lax
from jax.experimental import pallas as pl
from jax.experimental.pallas import tpu as pltpu
from jax.experimental.pallas import tpu_sc as plsc

N = 10000
F_IN = 128
H = 64
C = 3
G = 64
E = 320000

NC = 2
NS = 16
NW = NC * NS
LC = 128
NCH = E // LC
CPW = NCH // NW
XW = NCH - NW * CPW
NP = 10240
RPT = NP // NS
DW = 16
XROW = 80
NBUF = 2

@functools.cache
def _sc_kernels():
    mesh = plsc.VectorSubcoreMesh(
        core_axis_name="c", subcore_axis_name="s",
        num_cores=NC, num_subcores=NS)

    @functools.partial(
        pl.kernel,
        out_type=jax.ShapeDtypeStruct((NC, NP, DW), jnp.float32),
        mesh=mesh,
        compiler_params=pltpu.CompilerParams(use_tc_tiling_on_sc=False),
        scratch_types=[
            pltpu.VMEM((XROW + 1, LC), jnp.int32),
            pltpu.VMEM((LC, DW), jnp.float32),
            pltpu.VMEM((LC, DW), jnp.float32),
            pltpu.VMEM_SHARED((NP, DW), jnp.float32),
        ],
    )
    def sc_deg(e_hbm, out_hbm, dstv, onesv, zerov, acc_sp):
        cid = lax.axis_index("c")
        sid = lax.axis_index("s")
        wid = sid * NC + cid

        def fill(i, carry):
            onesv[i, :] = jnp.ones((DW,), jnp.float32)
            zerov[i, :] = jnp.zeros((DW,), jnp.float32)
            return carry

        lax.fori_loop(0, LC, fill, 0)
        for k in range(RPT // LC):
            pltpu.sync_copy(zerov, acc_sp.at[pl.ds(sid * RPT + k * LC, LC)])
        pltpu.sync_copy(e_hbm.at[1, pl.ds(wid * CPW, CPW)],
                        dstv.at[pl.ds(0, CPW)])

        @pl.when(wid < XW)
        def _():
            pltpu.sync_copy(e_hbm.at[1, pl.ds(NW * CPW + wid, 1)],
                            dstv.at[pl.ds(XROW, 1)])

        plsc.subcore_barrier()

        def body(j, carry):
            pltpu.sync_copy(onesv, acc_sp.at[dstv.at[j]], add=True)
            return carry

        lax.fori_loop(0, CPW, body, 0)

        @pl.when(wid < XW)
        def _():
            pltpu.sync_copy(onesv, acc_sp.at[dstv.at[XROW]], add=True)

        plsc.subcore_barrier()
        pltpu.sync_copy(acc_sp.at[pl.ds(sid * RPT, RPT)],
                        out_hbm.at[cid, pl.ds(sid * RPT, RPT)])

    @functools.partial(
        pl.kernel,
        out_type=jax.ShapeDtypeStruct((NC, NP, H), jnp.float32),
        mesh=mesh,
        compiler_params=pltpu.CompilerParams(use_tc_tiling_on_sc=False),
        scratch_types=[
            pltpu.VMEM((XROW + 1, LC), jnp.int32),
            pltpu.VMEM((XROW + 1, LC), jnp.int32),
            pltpu.VMEM((NBUF, LC, H), jnp.float32),
            pltpu.VMEM_SHARED((NP, H), jnp.float32),
            pltpu.VMEM_SHARED((NP, H), jnp.float32),
            pltpu.SemaphoreType.DMA,
            pltpu.SemaphoreType.DMA,
        ],
    )
    def sc_agg(hs_hbm, e_hbm, out_hbm, srcv, dstv, buf,
               hs_sp, acc_sp, gsem, ssem):
        cid = lax.axis_index("c")
        sid = lax.axis_index("s")
        wid = sid * NC + cid

        def zfill(i, carry):
            for t in range(H // 16):
                buf[0, i, pl.ds(t * 16, 16)] = jnp.zeros((16,), jnp.float32)
            return carry

        lax.fori_loop(0, LC, zfill, 0)
        for k in range(RPT // LC):
            pltpu.sync_copy(buf.at[0], acc_sp.at[pl.ds(sid * RPT + k * LC, LC)])
        pltpu.sync_copy(hs_hbm.at[pl.ds(sid * RPT, RPT)],
                        hs_sp.at[pl.ds(sid * RPT, RPT)])
        pltpu.sync_copy(e_hbm.at[0, pl.ds(wid * CPW, CPW)],
                        srcv.at[pl.ds(0, CPW)])
        pltpu.sync_copy(e_hbm.at[1, pl.ds(wid * CPW, CPW)],
                        dstv.at[pl.ds(0, CPW)])

        @pl.when(wid < XW)
        def _():
            pltpu.sync_copy(e_hbm.at[0, pl.ds(NW * CPW + wid, 1)],
                            srcv.at[pl.ds(XROW, 1)])
            pltpu.sync_copy(e_hbm.at[1, pl.ds(NW * CPW + wid, 1)],
                            dstv.at[pl.ds(XROW, 1)])

        plsc.subcore_barrier()

        def body(g, carry):
            base = g * NBUF
            gd = [pltpu.async_copy(hs_sp.at[srcv.at[base + k]], buf.at[k],
                                   gsem) for k in range(NBUF)]
            for d in gd:
                d.wait()
            sd = [pltpu.async_copy(buf.at[k], acc_sp.at[dstv.at[base + k]],
                                   ssem, add=True) for k in range(NBUF)]
            for d in sd:
                d.wait()
            return carry

        lax.fori_loop(0, CPW // NBUF, body, 0)

        @pl.when(wid < XW)
        def _():
            pltpu.async_copy(hs_sp.at[srcv.at[XROW]], buf.at[0], gsem).wait()
            pltpu.sync_copy(buf.at[0], acc_sp.at[dstv.at[XROW]], add=True)

        plsc.subcore_barrier()
        pltpu.sync_copy(acc_sp.at[pl.ds(sid * RPT, RPT)],
                        out_hbm.at[cid, pl.ds(sid * RPT, RPT)])

    return sc_deg, sc_agg


def _sc_deg(e3):
    return _sc_kernels()[0](e3)


def _sc_agg(hs, e3):
    return _sc_kernels()[1](hs, e3)


def _dinv(deg_ref, rows):
    d = deg_ref[0, :rows, 0:1] + deg_ref[1, :rows, 0:1] + 1.0
    return lax.rsqrt(d)


def _tc_mm_body(x_ref, w1_ref, out_ref):
    out_ref[...] = jnp.dot(x_ref[...], w1_ref[...],
                           preferred_element_type=jnp.float32)


def _tc_scale_body(deg_ref, h_ref, out_ref):
    dinv = _dinv(deg_ref, N)
    out_ref[0:N, :] = h_ref[...] * dinv
    out_ref[N:, :] = jnp.zeros((NP - N, H), jnp.float32)


def _tc_mid_body(agg_ref, hs_ref, deg_ref, b1_ref, g1_ref, be1_ref, w2_ref,
                 out_ref):
    dinv = _dinv(deg_ref, N)
    t = (agg_ref[0, 0:N, :] + agg_ref[1, 0:N, :] + hs_ref[0:N, :]) * dinv
    t = t + b1_ref[...]
    mu = jnp.mean(t, axis=0, keepdims=True)
    var = jnp.mean(jnp.square(t - mu), axis=0, keepdims=True)
    hbn = (t - mu) * lax.rsqrt(var + 1e-5) * g1_ref[...] + be1_ref[...]
    hbn = jnp.maximum(hbn, 0.0)
    h2 = jnp.dot(hbn, w2_ref[...], preferred_element_type=jnp.float32)
    out_ref[0:N, :] = h2 * dinv
    out_ref[N:, :] = jnp.zeros((NP - N, H), jnp.float32)


def _tc_final_body(agg_ref, hs_ref, deg_ref, b2_ref, g2_ref, be2_ref,
                   batch_ref, wc_ref, bc_ref, out_ref):
    dinv = _dinv(deg_ref, N)
    t = (agg_ref[0, 0:N, :] + agg_ref[1, 0:N, :] + hs_ref[0:N, :]) * dinv
    t = t + b2_ref[...]
    mu = jnp.mean(t, axis=0, keepdims=True)
    var = jnp.mean(jnp.square(t - mu), axis=0, keepdims=True)
    hbn = (t - mu) * lax.rsqrt(var + 1e-5) * g2_ref[...] + be2_ref[...]
    hbn = jnp.maximum(hbn, 0.0)
    gid = lax.broadcasted_iota(jnp.int32, (G, N), 0)
    p = (batch_ref[...] == gid).astype(jnp.float32)
    psum = jnp.dot(p, hbn, preferred_element_type=jnp.float32)
    cnt = jnp.sum(p, axis=1, keepdims=True)
    pooled = psum / jnp.maximum(cnt, 1.0)
    out_ref[...] = (jnp.dot(pooled, wc_ref[...],
                            preferred_element_type=jnp.float32) + bc_ref[...])


_tc_mm = pl.pallas_call(
    _tc_mm_body, out_shape=jax.ShapeDtypeStruct((N, H), jnp.float32))
_tc_scale = pl.pallas_call(
    _tc_scale_body, out_shape=jax.ShapeDtypeStruct((NP, H), jnp.float32))
_tc_mid = pl.pallas_call(
    _tc_mid_body, out_shape=jax.ShapeDtypeStruct((NP, H), jnp.float32))
_tc_final = pl.pallas_call(
    _tc_final_body, out_shape=jax.ShapeDtypeStruct((G, 128), jnp.float32))


def kernel(x, edge_index, batch, W1, b1, g1, be1, W2, b2, g2, be2, Wc, bc):
    e3 = edge_index.reshape(2, NCH, LC)

    deg2 = _sc_deg(e3)
    h1 = _tc_mm(x, W1)
    hs1 = _tc_scale(deg2, h1)
    agg1 = _sc_agg(hs1, e3)
    hs2 = _tc_mid(agg1, hs1, deg2, b1.reshape(1, H), g1.reshape(1, H),
                  be1.reshape(1, H), W2)
    agg2 = _sc_agg(hs2, e3)
    wcp = jnp.pad(Wc, ((0, 0), (0, 128 - C)))
    bcp = jnp.pad(bc, (0, 128 - C)).reshape(1, 128)
    out = _tc_final(agg2, hs2, deg2, b2.reshape(1, H), g2.reshape(1, H),
                    be2.reshape(1, H), batch.reshape(1, N), wcp, bcp)
    return out[:, :C]

# --- scband reference (transcript-rebuilt; emitter-appended) ---
"""Pipeline reference for scband-gcnbaseline-60619168416467 (READ-ONLY COPY).

The authoritative reference and input builder live on the scoring server;
editing this copy changes nothing except your own understanding.
"""

import jax, jax.numpy as jnp
import numpy as np

N = 10000
E = 320000
F_IN = 128
H = 64
C = 3
G = 64


def setup_inputs(seed: int = 0) -> dict:
    key = jax.random.key(seed)
    ks = jax.random.split(key, 16)
    x = jax.random.normal(ks[0], (N, F_IN), dtype=jnp.float32)
    edge_index = jax.random.randint(ks[1], (2, E), 0, N, dtype=jnp.int32)
    batch = jnp.sort(jax.random.randint(ks[2], (N,), 0, G, dtype=jnp.int32))
    s1 = 1.0 / np.sqrt(F_IN)
    s2 = 1.0 / np.sqrt(H)
    W1 = jax.random.uniform(ks[3], (F_IN, H), jnp.float32, -s1, s1)
    b1 = jnp.zeros((H,), jnp.float32)
    g1 = jnp.ones((H,), jnp.float32)
    be1 = jnp.zeros((H,), jnp.float32)
    W2 = jax.random.uniform(ks[4], (H, H), jnp.float32, -s2, s2)
    b2 = jnp.zeros((H,), jnp.float32)
    g2 = jnp.ones((H,), jnp.float32)
    be2 = jnp.zeros((H,), jnp.float32)
    Wc = jax.random.uniform(ks[5], (H, C), jnp.float32, -s2, s2)
    bc = jnp.zeros((C,), jnp.float32)
    return {"x": x, "edge_index": edge_index, "batch": batch,
            "W1": W1, "b1": b1, "g1": g1, "be1": be1,
            "W2": W2, "b2": b2, "g2": g2, "be2": be2,
            "Wc": Wc, "bc": bc}


def gcn_conv(x, edge_index, W, b):
    # PyG GCNConv: linear transform, add self-loops, symmetric normalization, scatter-add
    h = x @ W
    src = edge_index[0]
    dst = edge_index[1]
    loop = jnp.arange(N, dtype=src.dtype)
    src = jnp.concatenate([src, loop])
    dst = jnp.concatenate([dst, loop])
    deg = jnp.zeros((N,), h.dtype).at[dst].add(1.0)
    dinv = jnp.where(deg > 0, deg ** -0.5, 0.0)
    norm = dinv[src] * dinv[dst]
    msg = h[src] * norm[:, None]
    out = jnp.zeros((N, h.shape[1]), h.dtype).at[dst].add(msg)
    return out + b


def batchnorm(x, gamma, beta, eps=1e-5):
    mean = jnp.mean(x, axis=0)
    var = jnp.var(x, axis=0)
    return (x - mean) / jnp.sqrt(var + eps) * gamma + beta


def reference(x, edge_index, batch, W1, b1, g1, be1, W2, b2, g2, be2, Wc, bc):
    h = gcn_conv(x, edge_index, W1, b1)
    h = jax.nn.relu(batchnorm(h, g1, be1))
    # dropout is identity in eval mode
    h = gcn_conv(h, edge_index, W2, b2)
    h = jax.nn.relu(batchnorm(h, g2, be2))
    pooled_sum = jax.ops.segment_sum(h, batch, num_segments=G)
    counts = jax.ops.segment_sum(jnp.ones((N, 1), h.dtype), batch, num_segments=G)
    pooled = pooled_sum / jnp.maximum(counts, 1.0)
    return pooled @ Wc + bc

if __name__ == "__main__":
    import jax
    _d = setup_inputs()
    print(jax.jit(kernel)(*tuple(_d.values())))

</pallas_src>

<mosaic_0001>
#map = affine_map<(d0, d1) -> (0, 0, 0)>
module attributes {stable_mosaic.version = 14 : i64} {
  func.func @sc_deg(%arg0: i32, %arg1: i32, %arg2: memref<2x2500x128xi32, #tpu.memory_space<hbm>>, %arg3: memref<2x10240x16xf32, #tpu.memory_space<hbm>>, %arg4: memref<81x128xi32, #tpu.memory_space<vmem>>, %arg5: memref<128x16xf32, #tpu.memory_space<vmem>>, %arg6: memref<128x16xf32, #tpu.memory_space<vmem>>, %arg7: memref<10240x16xf32, #tpu.memory_space<vmem_shared>>) attributes {dimension_semantics = [#tpu.dimension_semantics<core_parallel>, #tpu.dimension_semantics<subcore_parallel>], iteration_bounds = array<i64: 2, 16>, scalar_prefetch = 0 : i64, scratch_operands = 4 : i64, tpu.core_type = #tpu.core_type<sc_vector_subcore>, window_params = [{transform_indices = #map}, {transform_indices = #map}]} {
    %mul3A = arith.constant 2 : i32
    %mul3A_0 = arith.muli %arg1, %mul3A : i32
    %add3A = arith.addi %mul3A_0, %arg0 : i32
    %scan3A = arith.constant 0 : i32
    %scan3A_1 = arith.constant 0 : i32
    %scan3A_2 = arith.constant 128 : i32
    %scan3A_3 = arith.addi %scan3A_1, %scan3A_2 : i32
    %scan3A_4 = arith.constant 1 : i32
    scf.for %scan3A_46 = %scan3A_1 to %scan3A_3 step %scan3A_4  : i32 {
      %broadcast_in_dim3A = arith.constant 1.000000e+00 : f32
      %broadcast_in_dim3A_47 = vector.broadcast %broadcast_in_dim3A : f32 to vector<16xf32>
      %swap3A = arith.index_cast %scan3A_46 : i32 to index
      %swap3A_48 = arith.constant 0 : index
      %swap3A_49 = tpu.vector_load %arg5[%swap3A, %swap3A_48] {strides = array<i32>} : memref<128x16xf32, #tpu.memory_space<vmem>>, vector<1x16xf32>,
      %swap3A_50 = vector.shape_cast %swap3A_49 : vector<1x16xf32> to vector<16xf32>
      %swap3A_51 = vector.shape_cast %broadcast_in_dim3A_47 : vector<16xf32> to vector<1x16xf32>
      tpu.vector_store %arg5[%swap3A, %swap3A_48], %swap3A_51 {strides = array<i32>} : memref<128x16xf32, #tpu.memory_space<vmem>>, vector<1x16xf32>,
      %broadcast_in_dim3A_52 = arith.constant 0.000000e+00 : f32
      %broadcast_in_dim3A_53 = vector.broadcast %broadcast_in_dim3A_52 : f32 to vector<16xf32>
      %swap3A_54 = arith.index_cast %scan3A_46 : i32 to index
      %swap3A_55 = arith.constant 0 : index
      %swap3A_56 = tpu.vector_load %arg6[%swap3A_54, %swap3A_55] {strides = array<i32>} : memref<128x16xf32, #tpu.memory_space<vmem>>, vector<1x16xf32>,
      %swap3A_57 = vector.shape_cast %swap3A_56 : vector<1x16xf32> to vector<16xf32>
      %swap3A_58 = vector.shape_cast %broadcast_in_dim3A_53 : vector<16xf32> to vector<1x16xf32>
      tpu.vector_store %arg6[%swap3A_54, %swap3A_55], %swap3A_58 {strides = array<i32>} : memref<128x16xf32, #tpu.memory_space<vmem>>, vector<1x16xf32>,
    }
    %scan3A_5 = arith.constant 128 : i32
    %mul3A_6 = arith.constant 640 : i32
    %mul3A_7 = arith.muli %arg1, %mul3A_6 : i32
    %add3A_8 = arith.constant 0 : i32
    %add3A_9 = arith.addi %mul3A_7, %add3A_8 : i32
    "tpu.region"() ({
      %run_scoped3A_46 = tpu.sem_alloc : memref<!tpu.dma_semaphore, #tpu.memory_space<semaphore_mem>>
      %dma_start3A = arith.constant 0 : i32
      %dma_start3A_47 = tpu.memref_slice %arg7[%add3A_9, %dma_start3A] : memref<10240x16xf32, #tpu.memory_space<vmem_shared>> -> memref<128x16xf32, #tpu.memory_space<vmem_shared>>
      %dma_start3A_48 = arith.constant 0 : i32
      %dma_start3A_49 = tpu.memref_slice %arg7[%add3A_9, %dma_start3A_48] : memref<10240x16xf32, #tpu.memory_space<vmem_shared>> -> memref<128x16xf32, #tpu.memory_space<vmem_shared>>
      tpu.enqueue_dma source(%arg6 : memref<128x16xf32, #tpu.memory_space<vmem>>) target(%dma_start3A_49 : memref<128x16xf32, #tpu.memory_space<vmem_shared>>) target_semaphore(%run_scoped3A_46 : memref<!tpu.dma_semaphore, #tpu.memory_space<semaphore_mem>>)
      %dma_wait3A = arith.constant 0 : i32
      %dma_wait3A_50 = tpu.memref_slice %arg7[%add3A_9, %dma_wait3A] : memref<10240x16xf32, #tpu.memory_space<vmem_shared>> -> memref<128x16xf32, #tpu.memory_space<vmem_shared>>
      %dma_wait3A_51 = arith.constant 0 : i32
      %dma_wait3A_52 = tpu.memref_slice %arg7[%add3A_9, %dma_wait3A_51] : memref<10240x16xf32, #tpu.memory_space<vmem_shared>> -> memref<128x16xf32, #tpu.memory_space<vmem_shared>>
      tpu.wait_dma2 semaphore(%run_scoped3A_46 : memref<!tpu.dma_semaphore, #tpu.memory_space<semaphore_mem>>) src(%arg6 : memref<128x16xf32, #tpu.memory_space<vmem>>) dst(%dma_wait3A_52 : memref<128x16xf32, #tpu.memory_space<vmem_shared>>)
      tpu.yield
    }) : () -> ()
    %mul3A_10 = arith.constant 640 : i32
    %mul3A_11 = arith.muli %arg1, %mul3A_10 : i32
    %add3A_12 = arith.constant 128 : i32
    %add3A_13 = arith.addi %mul3A_11, %add3A_12 : i32
    "tpu.region"() ({
      %run_scoped3A_46 = tpu.sem_alloc : memref<!tpu.dma_semaphore, #tpu.memory_space<semaphore_mem>>
      %dma_start3A = arith.constant 0 : i32
      %dma_start3A_47 = tpu.memref_slice %arg7[%add3A_13, %dma_start3A] : memref<10240x16xf32, #tpu.memory_space<vmem_shared>> -> memref<128x16xf32, #tpu.memory_space<vmem_shared>>
      %dma_start3A_48 = arith.constant 0 : i32
      %dma_start3A_49 = tpu.memref_slice %arg7[%add3A_13, %dma_start3A_48] : memref<10240x16xf32, #tpu.memory_space<vmem_shared>> -> memref<128x16xf32, #tpu.memory_space<vmem_shared>>
      tpu.enqueue_dma source(%arg6 : memref<128x16xf32, #tpu.memory_space<vmem>>) target(%dma_start3A_49 : memref<128x16xf32, #tpu.memory_space<vmem_shared>>) target_semaphore(%run_scoped3A_46 : memref<!tpu.dma_semaphore, #tpu.memory_space<semaphore_mem>>)
      %dma_wait3A = arith.constant 0 : i32
      %dma_wait3A_50 = tpu.memref_slice %arg7[%add3A_13, %dma_wait3A] : memref<10240x16xf32, #tpu.memory_space<vmem_shared>> -> memref<128x16xf32, #tpu.memory_space<vmem_shared>>
      %dma_wait3A_51 = arith.constant 0 : i32
      %dma_wait3A_52 = tpu.memref_slice %arg7[%add3A_13, %dma_wait3A_51] : memref<10240x16xf32, #tpu.memory_space<vmem_shared>> -> memref<128x16xf32, #tpu.memory_space<vmem_shared>>
      tpu.wait_dma2 semaphore(%run_scoped3A_46 : memref<!tpu.dma_semaphore, #tpu.memory_space<semaphore_mem>>) src(%arg6 : memref<128x16xf32, #tpu.memory_space<vmem>>) dst(%dma_wait3A_52 : memref<128x16xf32, #tpu.memory_space<vmem_shared>>)
      tpu.yield
    }) : () -> ()
    %mul3A_14 = arith.constant 640 : i32
    %mul3A_15 = arith.muli %arg1, %mul3A_14 : i32
    %add3A_16 = arith.constant 256 : i32
    %add3A_17 = arith.addi %mul3A_15, %add3A_16 : i32
    "tpu.region"() ({
      %run_scoped3A_46 = tpu.sem_alloc : memref<!tpu.dma_semaphore, #tpu.memory_space<semaphore_mem>>
      %dma_start3A = arith.constant 0 : i32
      %dma_start3A_47 = tpu.memref_slice %arg7[%add3A_17, %dma_start3A] : memref<10240x16xf32, #tpu.memory_space<vmem_shared>> -> memref<128x16xf32, #tpu.memory_space<vmem_shared>>
      %dma_start3A_48 = arith.constant 0 : i32
      %dma_start3A_49 = tpu.memref_slice %arg7[%add3A_17, %dma_start3A_48] : memref<10240x16xf32, #tpu.memory_space<vmem_shared>> -> memref<128x16xf32, #tpu.memory_space<vmem_shared>>
      tpu.enqueue_dma source(%arg6 : memref<128x16xf32, #tpu.memory_space<vmem>>) target(%dma_start3A_49 : memref<128x16xf32, #tpu.memory_space<vmem_shared>>) target_semaphore(%run_scoped3A_46 : memref<!tpu.dma_semaphore, #tpu.memory_space<semaphore_mem>>)
      %dma_wait3A = arith.constant 0 : i32
      %dma_wait3A_50 = tpu.memref_slice %arg7[%add3A_17, %dma_wait3A] : memref<10240x16xf32, #tpu.memory_space<vmem_shared>> -> memref<128x16xf32, #tpu.memory_space<vmem_shared>>
      %dma_wait3A_51 = arith.constant 0 : i32
      %dma_wait3A_52 = tpu.memref_slice %arg7[%add3A_17, %dma_wait3A_51] : memref<10240x16xf32, #tpu.memory_space<vmem_shared>> -> memref<128x16xf32, #tpu.memory_space<vmem_shared>>
      tpu.wait_dma2 semaphore(%run_scoped3A_46 : memref<!tpu.dma_semaphore, #tpu.memory_space<semaphore_mem>>) src(%arg6 : memref<128x16xf32, #tpu.memory_space<vmem>>) dst(%dma_wait3A_52 : memref<128x16xf32, #tpu.memory_space<vmem_shared>>)
      tpu.yield
    }) : () -> ()
    %mul3A_18 = arith.constant 640 : i32
    %mul3A_19 = arith.muli %arg1, %mul3A_18 : i32
    %add3A_20 = arith.constant 384 : i32
    %add3A_21 = arith.addi %mul3A_19, %add3A_20 : i32
    "tpu.region"() ({
      %run_scoped3A_46 = tpu.sem_alloc : memref<!tpu.dma_semaphore, #tpu.memory_space<semaphore_mem>>
      %dma_start3A = arith.constant 0 : i32
      %dma_start3A_47 = tpu.memref_slice %arg7[%add3A_21, %dma_start3A] : memref<10240x16xf32, #tpu.memory_space<vmem_shared>> -> memref<128x16xf32, #tpu.memory_space<vmem_shared>>
      %dma_start3A_48 = arith.constant 0 : i32
      %dma_start3A_49 = tpu.memref_slice %arg7[%add3A_21, %dma_start3A_48] : memref<10240x16xf32, #tpu.memory_space<vmem_shared>> -> memref<128x16xf32, #tpu.memory_space<vmem_shared>>
      tpu.enqueue_dma source(%arg6 : memref<128x16xf32, #tpu.memory_space<vmem>>) target(%dma_start3A_49 : memref<128x16xf32, #tpu.memory_space<vmem_shared>>) target_semaphore(%run_scoped3A_46 : memref<!tpu.dma_semaphore, #tpu.memory_space<semaphore_mem>>)
      %dma_wait3A = arith.constant 0 : i32
      %dma_wait3A_50 = tpu.memref_slice %arg7[%add3A_21, %dma_wait3A] : memref<10240x16xf32, #tpu.memory_space<vmem_shared>> -> memref<128x16xf32, #tpu.memory_space<vmem_shared>>
      %dma_wait3A_51 = arith.constant 0 : i32
      %dma_wait3A_52 = tpu.memref_slice %arg7[%add3A_21, %dma_wait3A_51] : memref<10240x16xf32, #tpu.memory_space<vmem_shared>> -> memref<128x16xf32, #tpu.memory_space<vmem_shared>>
      tpu.wait_dma2 semaphore(%run_scoped3A_46 : memref<!tpu.dma_semaphore, #tpu.memory_space<semaphore_mem>>) src(%arg6 : memref<128x16xf32, #tpu.memory_space<vmem>>) dst(%dma_wait3A_52 : memref<128x16xf32, #tpu.memory_space<vmem_shared>>)
      tpu.yield
    }) : () -> ()
    %mul3A_22 = arith.constant 640 : i32
    %mul3A_23 = arith.muli %arg1, %mul3A_22 : i32
    %add3A_24 = arith.constant 512 : i32
    %add3A_25 = arith.addi %mul3A_23, %add3A_24 : i32
    "tpu.region"() ({
      %run_scoped3A_46 = tpu.sem_alloc : memref<!tpu.dma_semaphore, #tpu.memory_space<semaphore_mem>>
      %dma_start3A = arith.constant 0 : i32
      %dma_start3A_47 = tpu.memref_slice %arg7[%add3A_25, %dma_start3A] : memref<10240x16xf32, #tpu.memory_space<vmem_shared>> -> memref<128x16xf32, #tpu.memory_space<vmem_shared>>
      %dma_start3A_48 = arith.constant 0 : i32
      %dma_start3A_49 = tpu.memref_slice %arg7[%add3A_25, %dma_start3A_48] : memref<10240x16xf32, #tpu.memory_space<vmem_shared>> -> memref<128x16xf32, #tpu.memory_space<vmem_shared>>
      tpu.enqueue_dma source(%arg6 : memref<128x16xf32, #tpu.memory_space<vmem>>) target(%dma_start3A_49 : memref<128x16xf32, #tpu.memory_space<vmem_shared>>) target_semaphore(%run_scoped3A_46 : memref<!tpu.dma_semaphore, #tpu.memory_space<semaphore_mem>>)
      %dma_wait3A = arith.constant 0 : i32
      %dma_wait3A_50 = tpu.memref_slice %arg7[%add3A_25, %dma_wait3A] : memref<10240x16xf32, #tpu.memory_space<vmem_shared>> -> memref<128x16xf32, #tpu.memory_space<vmem_shared>>
      %dma_wait3A_51 = arith.constant 0 : i32
      %dma_wait3A_52 = tpu.memref_slice %arg7[%add3A_25, %dma_wait3A_51] : memref<10240x16xf32, #tpu.memory_space<vmem_shared>> -> memref<128x16xf32, #tpu.memory_space<vmem_shared>>
      tpu.wait_dma2 semaphore(%run_scoped3A_46 : memref<!tpu.dma_semaphore, #tpu.memory_space<semaphore_mem>>) src(%arg6 : memref<128x16xf32, #tpu.memory_space<vmem>>) dst(%dma_wait3A_52 : memref<128x16xf32, #tpu.memory_space<vmem_shared>>)
      tpu.yield
    }) : () -> ()
    %mul3A_26 = arith.constant 78 : i32
    %mul3A_27 = arith.muli %add3A, %mul3A_26 : i32
    %run_scoped3A = arith.constant 1 : i32
    "tpu.region"() ({
      %run_scoped3A_46 = tpu.sem_alloc : memref<!tpu.dma_semaphore, #tpu.memory_space<semaphore_mem>>
      %dma_start3A = arith.constant 0 : i32
      %dma_start3A_47 = arith.constant 0 : i32
      %dma_start3A_48 = tpu.memref_slice %arg4[%dma_start3A, %dma_start3A_47] : memref<81x128xi32, #tpu.memory_space<vmem>> -> memref<78x128xi32, #tpu.memory_space<vmem>>
      %dma_start3A_49 = arith.constant 0 : i32
      %dma_start3A_50 = tpu.memref_slice %arg2[%run_scoped3A, %mul3A_27, %dma_start3A_49] : memref<2x2500x128xi32, #tpu.memory_space<hbm>> -> memref<1x78x128xi32, #tpu.memory_space<hbm>>
      %dma_start3A_51 = tpu.memref_squeeze %dma_start3A_50 : memref<1x78x128xi32, #tpu.memory_space<hbm>> -> memref<78x128xi32, #tpu.memory_space<hbm>>
      %dma_start3A_52 = arith.constant 0 : i32
      %dma_start3A_53 = arith.constant 0 : i32
      %dma_start3A_54 = tpu.memref_slice %arg4[%dma_start3A_52, %dma_start3A_53] : memref<81x128xi32, #tpu.memory_space<vmem>> -> memref<78x128xi32, #tpu.memory_space<vmem>>
      %dma_start3A_55 = arith.constant 0 : i32
      %dma_start3A_56 = tpu.memref_slice %arg2[%run_scoped3A, %mul3A_27, %dma_start3A_55] : memref<2x2500x128xi32, #tpu.memory_space<hbm>> -> memref<1x78x128xi32, #tpu.memory_space<hbm>>
      %dma_start3A_57 = tpu.memref_squeeze %dma_start3A_56 : memref<1x78x128xi32, #tpu.memory_space<hbm>> -> memref<78x128xi32, #tpu.memory_space<hbm>>
      tpu.enqueue_dma source(%dma_start3A_57 : memref<78x128xi32, #tpu.memory_space<hbm>>) target(%dma_start3A_54 : memref<78x128xi32, #tpu.memory_space<vmem>>) target_semaphore(%run_scoped3A_46 : memref<!tpu.dma_semaphore, #tpu.memory_space<semaphore_mem>>)
      %dma_wait3A = arith.constant 0 : i32
      %dma_wait3A_58 = arith.constant 0 : i32
      %dma_wait3A_59 = tpu.memref_slice %arg4[%dma_wait3A, %dma_wait3A_58] : memref<81x128xi32, #tpu.memory_space<vmem>> -> memref<78x128xi32, #tpu.memory_space<vmem>>
      %dma_wait3A_60 = arith.constant 0 : i32
      %dma_wait3A_61 = tpu.memref_slice %arg2[%run_scoped3A, %mul3A_27, %dma_wait3A_60] : memref<2x2500x128xi32, #tpu.memory_space<hbm>> -> memref<1x78x128xi32, #tpu.memory_space<hbm>>
      %dma_wait3A_62 = tpu.memref_squeeze %dma_wait3A_61 : memref<1x78x128xi32, #tpu.memory_space<hbm>> -> memref<78x128xi32, #tpu.memory_space<hbm>>
      %dma_wait3A_63 = arith.constant 0 : i32
      %dma_wait3A_64 = arith.constant 0 : i32
      %dma_wait3A_65 = tpu.memref_slice %arg4[%dma_wait3A_63, %dma_wait3A_64] : memref<81x128xi32, #tpu.memory_space<vmem>> -> memref<78x128xi32, #tpu.memory_space<vmem>>
      %dma_wait3A_66 = arith.constant 0 : i32
      %dma_wait3A_67 = tpu.memref_slice %arg2[%run_scoped3A, %mul3A_27, %dma_wait3A_66] : memref<2x2500x128xi32, #tpu.memory_space<hbm>> -> memref<1x78x128xi32, #tpu.memory_space<hbm>>
      %dma_wait3A_68 = tpu.memref_squeeze %dma_wait3A_67 : memref<1x78x128xi32, #tpu.memory_space<hbm>> -> memref<78x128xi32, #tpu.memory_space<hbm>>
      tpu.wait_dma2 semaphore(%run_scoped3A_46 : memref<!tpu.dma_semaphore, #tpu.memory_space<semaphore_mem>>) src(%dma_wait3A_68 : memref<78x128xi32, #tpu.memory_space<hbm>>) dst(%dma_wait3A_65 : memref<78x128xi32, #tpu.memory_space<vmem>>)
      tpu.yield
    }) : () -> ()
    %lt3A = arith.constant 4 : i32
    %lt3A_28 = arith.cmpi slt, %add3A, %lt3A : i32
    %convert_element_type3A = arith.extui %lt3A_28 : i1 to i32
    %cond3A = arith.constant 0 : i32
    %cond3A_29 = arith.cmpi ne, %convert_element_type3A, %cond3A : i32
    scf.if %cond3A_29 {
      %add3A_46 = arith.constant 2496 : i32
      %add3A_47 = arith.addi %add3A_46, %add3A : i32
      %run_scoped3A_48 = arith.constant 1 : i32
      "tpu.region"() ({
        %run_scoped3A_49 = tpu.sem_alloc : memref<!tpu.dma_semaphore, #tpu.memory_space<semaphore_mem>>
        %dma_start3A = arith.constant 80 : i32
        %dma_start3A_50 = arith.constant 0 : i32
        %dma_start3A_51 = tpu.memref_slice %arg4[%dma_start3A, %dma_start3A_50] : memref<81x128xi32, #tpu.memory_space<vmem>> -> memref<1x128xi32, #tpu.memory_space<vmem>>
        %dma_start3A_52 = arith.constant 0 : i32
        %dma_start3A_53 = tpu.memref_slice %arg2[%run_scoped3A_48, %add3A_47, %dma_start3A_52] : memref<2x2500x128xi32, #tpu.memory_space<hbm>> -> memref<1x1x128xi32, #tpu.memory_space<hbm>>
        %dma_start3A_54 = tpu.memref_squeeze %dma_start3A_53 : memref<1x1x128xi32, #tpu.memory_space<hbm>> -> memref<1x128xi32, #tpu.memory_space<hbm>>
        %dma_start3A_55 = arith.constant 80 : i32
        %dma_start3A_56 = arith.constant 0 : i32
        %dma_start3A_57 = tpu.memref_slice %arg4[%dma_start3A_55, %dma_start3A_56] : memref<81x128xi32, #tpu.memory_space<vmem>> -> memref<1x128xi32, #tpu.memory_space<vmem>>
        %dma_start3A_58 = arith.constant 0 : i32
        %dma_start3A_59 = tpu.memref_slice %arg2[%run_scoped3A_48, %add3A_47, %dma_start3A_58] : memref<2x2500x128xi32, #tpu.memory_space<hbm>> -> memref<1x1x128xi32, #tpu.memory_space<hbm>>
        %dma_start3A_60 = tpu.memref_squeeze %dma_start3A_59 : memref<1x1x128xi32, #tpu.memory_space<hbm>> -> memref<1x128xi32, #tpu.memory_space<hbm>>
        tpu.enqueue_dma source(%dma_start3A_60 : memref<1x128xi32, #tpu.memory_space<hbm>>) target(%dma_start3A_57 : memref<1x128xi32, #tpu.memory_space<vmem>>) target_semaphore(%run_scoped3A_49 : memref<!tpu.dma_semaphore, #tpu.memory_space<semaphore_mem>>)
        %dma_wait3A = arith.constant 80 : i32
        %dma_wait3A_61 = arith.constant 0 : i32
        %dma_wait3A_62 = tpu.memref_slice %arg4[%dma_wait3A, %dma_wait3A_61] : memref<81x128xi32, #tpu.memory_space<vmem>> -> memref<1x128xi32, #tpu.memory_space<vmem>>
        %dma_wait3A_63 = arith.constant 0 : i32
        %dma_wait3A_64 = tpu.memref_slice %arg2[%run_scoped3A_48, %add3A_47, %dma_wait3A_63] : memref<2x2500x128xi32, #tpu.memory_space<hbm>> -> memref<1x1x128xi32, #tpu.memory_space<hbm>>
        %dma_wait3A_65 = tpu.memref_squeeze %dma_wait3A_64 : memref<1x1x128xi32, #tpu.memory_space<hbm>> -> memref<1x128xi32, #tpu.memory_space<hbm>>
        %dma_wait3A_66 = arith.constant 80 : i32
        %dma_wait3A_67 = arith.constant 0 : i32
        %dma_wait3A_68 = tpu.memref_slice %arg4[%dma_wait3A_66, %dma_wait3A_67] : memref<81x128xi32, #tpu.memory_space<vmem>> -> memref<1x128xi32, #tpu.memory_space<vmem>>
        %dma_wait3A_69 = arith.constant 0 : i32
        %dma_wait3A_70 = tpu.memref_slice %arg2[%run_scoped3A_48, %add3A_47, %dma_wait3A_69] : memref<2x2500x128xi32, #tpu.memory_space<hbm>> -> memref<1x1x128xi32, #tpu.memory_space<hbm>>
        %dma_wait3A_71 = tpu.memref_squeeze %dma_wait3A_70 : memref<1x1x128xi32, #tpu.memory_space<hbm>> -> memref<1x128xi32, #tpu.memory_space<hbm>>
        tpu.wait_dma2 semaphore(%run_scoped3A_49 : memref<!tpu.dma_semaphore, #tpu.memory_space<semaphore_mem>>) src(%dma_wait3A_71 : memref<1x128xi32, #tpu.memory_space<hbm>>) dst(%dma_wait3A_68 : memref<1x128xi32, #tpu.memory_space<vmem>>)
        tpu.yield
      }) : () -> ()
    } else {
    }
    %barrier3A = arith.constant 0 : index
    tpu.barrier barrier_id(%barrier3A)
    %scan3A_30 = arith.constant 0 : i32
    %scan3A_31 = arith.constant 0 : i32
    %scan3A_32 = arith.constant 78 : i32
    %scan3A_33 = arith.addi %scan3A_31, %scan3A_32 : i32
    %scan3A_34 = arith.constant 1 : i32
    scf.for %scan3A_46 = %scan3A_31 to %scan3A_33 step %scan3A_34  : i32 {
      "tpu.region"() ({
        %run_scoped3A_47 = tpu.sem_alloc : memref<!tpu.dma_semaphore, #tpu.memory_space<semaphore_mem>>
        %dma_start3A = arith.constant 0 : i32
        %dma_start3A_48 = tpu.memref_slice %arg4[%scan3A_46, %dma_start3A] : memref<81x128xi32, #tpu.memory_space<vmem>> -> memref<1x128xi32, #tpu.memory_space<vmem>>
        %dma_start3A_49 = tpu.memref_squeeze %dma_start3A_48 : memref<1x128xi32, #tpu.memory_space<vmem>> -> memref<128xi32, #tpu.memory_space<vmem>>
        %dma_start3A_50 = arith.constant 0 : i32
        %dma_start3A_51 = arith.constant 0 : i32
        %dma_start3A_52 = tpu.memref_slice %arg7[%dma_start3A_50, %dma_start3A_51] : memref<10240x16xf32, #tpu.memory_space<vmem_shared>> -> memref<10240x16xf32, #tpu.memory_space<vmem_shared>>
        tpu.enqueue_indirect_dma source(%arg5 : memref<128x16xf32, #tpu.memory_space<vmem>>) target(%dma_start3A_52 : memref<10240x16xf32, #tpu.memory_space<vmem_shared>>) offsets(%dma_start3A_49 : memref<128xi32, #tpu.memory_space<vmem>>) semaphore(%run_scoped3A_47 : memref<!tpu.dma_semaphore, #tpu.memory_space<semaphore_mem>>) {add = true}
        %dma_wait3A = arith.constant 0 : i32
        %dma_wait3A_53 = tpu.memref_slice %arg4[%scan3A_46, %dma_wait3A] : memref<81x128xi32, #tpu.memory_space<vmem>> -> memref<1x128xi32, #tpu.memory_space<vmem>>
        %dma_wait3A_54 = tpu.memref_squeeze %dma_wait3A_53 : memref<1x128xi32, #tpu.memory_space<vmem>> -> memref<128xi32, #tpu.memory_space<vmem>>
        %dma_wait3A_55 = arith.constant 0 : i32
        %dma_wait3A_56 = arith.constant 0 : i32
        %dma_wait3A_57 = tpu.memref_slice %arg7[%dma_wait3A_55, %dma_wait3A_56] : memref<10240x16xf32, #tpu.memory_space<vmem_shared>> -> memref<10240x16xf32, #tpu.memory_space<vmem_shared>>
        tpu.wait_indirect_dma semaphore(%run_scoped3A_47 : memref<!tpu.dma_semaphore, #tpu.memory_space<semaphore_mem>>) src(%arg5 : memref<128x16xf32, #tpu.memory_space<vmem>>) dst(%dma_wait3A_57 : memref<10240x16xf32, #tpu.memory_space<vmem_shared>>)
        tpu.yield
      }) : () -> ()
    }
    %scan3A_35 = arith.constant 78 : i32
    %lt3A_36 = arith.constant 4 : i32
    %lt3A_37 = arith.cmpi slt, %add3A, %lt3A_36 : i32
    %convert_element_type3A_38 = arith.extui %lt3A_37 : i1 to i32
    %cond3A_39 = arith.constant 0 : i32
    %cond3A_40 = arith.cmpi ne, %convert_element_type3A_38, %cond3A_39 : i32
    scf.if %cond3A_40 {
      %run_scoped3A_46 = arith.constant 80 : i32
      "tpu.region"() ({
        %run_scoped3A_47 = tpu.sem_alloc : memref<!tpu.dma_semaphore, #tpu.memory_space<semaphore_mem>>
        %dma_start3A = arith.constant 0 : i32
        %dma_start3A_48 = tpu.memref_slice %arg4[%run_scoped3A_46, %dma_start3A] : memref<81x128xi32, #tpu.memory_space<vmem>> -> memref<1x128xi32, #tpu.memory_space<vmem>>
        %dma_start3A_49 = tpu.memref_squeeze %dma_start3A_48 : memref<1x128xi32, #tpu.memory_space<vmem>> -> memref<128xi32, #tpu.memory_space<vmem>>
        %dma_start3A_50 = arith.constant 0 : i32
        %dma_start3A_51 = arith.constant 0 : i32
        %dma_start3A_52 = tpu.memref_slice %arg7[%dma_start3A_50, %dma_start3A_51] : memref<10240x16xf32, #tpu.memory_space<vmem_shared>> -> memref<10240x16xf32, #tpu.memory_space<vmem_shared>>
        tpu.enqueue_indirect_dma source(%arg5 : memref<128x16xf32, #tpu.memory_space<vmem>>) target(%dma_start3A_52 : memref<10240x16xf32, #tpu.memory_space<vmem_shared>>) offsets(%dma_start3A_49 : memref<128xi32, #tpu.memory_space<vmem>>) semaphore(%run_scoped3A_47 : memref<!tpu.dma_semaphore, #tpu.memory_space<semaphore_mem>>) {add = true}
        %dma_wait3A = arith.constant 0 : i32
        %dma_wait3A_53 = tpu.memref_slice %arg4[%run_scoped3A_46, %dma_wait3A] : memref<81x128xi32, #tpu.memory_space<vmem>> -> memref<1x128xi32, #tpu.memory_space<vmem>>
        %dma_wait3A_54 = tpu.memref_squeeze %dma_wait3A_53 : memref<1x128xi32, #tpu.memory_space<vmem>> -> memref<128xi32, #tpu.memory_space<vmem>>
        %dma_wait3A_55 = arith.constant 0 : i32
        %dma_wait3A_56 = arith.constant 0 : i32
        %dma_wait3A_57 = tpu.memref_slice %arg7[%dma_wait3A_55, %dma_wait3A_56] : memref<10240x16xf32, #tpu.memory_space<vmem_shared>> -> memref<10240x16xf32, #tpu.memory_space<vmem_shared>>
        tpu.wait_indirect_dma semaphore(%run_scoped3A_47 : memref<!tpu.dma_semaphore, #tpu.memory_space<semaphore_mem>>) src(%arg5 : memref<128x16xf32, #tpu.memory_space<vmem>>) dst(%dma_wait3A_57 : memref<10240x16xf32, #tpu.memory_space<vmem_shared>>)
        tpu.yield
      }) : () -> ()
    } else {
    }
    %barrier3A_41 = arith.constant 0 : index
    tpu.barrier barrier_id(%barrier3A_41)
    %mul3A_42 = arith.constant 640 : i32
    %mul3A_43 = arith.muli %arg1, %mul3A_42 : i32
    %mul3A_44 = arith.constant 640 : i32
    %mul3A_45 = arith.muli %arg1, %mul3A_44 : i32
    "tpu.region"() ({
      %run_scoped3A_46 = tpu.sem_alloc : memref<!tpu.dma_semaphore, #tpu.memory_space<semaphore_mem>>
      %dma_start3A = arith.constant 0 : i32
      %dma_start3A_47 = tpu.memref_slice %arg3[%arg0, %mul3A_45, %dma_start3A] : memref<2x10240x16xf32, #tpu.memory_space<hbm>> -> memref<1x640x16xf32, #tpu.memory_space<hbm>>
      %dma_start3A_48 = tpu.memref_squeeze %dma_start3A_47 : memref<1x640x16xf32, #tpu.memory_space<hbm>> -> memref<640x16xf32, #tpu.memory_space<hbm>>
      %dma_start3A_49 = arith.constant 0 : i32
      %dma_start3A_50 = tpu.memref_slice %arg7[%mul3A_43, %dma_start3A_49] : memref<10240x16xf32, #tpu.memory_space<vmem_shared>> -> memref<640x16xf32, #tpu.memory_space<vmem_shared>>
      tpu.enqueue_dma source(%dma_start3A_50 : memref<640x16xf32, #tpu.memory_space<vmem_shared>>) target(%dma_start3A_48 : memref<640x16xf32, #tpu.memory_space<hbm>>) target_semaphore(%run_scoped3A_46 : memref<!tpu.dma_semaphore, #tpu.memory_space<semaphore_mem>>)
      %dma_wait3A = arith.constant 0 : i32
      %dma_wait3A_51 = tpu.memref_slice %arg3[%arg0, %mul3A_45, %dma_wait3A] : memref<2x10240x16xf32, #tpu.memory_space<hbm>> -> memref<1x640x16xf32, #tpu.memory_space<hbm>>
      %dma_wait3A_52 = tpu.memref_squeeze %dma_wait3A_51 : memref<1x640x16xf32, #tpu.memory_space<hbm>> -> memref<640x16xf32, #tpu.memory_space<hbm>>
      %dma_wait3A_53 = arith.constant 0 : i32
      %dma_wait3A_54 = tpu.memref_slice %arg7[%mul3A_43, %dma_wait3A_53] : memref<10240x16xf32, #tpu.memory_space<vmem_shared>> -> memref<640x16xf32, #tpu.memory_space<vmem_shared>>
      tpu.wait_dma2 semaphore(%run_scoped3A_46 : memref<!tpu.dma_semaphore, #tpu.memory_space<semaphore_mem>>) src(%dma_wait3A_54 : memref<640x16xf32, #tpu.memory_space<vmem_shared>>) dst(%dma_wait3A_52 : memref<640x16xf32, #tpu.memory_space<hbm>>)
      tpu.yield
    }) : () -> ()
    return
  }
}

#map = affine_map<(d0, d1) -> (0, 0)>
#map1 = affine_map<(d0, d1) -> (0, 0, 0)>
module attributes {stable_mosaic.version = 14 : i64} {
  func.func @sc_agg(%arg0: i32, %arg1: i32, %arg2: memref<10240x64xf32, #tpu.memory_space<hbm>>, %arg3: memref<2x2500x128xi32, #tpu.memory_space<hbm>>, %arg4: memref<2x10240x64xf32, #tpu.memory_space<hbm>>, %arg5: memref<81x128xi32, #tpu.memory_space<vmem>>, %arg6: memref<81x128xi32, #tpu.memory_space<vmem>>, %arg7: memref<2x128x64xf32, #tpu.memory_space<vmem>>, %arg8: memref<10240x64xf32, #tpu.memory_space<vmem_shared>>, %arg9: memref<10240x64xf32, #tpu.memory_space<vmem_shared>>, %arg10: memref<!tpu.dma_semaphore, #tpu.memory_space<semaphore_mem>>, %arg11: memref<!tpu.dma_semaphore, #tpu.memory_space<semaphore_mem>>) attributes {dimension_semantics = [#tpu.dimension_semantics<core_parallel>, #tpu.dimension_semantics<subcore_parallel>], iteration_bounds = array<i64: 2, 16>, scalar_prefetch = 0 : i64, scratch_operands = 7 : i64, tpu.core_type = #tpu.core_type<sc_vector_subcore>, window_params = [{transform_indices = #map}, {transform_indices = #map1}, {transform_indices = #map1}]} {
    %mul3A = arith.constant 2 : i32
    %mul3A_0 = arith.muli %arg1, %mul3A : i32
    %add3A = arith.addi %mul3A_0, %arg0 : i32
    %scan3A = arith.constant 0 : i32
    %scan3A_1 = arith.constant 0 : i32
    %scan3A_2 = arith.constant 128 : i32
    %scan3A_3 = arith.addi %scan3A_1, %scan3A_2 : i32
    %scan3A_4 = arith.constant 1 : i32
    scf.for %scan3A_58 = %scan3A_1 to %scan3A_3 step %scan3A_4  : i32 {
      %broadcast_in_dim3A = arith.constant 0.000000e+00 : f32
      %broadcast_in_dim3A_59 = vector.broadcast %broadcast_in_dim3A : f32 to vector<16xf32>
      %swap3A = arith.constant 0 : i32
      %swap3A_60 = arith.index_cast %swap3A : i32 to index
      %swap3A_61 = arith.index_cast %scan3A_58 : i32 to index
      %swap3A_62 = arith.constant 0 : index
      %swap3A_63 = tpu.vector_load %arg7[%swap3A_60, %swap3A_61, %swap3A_62] {strides = array<i32>} : memref<2x128x64xf32, #tpu.memory_space<vmem>>, vector<1x1x16xf32>,
      %swap3A_64 = vector.shape_cast %swap3A_63 : vector<1x1x16xf32> to vector<16xf32>
      %swap3A_65 = vector.shape_cast %broadcast_in_dim3A_59 : vector<16xf32> to vector<1x1x16xf32>
      tpu.vector_store %arg7[%swap3A_60, %swap3A_61, %swap3A_62], %swap3A_65 {strides = array<i32>} : memref<2x128x64xf32, #tpu.memory_space<vmem>>, vector<1x1x16xf32>,
      %broadcast_in_dim3A_66 = arith.constant 0.000000e+00 : f32
      %broadcast_in_dim3A_67 = vector.broadcast %broadcast_in_dim3A_66 : f32 to vector<16xf32>
      %swap3A_68 = arith.constant 0 : i32
      %swap3A_69 = arith.index_cast %swap3A_68 : i32 to index
      %swap3A_70 = arith.index_cast %scan3A_58 : i32 to index
      %swap3A_71 = arith.constant 16 : index
      %swap3A_72 = tpu.vector_load %arg7[%swap3A_69, %swap3A_70, %swap3A_71] {strides = array<i32>} : memref<2x128x64xf32, #tpu.memory_space<vmem>>, vector<1x1x16xf32>,
      %swap3A_73 = vector.shape_cast %swap3A_72 : vector<1x1x16xf32> to vector<16xf32>
      %swap3A_74 = vector.shape_cast %broadcast_in_dim3A_67 : vector<16xf32> to vector<1x1x16xf32>
      tpu.vector_store %arg7[%swap3A_69, %swap3A_70, %swap3A_71], %swap3A_74 {strides = array<i32>} : memref<2x128x64xf32, #tpu.memory_space<vmem>>, vector<1x1x16xf32>,
      %broadcast_in_dim3A_75 = arith.constant 0.000000e+00 : f32
      %broadcast_in_dim3A_76 = vector.broadcast %broadcast_in_dim3A_75 : f32 to vector<16xf32>
      %swap3A_77 = arith.constant 0 : i32
      %swap3A_78 = arith.index_cast %swap3A_77 : i32 to index
      %swap3A_79 = arith.index_cast %scan3A_58 : i32 to index
      %swap3A_80 = arith.constant 32 : index
      %swap3A_81 = tpu.vector_load %arg7[%swap3A_78, %swap3A_79, %swap3A_80] {strides = array<i32>} : memref<2x128x64xf32, #tpu.memory_space<vmem>>, vector<1x1x16xf32>,
      %swap3A_82 = vector.shape_cast %swap3A_81 : vector<1x1x16xf32> to vector<16xf32>
      %swap3A_83 = vector.shape_cast %broadcast_in_dim3A_76 : vector<16xf32> to vector<1x1x16xf32>
      tpu.vector_store %arg7[%swap3A_78, %swap3A_79, %swap3A_80], %swap3A_83 {strides = array<i32>} : memref<2x128x64xf32, #tpu.memory_space<vmem>>, vector<1x1x16xf32>,
      %broadcast_in_dim3A_84 = arith.constant 0.000000e+00 : f32
      %broadcast_in_dim3A_85 = vector.broadcast %broadcast_in_dim3A_84 : f32 to vector<16xf32>
      %swap3A_86 = arith.constant 0 : i32
      %swap3A_87 = arith.index_cast %swap3A_86 : i32 to index
      %swap3A_88 = arith.index_cast %scan3A_58 : i32 to index
      %swap3A_89 = arith.constant 48 : index
      %swap3A_90 = tpu.vector_load %arg7[%swap3A_87, %swap3A_88, %swap3A_89] {strides = array<i32>} : memref<2x128x64xf32, #tpu.memory_space<vmem>>, vector<1x1x16xf32>,
      %swap3A_91 = vector.shape_cast %swap3A_90 : vector<1x1x16xf32> to vector<16xf32>
      %swap3A_92 = vector.shape_cast %broadcast_in_dim3A_85 : vector<16xf32> to vector<1x1x16xf32>
      tpu.vector_store %arg7[%swap3A_87, %swap3A_88, %swap3A_89], %swap3A_92 {strides = array<i32>} : memref<2x128x64xf32, #tpu.memory_space<vmem>>, vector<1x1x16xf32>,
    }
    %scan3A_5 = arith.constant 128 : i32
    %mul3A_6 = arith.constant 640 : i32
    %mul3A_7 = arith.muli %arg1, %mul3A_6 : i32
    %add3A_8 = arith.constant 0 : i32
    %add3A_9 = arith.addi %mul3A_7, %add3A_8 : i32
    %run_scoped3A = arith.constant 0 : i32
    "tpu.region"() ({
      %run_scoped3A_58 = tpu.sem_alloc : memref<!tpu.dma_semaphore, #tpu.memory_space<semaphore_mem>>
      %dma_start3A = arith.constant 0 : i32
      %dma_start3A_59 = arith.constant 0 : i32
      %dma_start3A_60 = tpu.memref_slice %arg7[%run_scoped3A, %dma_start3A, %dma_start3A_59] : memref<2x128x64xf32, #tpu.memory_space<vmem>> -> memref<1x128x64xf32, #tpu.memory_space<vmem>>
      %dma_start3A_61 = tpu.memref_squeeze %dma_start3A_60 : memref<1x128x64xf32, #tpu.memory_space<vmem>> -> memref<128x64xf32, #tpu.memory_space<vmem>>
      %dma_start3A_62 = arith.constant 0 : i32
      %dma_start3A_63 = tpu.memref_slice %arg9[%add3A_9, %dma_start3A_62] : memref<10240x64xf32, #tpu.memory_space<vmem_shared>> -> memref<128x64xf32, #tpu.memory_space<vmem_shared>>
      %dma_start3A_64 = arith.constant 0 : i32
      %dma_start3A_65 = tpu.memref_slice %arg9[%add3A_9, %dma_start3A_64] : memref<10240x64xf32, #tpu.memory_space<vmem_shared>> -> memref<128x64xf32, #tpu.memory_space<vmem_shared>>
      %dma_start3A_66 = arith.constant 0 : i32
      %dma_start3A_67 = arith.constant 0 : i32
      %dma_start3A_68 = tpu.memref_slice %arg7[%run_scoped3A, %dma_start3A_66, %dma_start3A_67] : memref<2x128x64xf32, #tpu.memory_space<vmem>> -> memref<1x128x64xf32, #tpu.memory_space<vmem>>
      %dma_start3A_69 = tpu.memref_squeeze %dma_start3A_68 : memref<1x128x64xf32, #tpu.memory_space<vmem>> -> memref<128x64xf32, #tpu.memory_space<vmem>>
      tpu.enqueue_dma source(%dma_start3A_69 : memref<128x64xf32, #tpu.memory_space<vmem>>) target(%dma_start3A_65 : memref<128x64xf32, #tpu.memory_space<vmem_shared>>) target_semaphore(%run_scoped3A_58 : memref<!tpu.dma_semaphore, #tpu.memory_space<semaphore_mem>>)
      %dma_wait3A = arith.constant 0 : i32
      %dma_wait3A_70 = arith.constant 0 : i32
      %dma_wait3A_71 = tpu.memref_slice %arg7[%run_scoped3A, %dma_wait3A, %dma_wait3A_70] : memref<2x128x64xf32, #tpu.memory_space<vmem>> -> memref<1x128x64xf32, #tpu.memory_space<vmem>>
      %dma_wait3A_72 = tpu.memref_squeeze %dma_wait3A_71 : memref<1x128x64xf32, #tpu.memory_space<vmem>> -> memref<128x64xf32, #tpu.memory_space<vmem>>
      %dma_wait3A_73 = arith.constant 0 : i32
      %dma_wait3A_74 = tpu.memref_slice %arg9[%add3A_9, %dma_wait3A_73] : memref<10240x64xf32, #tpu.memory_space<vmem_shared>> -> memref<128x64xf32, #tpu.memory_space<vmem_shared>>
      %dma_wait3A_75 = arith.constant 0 : i32
      %dma_wait3A_76 = tpu.memref_slice %arg9[%add3A_9, %dma_wait3A_75] : memref<10240x64xf32, #tpu.memory_space<vmem_shared>> -> memref<128x64xf32, #tpu.memory_space<vmem_shared>>
      %dma_wait3A_77 = arith.constant 0 : i32
      %dma_wait3A_78 = arith.constant 0 : i32
      %dma_wait3A_79 = tpu.memref_slice %arg7[%run_scoped3A, %dma_wait3A_77, %dma_wait3A_78] : memref<2x128x64xf32, #tpu.memory_space<vmem>> -> memref<1x128x64xf32, #tpu.memory_space<vmem>>
      %dma_wait3A_80 = tpu.memref_squeeze %dma_wait3A_79 : memref<1x128x64xf32, #tpu.memory_space<vmem>> -> memref<128x64xf32, #tpu.memory_space<vmem>>
      tpu.wait_dma2 semaphore(%run_scoped3A_58 : memref<!tpu.dma_semaphore, #tpu.memory_space<semaphore_mem>>) src(%dma_wait3A_80 : memref<128x64xf32, #tpu.memory_space<vmem>>) dst(%dma_wait3A_76 : memref<128x64xf32, #tpu.memory_space<vmem_shared>>)
      tpu.yield
    }) : () -> ()
    %mul3A_10 = arith.constant 640 : i32
    %mul3A_11 = arith.muli %arg1, %mul3A_10 : i32
    %add3A_12 = arith.constant 128 : i32
    %add3A_13 = arith.addi %mul3A_11, %add3A_12 : i32
    %run_scoped3A_14 = arith.constant 0 : i32
    "tpu.region"() ({
      %run_scoped3A_58 = tpu.sem_alloc : memref<!tpu.dma_semaphore, #tpu.memory_space<semaphore_mem>>
      %dma_start3A = arith.constant 0 : i32
      %dma_start3A_59 = arith.constant 0 : i32
      %dma_start3A_60 = tpu.memref_slice %arg7[%run_scoped3A_14, %dma_start3A, %dma_start3A_59] : memref<2x128x64xf32, #tpu.memory_space<vmem>> -> memref<1x128x64xf32, #tpu.memory_space<vmem>>
      %dma_start3A_61 = tpu.memref_squeeze %dma_start3A_60 : memref<1x128x64xf32, #tpu.memory_space<vmem>> -> memref<128x64xf32, #tpu.memory_space<vmem>>
      %dma_start3A_62 = arith.constant 0 : i32
      %dma_start3A_63 = tpu.memref_slice %arg9[%add3A_13, %dma_start3A_62] : memref<10240x64xf32, #tpu.memory_space<vmem_shared>> -> memref<128x64xf32, #tpu.memory_space<vmem_shared>>
      %dma_start3A_64 = arith.constant 0 : i32
      %dma_start3A_65 = tpu.memref_slice %arg9[%add3A_13, %dma_start3A_64] : memref<10240x64xf32, #tpu.memory_space<vmem_shared>> -> memref<128x64xf32, #tpu.memory_space<vmem_shared>>
      %dma_start3A_66 = arith.constant 0 : i32
      %dma_start3A_67 = arith.constant 0 : i32
      %dma_start3A_68 = tpu.memref_slice %arg7[%run_scoped3A_14, %dma_start3A_66, %dma_start3A_67] : memref<2x128x64xf32, #tpu.memory_space<vmem>> -> memref<1x128x64xf32, #tpu.memory_space<vmem>>
      %dma_start3A_69 = tpu.memref_squeeze %dma_start3A_68 : memref<1x128x64xf32, #tpu.memory_space<vmem>> -> memref<128x64xf32, #tpu.memory_space<vmem>>
      tpu.enqueue_dma source(%dma_start3A_69 : memref<128x64xf32, #tpu.memory_space<vmem>>) target(%dma_start3A_65 : memref<128x64xf32, #tpu.memory_space<vmem_shared>>) target_semaphore(%run_scoped3A_58 : memref<!tpu.dma_semaphore, #tpu.memory_space<semaphore_mem>>)
      %dma_wait3A = arith.constant 0 : i32
      %dma_wait3A_70 = arith.constant 0 : i32
      %dma_wait3A_71 = tpu.memref_slice %arg7[%run_scoped3A_14, %dma_wait3A, %dma_wait3A_70] : memref<2x128x64xf32, #tpu.memory_space<vmem>> -> memref<1x128x64xf32, #tpu.memory_space<vmem>>
      %dma_wait3A_72 = tpu.memref_squeeze %dma_wait3A_71 : memref<1x128x64xf32, #tpu.memory_space<vmem>> -> memref<128x64xf32, #tpu.memory_space<vmem>>
      %dma_wait3A_73 = arith.constant 0 : i32
      %dma_wait3A_74 = tpu.memref_slice %arg9[%add3A_13, %dma_wait3A_73] : memref<10240x64xf32, #tpu.memory_space<vmem_shared>> -> memref<128x64xf32, #tpu.memory_space<vmem_shared>>
      %dma_wait3A_75 = arith.constant 0 : i32
      %dma_wait3A_76 = tpu.memref_slice %arg9[%add3A_13, %dma_wait3A_75] : memref<10240x64xf32, #tpu.memory_space<vmem_shared>> -> memref<128x64xf32, #tpu.memory_space<vmem_shared>>
      %dma_wait3A_77 = arith.constant 0 : i32
      %dma_wait3A_78 = arith.constant 0 : i32
      %dma_wait3A_79 = tpu.memref_slice %arg7[%run_scoped3A_14, %dma_wait3A_77, %dma_wait3A_78] : memref<2x128x64xf32, #tpu.memory_space<vmem>> -> memref<1x128x64xf32, #tpu.memory_space<vmem>>
      %dma_wait3A_80 = tpu.memref_squeeze %dma_wait3A_79 : memref<1x128x64xf32, #tpu.memory_space<vmem>> -> memref<128x64xf32, #tpu.memory_space<vmem>>
      tpu.wait_dma2 semaphore(%run_scoped3A_58 : memref<!tpu.dma_semaphore, #tpu.memory_space<semaphore_mem>>) src(%dma_wait3A_80 : memref<128x64xf32, #tpu.memory_space<vmem>>) dst(%dma_wait3A_76 : memref<128x64xf32, #tpu.memory_space<vmem_shared>>)
      tpu.yield
    }) : () -> ()
    %mul3A_15 = arith.constant 640 : i32
    %mul3A_16 = arith.muli %arg1, %mul3A_15 : i32
    %add3A_17 = arith.constant 256 : i32
    %add3A_18 = arith.addi %mul3A_16, %add3A_17 : i32
    %run_scoped3A_19 = arith.constant 0 : i32
    "tpu.region"() ({
      %run_scoped3A_58 = tpu.sem_alloc : memref<!tpu.dma_semaphore, #tpu.memory_space<semaphore_mem>>
      %dma_start3A = arith.constant 0 : i32
      %dma_start3A_59 = arith.constant 0 : i32
      %dma_start3A_60 = tpu.memref_slice %arg7[%run_scoped3A_19, %dma_start3A, %dma_start3A_59] : memref<2x128x64xf32, #tpu.memory_space<vmem>> -> memref<1x128x64xf32, #tpu.memory_space<vmem>>
      %dma_start3A_61 = tpu.memref_squeeze %dma_start3A_60 : memref<1x128x64xf32, #tpu.memory_space<vmem>> -> memref<128x64xf32, #tpu.memory_space<vmem>>
      %dma_start3A_62 = arith.constant 0 : i32
      %dma_start3A_63 = tpu.memref_slice %arg9[%add3A_18, %dma_start3A_62] : memref<10240x64xf32, #tpu.memory_space<vmem_shared>> -> memref<128x64xf32, #tpu.memory_space<vmem_shared>>
      %dma_start3A_64 = arith.constant 0 : i32
      %dma_start3A_65 = tpu.memref_slice %arg9[%add3A_18, %dma_start3A_64] : memref<10240x64xf32, #tpu.memory_space<vmem_shared>> -> memref<128x64xf32, #tpu.memory_space<vmem_shared>>
      %dma_start3A_66 = arith.constant 0 : i32
      %dma_start3A_67 = arith.constant 0 : i32
      %dma_start3A_68 = tpu.memref_slice %arg7[%run_scoped3A_19, %dma_start3A_66, %dma_start3A_67] : memref<2x128x64xf32, #tpu.memory_space<vmem>> -> memref<1x128x64xf32, #tpu.memory_space<vmem>>
      %dma_start3A_69 = tpu.memref_squeeze %dma_start3A_68 : memref<1x128x64xf32, #tpu.memory_space<vmem>> -> memref<128x64xf32, #tpu.memory_space<vmem>>
      tpu.enqueue_dma source(%dma_start3A_69 : memref<128x64xf32, #tpu.memory_space<vmem>>) target(%dma_start3A_65 : memref<128x64xf32, #tpu.memory_space<vmem_shared>>) target_semaphore(%run_scoped3A_58 : memref<!tpu.dma_semaphore, #tpu.memory_space<semaphore_mem>>)
      %dma_wait3A = arith.constant 0 : i32
      %dma_wait3A_70 = arith.constant 0 : i32
      %dma_wait3A_71 = tpu.memref_slice %arg7[%run_scoped3A_19, %dma_wait3A, %dma_wait3A_70] : memref<2x128x64xf32, #tpu.memory_space<vmem>> -> memref<1x128x64xf32, #tpu.memory_space<vmem>>
      %dma_wait3A_72 = tpu.memref_squeeze %dma_wait3A_71 : memref<1x128x64xf32, #tpu.memory_space<vmem>> -> memref<128x64xf32, #tpu.memory_space<vmem>>
      %dma_wait3A_73 = arith.constant 0 : i32
      %dma_wait3A_74 = tpu.memref_slice %arg9[%add3A_18, %dma_wait3A_73] : memref<10240x64xf32, #tpu.memory_space<vmem_shared>> -> memref<128x64xf32, #tpu.memory_space<vmem_shared>>
      %dma_wait3A_75 = arith.constant 0 : i32
      %dma_wait3A_76 = tpu.memref_slice %arg9[%add3A_18, %dma_wait3A_75] : memref<10240x64xf32, #tpu.memory_space<vmem_shared>> -> memref<128x64xf32, #tpu.memory_space<vmem_shared>>
      %dma_wait3A_77 = arith.constant 0 : i32
      %dma_wait3A_78 = arith.constant 0 : i32
      %dma_wait3A_79 = tpu.memref_slice %arg7[%run_scoped3A_19, %dma_wait3A_77, %dma_wait3A_78] : memref<2x128x64xf32, #tpu.memory_space<vmem>> -> memref<1x128x64xf32, #tpu.memory_space<vmem>>
      %dma_wait3A_80 = tpu.memref_squeeze %dma_wait3A_79 : memref<1x128x64xf32, #tpu.memory_space<vmem>> -> memref<128x64xf32, #tpu.memory_space<vmem>>
      tpu.wait_dma2 semaphore(%run_scoped3A_58 : memref<!tpu.dma_semaphore, #tpu.memory_space<semaphore_mem>>) src(%dma_wait3A_80 : memref<128x64xf32, #tpu.memory_space<vmem>>) dst(%dma_wait3A_76 : memref<128x64xf32, #tpu.memory_space<vmem_shared>>)
      tpu.yield
    }) : () -> ()
    %mul3A_20 = arith.constant 640 : i32
    %mul3A_21 = arith.muli %arg1, %mul3A_20 : i32
    %add3A_22 = arith.constant 384 : i32
    %add3A_23 = arith.addi %mul3A_21, %add3A_22 : i32
    %run_scoped3A_24 = arith.constant 0 : i32
    "tpu.region"() ({
      %run_scoped3A_58 = tpu.sem_alloc : memref<!tpu.dma_semaphore, #tpu.memory_space<semaphore_mem>>
      %dma_start3A = arith.constant 0 : i32
      %dma_start3A_59 = arith.constant 0 : i32
      %dma_start3A_60 = tpu.memref_slice %arg7[%run_scoped3A_24, %dma_start3A, %dma_start3A_59] : memref<2x128x64xf32, #tpu.memory_space<vmem>> -> memref<1x128x64xf32, #tpu.memory_space<vmem>>
      %dma_start3A_61 = tpu.memref_squeeze %dma_start3A_60 : memref<1x128x64xf32, #tpu.memory_space<vmem>> -> memref<128x64xf32, #tpu.memory_space<vmem>>
      %dma_start3A_62 = arith.constant 0 : i32
      %dma_start3A_63 = tpu.memref_slice %arg9[%add3A_23, %dma_start3A_62] : memref<10240x64xf32, #tpu.memory_space<vmem_shared>> -> memref<128x64xf32, #tpu.memory_space<vmem_shared>>
      %dma_start3A_64 = arith.constant 0 : i32
      %dma_start3A_65 = tpu.memref_slice %arg9[%add3A_23, %dma_start3A_64] : memref<10240x64xf32, #tpu.memory_space<vmem_shared>> -> memref<128x64xf32, #tpu.memory_space<vmem_shared>>
      %dma_start3A_66 = arith.constant 0 : i32
      %dma_start3A_67 = arith.constant 0 : i32
      %dma_start3A_68 = tpu.memref_slice %arg7[%run_scoped3A_24, %dma_start3A_66, %dma_start3A_67] : memref<2x128x64xf32, #tpu.memory_space<vmem>> -> memref<1x128x64xf32, #tpu.memory_space<vmem>>
      %dma_start3A_69 = tpu.memref_squeeze %dma_start3A_68 : memref<1x128x64xf32, #tpu.memory_space<vmem>> -> memref<128x64xf32, #tpu.memory_space<vmem>>
      tpu.enqueue_dma source(%dma_start3A_69 : memref<128x64xf32, #tpu.memory_space<vmem>>) target(%dma_start3A_65 : memref<128x64xf32, #tpu.memory_space<vmem_shared>>) target_semaphore(%run_scoped3A_58 : memref<!tpu.dma_semaphore, #tpu.memory_space<semaphore_mem>>)
      %dma_wait3A = arith.constant 0 : i32
      %dma_wait3A_70 = arith.constant 0 : i32
      %dma_wait3A_71 = tpu.memref_slice %arg7[%run_scoped3A_24, %dma_wait3A, %dma_wait3A_70] : memref<2x128x64xf32, #tpu.memory_space<vmem>> -> memref<1x128x64xf32, #tpu.memory_space<vmem>>
      %dma_wait3A_72 = tpu.memref_squeeze %dma_wait3A_71 : memref<1x128x64xf32, #tpu.memory_space<vmem>> -> memref<128x64xf32, #tpu.memory_space<vmem>>
      %dma_wait3A_73 = arith.constant 0 : i32
      %dma_wait3A_74 = tpu.memref_slice %arg9[%add3A_23, %dma_wait3A_73] : memref<10240x64xf32, #tpu.memory_space<vmem_shared>> -> memref<128x64xf32, #tpu.memory_space<vmem_shared>>
      %dma_wait3A_75 = arith.constant 0 : i32
      %dma_wait3A_76 = tpu.memref_slice %arg9[%add3A_23, %dma_wait3A_75] : memref<10240x64xf32, #tpu.memory_space<vmem_shared>> -> memref<128x64xf32, #tpu.memory_space<vmem_shared>>
      %dma_wait3A_77 = arith.constant 0 : i32
      %dma_wait3A_78 = arith.constant 0 : i32
      %dma_wait3A_79 = tpu.memref_slice %arg7[%run_scoped3A_24, %dma_wait3A_77, %dma_wait3A_78] : memref<2x128x64xf32, #tpu.memory_space<vmem>> -> memref<1x128x64xf32, #tpu.memory_space<vmem>>
      %dma_wait3A_80 = tpu.memref_squeeze %dma_wait3A_79 : memref<1x128x64xf32, #tpu.memory_space<vmem>> -> memref<128x64xf32, #tpu.memory_space<vmem>>
      tpu.wait_dma2 semaphore(%run_scoped3A_58 : memref<!tpu.dma_semaphore, #tpu.memory_space<semaphore_mem>>) src(%dma_wait3A_80 : memref<128x64xf32, #tpu.memory_space<vmem>>) dst(%dma_wait3A_76 : memref<128x64xf32, #tpu.memory_space<vmem_shared>>)
      tpu.yield
    }) : () -> ()
    %mul3A_25 = arith.constant 640 : i32
    %mul3A_26 = arith.muli %arg1, %mul3A_25 : i32
    %add3A_27 = arith.constant 512 : i32
    %add3A_28 = arith.addi %mul3A_26, %add3A_27 : i32
    %run_scoped3A_29 = arith.constant 0 : i32
    "tpu.region"() ({
      %run_scoped3A_58 = tpu.sem_alloc : memref<!tpu.dma_semaphore, #tpu.memory_space<semaphore_mem>>
      %dma_start3A = arith.constant 0 : i32
      %dma_start3A_59 = arith.constant 0 : i32
      %dma_start3A_60 = tpu.memref_slice %arg7[%run_scoped3A_29, %dma_start3A, %dma_start3A_59] : memref<2x128x64xf32, #tpu.memory_space<vmem>> -> memref<1x128x64xf32, #tpu.memory_space<vmem>>
      %dma_start3A_61 = tpu.memref_squeeze %dma_start3A_60 : memref<1x128x64xf32, #tpu.memory_space<vmem>> -> memref<128x64xf32, #tpu.memory_space<vmem>>
      %dma_start3A_62 = arith.constant 0 : i32
      %dma_start3A_63 = tpu.memref_slice %arg9[%add3A_28, %dma_start3A_62] : memref<10240x64xf32, #tpu.memory_space<vmem_shared>> -> memref<128x64xf32, #tpu.memory_space<vmem_shared>>
      %dma_start3A_64 = arith.constant 0 : i32
      %dma_start3A_65 = tpu.memref_slice %arg9[%add3A_28, %dma_start3A_64] : memref<10240x64xf32, #tpu.memory_space<vmem_shared>> -> memref<128x64xf32, #tpu.memory_space<vmem_shared>>
      %dma_start3A_66 = arith.constant 0 : i32
      %dma_start3A_67 = arith.constant 0 : i32
      %dma_start3A_68 = tpu.memref_slice %arg7[%run_scoped3A_29, %dma_start3A_66, %dma_start3A_67] : memref<2x128x64xf32, #tpu.memory_space<vmem>> -> memref<1x128x64xf32, #tpu.memory_space<vmem>>
      %dma_start3A_69 = tpu.memref_squeeze %dma_start3A_68 : memref<1x128x64xf32, #tpu.memory_space<vmem>> -> memref<128x64xf32, #tpu.memory_space<vmem>>
      tpu.enqueue_dma source(%dma_start3A_69 : memref<128x64xf32, #tpu.memory_space<vmem>>) target(%dma_start3A_65 : memref<128x64xf32, #tpu.memory_space<vmem_shared>>) target_semaphore(%run_scoped3A_58 : memref<!tpu.dma_semaphore, #tpu.memory_space<semaphore_mem>>)
      %dma_wait3A = arith.constant 0 : i32
      %dma_wait3A_70 = arith.constant 0 : i32
      %dma_wait3A_71 = tpu.memref_slice %arg7[%run_scoped3A_29, %dma_wait3A, %dma_wait3A_70] : memref<2x128x64xf32, #tpu.memory_space<vmem>> -> memref<1x128x64xf32, #tpu.memory_space<vmem>>
      %dma_wait3A_72 = tpu.memref_squeeze %dma_wait3A_71 : memref<1x128x64xf32, #tpu.memory_space<vmem>> -> memref<128x64xf32, #tpu.memory_space<vmem>>
      %dma_wait3A_73 = arith.constant 0 : i32
      %dma_wait3A_74 = tpu.memref_slice %arg9[%add3A_28, %dma_wait3A_73] : memref<10240x64xf32, #tpu.memory_space<vmem_shared>> -> memref<128x64xf32, #tpu.memory_space<vmem_shared>>
      %dma_wait3A_75 = arith.constant 0 : i32
      %dma_wait3A_76 = tpu.memref_slice %arg9[%add3A_28, %dma_wait3A_75] : memref<10240x64xf32, #tpu.memory_space<vmem_shared>> -> memref<128x64xf32, #tpu.memory_space<vmem_shared>>
      %dma_wait3A_77 = arith.constant 0 : i32
      %dma_wait3A_78 = arith.constant 0 : i32
      %dma_wait3A_79 = tpu.memref_slice %arg7[%run_scoped3A_29, %dma_wait3A_77, %dma_wait3A_78] : memref<2x128x64xf32, #tpu.memory_space<vmem>> -> memref<1x128x64xf32, #tpu.memory_space<vmem>>
      %dma_wait3A_80 = tpu.memref_squeeze %dma_wait3A_79 : memref<1x128x64xf32, #tpu.memory_space<vmem>> -> memref<128x64xf32, #tpu.memory_space<vmem>>
      tpu.wait_dma2 semaphore(%run_scoped3A_58 : memref<!tpu.dma_semaphore, #tpu.memory_space<semaphore_mem>>) src(%dma_wait3A_80 : memref<128x64xf32, #tpu.memory_space<vmem>>) dst(%dma_wait3A_76 : memref<128x64xf32, #tpu.memory_space<vmem_shared>>)
      tpu.yield
    }) : () -> ()
    %mul3A_30 = arith.constant 640 : i32
    %mul3A_31 = arith.muli %arg1, %mul3A_30 : i32
    %mul3A_32 = arith.constant 640 : i32
    %mul3A_33 = arith.muli %arg1, %mul3A_32 : i32
    "tpu.region"() ({
      %run_scoped3A_58 = tpu.sem_alloc : memref<!tpu.dma_semaphore, #tpu.memory_space<semaphore_mem>>
      %dma_start3A = arith.constant 0 : i32
      %dma_start3A_59 = tpu.memref_slice %arg8[%mul3A_33, %dma_start3A] : memref<10240x64xf32, #tpu.memory_space<vmem_shared>> -> memref<640x64xf32, #tpu.memory_space<vmem_shared>>
      %dma_start3A_60 = arith.constant 0 : i32
      %dma_start3A_61 = tpu.memref_slice %arg2[%mul3A_31, %dma_start3A_60] : memref<10240x64xf32, #tpu.memory_space<hbm>> -> memref<640x64xf32, #tpu.memory_space<hbm>>
      tpu.enqueue_dma source(%dma_start3A_61 : memref<640x64xf32, #tpu.memory_space<hbm>>) target(%dma_start3A_59 : memref<640x64xf32, #tpu.memory_space<vmem_shared>>) target_semaphore(%run_scoped3A_58 : memref<!tpu.dma_semaphore, #tpu.memory_space<semaphore_mem>>)
      %dma_wait3A = arith.constant 0 : i32
      %dma_wait3A_62 = tpu.memref_slice %arg8[%mul3A_33, %dma_wait3A] : memref<10240x64xf32, #tpu.memory_space<vmem_shared>> -> memref<640x64xf32, #tpu.memory_space<vmem_shared>>
      %dma_wait3A_63 = arith.constant 0 : i32
      %dma_wait3A_64 = tpu.memref_slice %arg2[%mul3A_31, %dma_wait3A_63] : memref<10240x64xf32, #tpu.memory_space<hbm>> -> memref<640x64xf32, #tpu.memory_space<hbm>>
      tpu.wait_dma2 semaphore(%run_scoped3A_58 : memref<!tpu.dma_semaphore, #tpu.memory_space<semaphore_mem>>) src(%dma_wait3A_64 : memref<640x64xf32, #tpu.memory_space<hbm>>) dst(%dma_wait3A_62 : memref<640x64xf32, #tpu.memory_space<vmem_shared>>)
      tpu.yield
    }) : () -> ()
    %mul3A_34 = arith.constant 78 : i32
    %mul3A_35 = arith.muli %add3A, %mul3A_34 : i32
    %run_scoped3A_36 = arith.constant 0 : i32
    "tpu.region"() ({
      %run_scoped3A_58 = tpu.sem_alloc : memref<!tpu.dma_semaphore, #tpu.memory_space<semaphore_mem>>
      %dma_start3A = arith.constant 0 : i32
      %dma_start3A_59 = arith.constant 0 : i32
      %dma_start3A_60 = tpu.memref_slice %arg5[%dma_start3A, %dma_start3A_59] : memref<81x128xi32, #tpu.memory_space<vmem>> -> memref<78x128xi32, #tpu.memory_space<vmem>>
      %dma_start3A_61 = arith.constant 0 : i32
      %dma_start3A_62 = tpu.memref_slice %arg3[%run_scoped3A_36, %mul3A_35, %dma_start3A_61] : memref<2x2500x128xi32, #tpu.memory_space<hbm>> -> memref<1x78x128xi32, #tpu.memory_space<hbm>>
      %dma_start3A_63 = tpu.memref_squeeze %dma_start3A_62 : memref<1x78x128xi32, #tpu.memory_space<hbm>> -> memref<78x128xi32, #tpu.memory_space<hbm>>
      %dma_start3A_64 = arith.constant 0 : i32
      %dma_start3A_65 = arith.constant 0 : i32
      %dma_start3A_66 = tpu.memref_slice %arg5[%dma_start3A_64, %dma_start3A_65] : memref<81x128xi32, #tpu.memory_space<vmem>> -> memref<78x128xi32, #tpu.memory_space<vmem>>
      %dma_start3A_67 = arith.constant 0 : i32
      %dma_start3A_68 = tpu.memref_slice %arg3[%run_scoped3A_36, %mul3A_35, %dma_start3A_67] : memref<2x2500x128xi32, #tpu.memory_space<hbm>> -> memref<1x78x128xi32, #tpu.memory_space<hbm>>
      %dma_start3A_69 = tpu.memref_squeeze %dma_start3A_68 : memref<1x78x128xi32, #tpu.memory_space<hbm>> -> memref<78x128xi32, #tpu.memory_space<hbm>>
      tpu.enqueue_dma source(%dma_start3A_69 : memref<78x128xi32, #tpu.memory_space<hbm>>) target(%dma_start3A_66 : memref<78x128xi32, #tpu.memory_space<vmem>>) target_semaphore(%run_scoped3A_58 : memref<!tpu.dma_semaphore, #tpu.memory_space<semaphore_mem>>)
      %dma_wait3A = arith.constant 0 : i32
      %dma_wait3A_70 = arith.constant 0 : i32
      %dma_wait3A_71 = tpu.memref_slice %arg5[%dma_wait3A, %dma_wait3A_70] : memref<81x128xi32, #tpu.memory_space<vmem>> -> memref<78x128xi32, #tpu.memory_space<vmem>>
      %dma_wait3A_72 = arith.constant 0 : i32
      %dma_wait3A_73 = tpu.memref_slice %arg3[%run_scoped3A_36, %mul3A_35, %dma_wait3A_72] : memref<2x2500x128xi32, #tpu.memory_space<hbm>> -> memref<1x78x128xi32, #tpu.memory_space<hbm>>
      %dma_wait3A_74 = tpu.memref_squeeze %dma_wait3A_73 : memref<1x78x128xi32, #tpu.memory_space<hbm>> -> memref<78x128xi32, #tpu.memory_space<hbm>>
      %dma_wait3A_75 = arith.constant 0 : i32
      %dma_wait3A_76 = arith.constant 0 : i32
      %dma_wait3A_77 = tpu.memref_slice %arg5[%dma_wait3A_75, %dma_wait3A_76] : memref<81x128xi32, #tpu.memory_space<vmem>> -> memref<78x128xi32, #tpu.memory_space<vmem>>
      %dma_wait3A_78 = arith.constant 0 : i32
      %dma_wait3A_79 = tpu.memref_slice %arg3[%run_scoped3A_36, %mul3A_35, %dma_wait3A_78] : memref<2x2500x128xi32, #tpu.memory_space<hbm>> -> memref<1x78x128xi32, #tpu.memory_space<hbm>>
      %dma_wait3A_80 = tpu.memref_squeeze %dma_wait3A_79 : memref<1x78x128xi32, #tpu.memory_space<hbm>> -> memref<78x128xi32, #tpu.memory_space<hbm>>
      tpu.wait_dma2 semaphore(%run_scoped3A_58 : memref<!tpu.dma_semaphore, #tpu.memory_space<semaphore_mem>>) src(%dma_wait3A_80 : memref<78x128xi32, #tpu.memory_space<hbm>>) dst(%dma_wait3A_77 : memref<78x128xi32, #tpu.memory_space<vmem>>)
      tpu.yield
    }) : () -> ()
    %mul3A_37 = arith.constant 78 : i32
    %mul3A_38 = arith.muli %add3A, %mul3A_37 : i32
    %run_scoped3A_39 = arith.constant 1 : i32
    "tpu.region"() ({
      %run_scoped3A_58 = tpu.sem_alloc : memref<!tpu.dma_semaphore, #tpu.memory_space<semaphore_mem>>
      %dma_start3A = arith.constant 0 : i32
      %dma_start3A_59 = arith.constant 0 : i32
      %dma_start3A_60 = tpu.memref_slice %arg6[%dma_start3A, %dma_start3A_59] : memref<81x128xi32, #tpu.memory_space<vmem>> -> memref<78x128xi32, #tpu.memory_space<vmem>>
      %dma_start3A_61 = arith.constant 0 : i32
      %dma_start3A_62 = tpu.memref_slice %arg3[%run_scoped3A_39, %mul3A_38, %dma_start3A_61] : memref<2x2500x128xi32, #tpu.memory_space<hbm>> -> memref<1x78x128xi32, #tpu.memory_space<hbm>>
      %dma_start3A_63 = tpu.memref_squeeze %dma_start3A_62 : memref<1x78x128xi32, #tpu.memory_space<hbm>> -> memref<78x128xi32, #tpu.memory_space<hbm>>
      %dma_start3A_64 = arith.constant 0 : i32
      %dma_start3A_65 = arith.constant 0 : i32
      %dma_start3A_66 = tpu.memref_slice %arg6[%dma_start3A_64, %dma_start3A_65] : memref<81x128xi32, #tpu.memory_space<vmem>> -> memref<78x128xi32, #tpu.memory_space<vmem>>
      %dma_start3A_67 = arith.constant 0 : i32
      %dma_start3A_68 = tpu.memref_slice %arg3[%run_scoped3A_39, %mul3A_38, %dma_start3A_67] : memref<2x2500x128xi32, #tpu.memory_space<hbm>> -> memref<1x78x128xi32, #tpu.memory_space<hbm>>
      %dma_start3A_69 = tpu.memref_squeeze %dma_start3A_68 : memref<1x78x128xi32, #tpu.memory_space<hbm>> -> memref<78x128xi32, #tpu.memory_space<hbm>>
      tpu.enqueue_dma source(%dma_start3A_69 : memref<78x128xi32, #tpu.memory_space<hbm>>) target(%dma_start3A_66 : memref<78x128xi32, #tpu.memory_space<vmem>>) target_semaphore(%run_scoped3A_58 : memref<!tpu.dma_semaphore, #tpu.memory_space<semaphore_mem>>)
      %dma_wait3A = arith.constant 0 : i32
      %dma_wait3A_70 = arith.constant 0 : i32
      %dma_wait3A_71 = tpu.memref_slice %arg6[%dma_wait3A, %dma_wait3A_70] : memref<81x128xi32, #tpu.memory_space<vmem>> -> memref<78x128xi32, #tpu.memory_space<vmem>>
      %dma_wait3A_72 = arith.constant 0 : i32
      %dma_wait3A_73 = tpu.memref_slice %arg3[%run_scoped3A_39, %mul3A_38, %dma_wait3A_72] : memref<2x2500x128xi32, #tpu.memory_space<hbm>> -> memref<1x78x128xi32, #tpu.memory_space<hbm>>
      %dma_wait3A_74 = tpu.memref_squeeze %dma_wait3A_73 : memref<1x78x128xi32, #tpu.memory_space<hbm>> -> memref<78x128xi32, #tpu.memory_space<hbm>>
      %dma_wait3A_75 = arith.constant 0 : i32
      %dma_wait3A_76 = arith.constant 0 : i32
      %dma_wait3A_77 = tpu.memref_slice %arg6[%dma_wait3A_75, %dma_wait3A_76] : memref<81x128xi32, #tpu.memory_space<vmem>> -> memref<78x128xi32, #tpu.memory_space<vmem>>
      %dma_wait3A_78 = arith.constant 0 : i32
      %dma_wait3A_79 = tpu.memref_slice %arg3[%run_scoped3A_39, %mul3A_38, %dma_wait3A_78] : memref<2x2500x128xi32, #tpu.memory_space<hbm>> -> memref<1x78x128xi32, #tpu.memory_space<hbm>>
      %dma_wait3A_80 = tpu.memref_squeeze %dma_wait3A_79 : memref<1x78x128xi32, #tpu.memory_space<hbm>> -> memref<78x128xi32, #tpu.memory_space<hbm>>
      tpu.wait_dma2 semaphore(%run_scoped3A_58 : memref<!tpu.dma_semaphore, #tpu.memory_space<semaphore_mem>>) src(%dma_wait3A_80 : memref<78x128xi32, #tpu.memory_space<hbm>>) dst(%dma_wait3A_77 : memref<78x128xi32, #tpu.memory_space<vmem>>)
      tpu.yield
    }) : () -> ()
    %lt3A = arith.constant 4 : i32
    %lt3A_40 = arith.cmpi slt, %add3A, %lt3A : i32
    %convert_element_type3A = arith.extui %lt3A_40 : i1 to i32
    %cond3A = arith.constant 0 : i32
    %cond3A_41 = arith.cmpi ne, %convert_element_type3A, %cond3A : i32
    scf.if %cond3A_41 {
      %add3A_58 = arith.constant 2496 : i32
      %add3A_59 = arith.addi %add3A_58, %add3A : i32
      %run_scoped3A_60 = arith.constant 0 : i32
      "tpu.region"() ({
        %run_scoped3A_64 = tpu.sem_alloc : memref<!tpu.dma_semaphore, #tpu.memory_space<semaphore_mem>>
        %dma_start3A = arith.constant 80 : i32
        %dma_start3A_65 = arith.constant 0 : i32
        %dma_start3A_66 = tpu.memref_slice %arg5[%dma_start3A, %dma_start3A_65] : memref<81x128xi32, #tpu.memory_space<vmem>> -> memref<1x128xi32, #tpu.memory_space<vmem>>
        %dma_start3A_67 = arith.constant 0 : i32
        %dma_start3A_68 = tpu.memref_slice %arg3[%run_scoped3A_60, %add3A_59, %dma_start3A_67] : memref<2x2500x128xi32, #tpu.memory_space<hbm>> -> memref<1x1x128xi32, #tpu.memory_space<hbm>>
        %dma_start3A_69 = tpu.memref_squeeze %dma_start3A_68 : memref<1x1x128xi32, #tpu.memory_space<hbm>> -> memref<1x128xi32, #tpu.memory_space<hbm>>
        %dma_start3A_70 = arith.constant 80 : i32
        %dma_start3A_71 = arith.constant 0 : i32
        %dma_start3A_72 = tpu.memref_slice %arg5[%dma_start3A_70, %dma_start3A_71] : memref<81x128xi32, #tpu.memory_space<vmem>> -> memref<1x128xi32, #tpu.memory_space<vmem>>
        %dma_start3A_73 = arith.constant 0 : i32
        %dma_start3A_74 = tpu.memref_slice %arg3[%run_scoped3A_60, %add3A_59, %dma_start3A_73] : memref<2x2500x128xi32, #tpu.memory_space<hbm>> -> memref<1x1x128xi32, #tpu.memory_space<hbm>>
        %dma_start3A_75 = tpu.memref_squeeze %dma_start3A_74 : memref<1x1x128xi32, #tpu.memory_space<hbm>> -> memref<1x128xi32, #tpu.memory_space<hbm>>
        tpu.enqueue_dma source(%dma_start3A_75 : memref<1x128xi32, #tpu.memory_space<hbm>>) target(%dma_start3A_72 : memref<1x128xi32, #tpu.memory_space<vmem>>) target_semaphore(%run_scoped3A_64 : memref<!tpu.dma_semaphore, #tpu.memory_space<semaphore_mem>>)
        %dma_wait3A = arith.constant 80 : i32
        %dma_wait3A_76 = arith.constant 0 : i32
        %dma_wait3A_77 = tpu.memref_slice %arg5[%dma_wait3A, %dma_wait3A_76] : memref<81x128xi32, #tpu.memory_space<vmem>> -> memref<1x128xi32, #tpu.memory_space<vmem>>
        %dma_wait3A_78 = arith.constant 0 : i32
        %dma_wait3A_79 = tpu.memref_slice %arg3[%run_scoped3A_60, %add3A_59, %dma_wait3A_78] : memref<2x2500x128xi32, #tpu.memory_space<hbm>> -> memref<1x1x128xi32, #tpu.memory_space<hbm>>
        %dma_wait3A_80 = tpu.memref_squeeze %dma_wait3A_79 : memref<1x1x128xi32, #tpu.memory_space<hbm>> -> memref<1x128xi32, #tpu.memory_space<hbm>>
        %dma_wait3A_81 = arith.constant 80 : i32
        %dma_wait3A_82 = arith.constant 0 : i32
        %dma_wait3A_83 = tpu.memref_slice %arg5[%dma_wait3A_81, %dma_wait3A_82] : memref<81x128xi32, #tpu.memory_space<vmem>> -> memref<1x128xi32, #tpu.memory_space<vmem>>
        %dma_wait3A_84 = arith.constant 0 : i32
        %dma_wait3A_85 = tpu.memref_slice %arg3[%run_scoped3A_60, %add3A_59, %dma_wait3A_84] : memref<2x2500x128xi32, #tpu.memory_space<hbm>> -> memref<1x1x128xi32, #tpu.memory_space<hbm>>
        %dma_wait3A_86 = tpu.memref_squeeze %dma_wait3A_85 : memref<1x1x128xi32, #tpu.memory_space<hbm>> -> memref<1x128xi32, #tpu.memory_space<hbm>>
        tpu.wait_dma2 semaphore(%run_scoped3A_64 : memref<!tpu.dma_semaphore, #tpu.memory_space<semaphore_mem>>) src(%dma_wait3A_86 : memref<1x128xi32, #tpu.memory_space<hbm>>) dst(%dma_wait3A_83 : memref<1x128xi32, #tpu.memory_space<vmem>>)
        tpu.yield
      }) : () -> ()
      %add3A_61 = arith.constant 2496 : i32
      %add3A_62 = arith.addi %add3A_61, %add3A : i32
      %run_scoped3A_63 = arith.constant 1 : i32
      "tpu.region"() ({
        %run_scoped3A_64 = tpu.sem_alloc : memref<!tpu.dma_semaphore, #tpu.memory_space<semaphore_mem>>
        %dma_start3A = arith.constant 80 : i32
        %dma_start3A_65 = arith.constant 0 : i32
        %dma_start3A_66 = tpu.memref_slice %arg6[%dma_start3A, %dma_start3A_65] : memref<81x128xi32, #tpu.memory_space<vmem>> -> memref<1x128xi32, #tpu.memory_space<vmem>>
        %dma_start3A_67 = arith.constant 0 : i32
        %dma_start3A_68 = tpu.memref_slice %arg3[%run_scoped3A_63, %add3A_62, %dma_start3A_67] : memref<2x2500x128xi32, #tpu.memory_space<hbm>> -> memref<1x1x128xi32, #tpu.memory_space<hbm>>
        %dma_start3A_69 = tpu.memref_squeeze %dma_start3A_68 : memref<1x1x128xi32, #tpu.memory_space<hbm>> -> memref<1x128xi32, #tpu.memory_space<hbm>>
        %dma_start3A_70 = arith.constant 80 : i32
        %dma_start3A_71 = arith.constant 0 : i32
        %dma_start3A_72 = tpu.memref_slice %arg6[%dma_start3A_70, %dma_start3A_71] : memref<81x128xi32, #tpu.memory_space<vmem>> -> memref<1x128xi32, #tpu.memory_space<vmem>>
        %dma_start3A_73 = arith.constant 0 : i32
        %dma_start3A_74 = tpu.memref_slice %arg3[%run_scoped3A_63, %add3A_62, %dma_start3A_73] : memref<2x2500x128xi32, #tpu.memory_space<hbm>> -> memref<1x1x128xi32, #tpu.memory_space<hbm>>
        %dma_start3A_75 = tpu.memref_squeeze %dma_start3A_74 : memref<1x1x128xi32, #tpu.memory_space<hbm>> -> memref<1x128xi32, #tpu.memory_space<hbm>>
        tpu.enqueue_dma source(%dma_start3A_75 : memref<1x128xi32, #tpu.memory_space<hbm>>) target(%dma_start3A_72 : memref<1x128xi32, #tpu.memory_space<vmem>>) target_semaphore(%run_scoped3A_64 : memref<!tpu.dma_semaphore, #tpu.memory_space<semaphore_mem>>)
        %dma_wait3A = arith.constant 80 : i32
        %dma_wait3A_76 = arith.constant 0 : i32
        %dma_wait3A_77 = tpu.memref_slice %arg6[%dma_wait3A, %dma_wait3A_76] : memref<81x128xi32, #tpu.memory_space<vmem>> -> memref<1x128xi32, #tpu.memory_space<vmem>>
        %dma_wait3A_78 = arith.constant 0 : i32
        %dma_wait3A_79 = tpu.memref_slice %arg3[%run_scoped3A_63, %add3A_62, %dma_wait3A_78] : memref<2x2500x128xi32, #tpu.memory_space<hbm>> -> memref<1x1x128xi32, #tpu.memory_space<hbm>>
        %dma_wait3A_80 = tpu.memref_squeeze %dma_wait3A_79 : memref<1x1x128xi32, #tpu.memory_space<hbm>> -> memref<1x128xi32, #tpu.memory_space<hbm>>
        %dma_wait3A_81 = arith.constant 80 : i32
        %dma_wait3A_82 = arith.constant 0 : i32
        %dma_wait3A_83 = tpu.memref_slice %arg6[%dma_wait3A_81, %dma_wait3A_82] : memref<81x128xi32, #tpu.memory_space<vmem>> -> memref<1x128xi32, #tpu.memory_space<vmem>>
        %dma_wait3A_84 = arith.constant 0 : i32
        %dma_wait3A_85 = tpu.memref_slice %arg3[%run_scoped3A_63, %add3A_62, %dma_wait3A_84] : memref<2x2500x128xi32, #tpu.memory_space<hbm>> -> memref<1x1x128xi32, #tpu.memory_space<hbm>>
        %dma_wait3A_86 = tpu.memref_squeeze %dma_wait3A_85 : memref<1x1x128xi32, #tpu.memory_space<hbm>> -> memref<1x128xi32, #tpu.memory_space<hbm>>
        tpu.wait_dma2 semaphore(%run_scoped3A_64 : memref<!tpu.dma_semaphore, #tpu.memory_space<semaphore_mem>>) src(%dma_wait3A_86 : memref<1x128xi32, #tpu.memory_space<hbm>>) dst(%dma_wait3A_83 : memref<1x128xi32, #tpu.memory_space<vmem>>)
        tpu.yield
      }) : () -> ()
    } else {
    }
    %barrier3A = arith.constant 0 : index
    tpu.barrier barrier_id(%barrier3A)
    %scan3A_42 = arith.constant 0 : i32
    %scan3A_43 = arith.constant 0 : i32
    %scan3A_44 = arith.constant 39 : i32
    %scan3A_45 = arith.addi %scan3A_43, %scan3A_44 : i32
    %scan3A_46 = arith.constant 1 : i32
    scf.for %scan3A_58 = %scan3A_43 to %scan3A_45 step %scan3A_46  : i32 {
      %mul3A_59 = arith.constant 2 : i32
      %mul3A_60 = arith.muli %scan3A_58, %mul3A_59 : i32
      %add3A_61 = arith.constant 0 : i32
      %add3A_62 = arith.addi %mul3A_60, %add3A_61 : i32
      %dma_start3A = arith.constant 0 : i32
      %dma_start3A_63 = arith.constant 0 : i32
      %dma_start3A_64 = arith.constant 0 : i32
      %dma_start3A_65 = tpu.memref_slice %arg7[%dma_start3A, %dma_start3A_63, %dma_start3A_64] : memref<2x128x64xf32, #tpu.memory_space<vmem>> -> memref<1x128x64xf32, #tpu.memory_space<vmem>>
      %dma_start3A_66 = tpu.memref_squeeze %dma_start3A_65 : memref<1x128x64xf32, #tpu.memory_space<vmem>> -> memref<128x64xf32, #tpu.memory_space<vmem>>
      %dma_start3A_67 = arith.constant 0 : i32
      %dma_start3A_68 = tpu.memref_slice %arg5[%add3A_62, %dma_start3A_67] : memref<81x128xi32, #tpu.memory_space<vmem>> -> memref<1x128xi32, #tpu.memory_space<vmem>>
      %dma_start3A_69 = tpu.memref_squeeze %dma_start3A_68 : memref<1x128xi32, #tpu.memory_space<vmem>> -> memref<128xi32, #tpu.memory_space<vmem>>
      %dma_start3A_70 = arith.constant 0 : i32
      %dma_start3A_71 = arith.constant 0 : i32
      %dma_start3A_72 = tpu.memref_slice %arg8[%dma_start3A_70, %dma_start3A_71] : memref<10240x64xf32, #tpu.memory_space<vmem_shared>> -> memref<10240x64xf32, #tpu.memory_space<vmem_shared>>
      tpu.enqueue_indirect_dma source(%dma_start3A_72 : memref<10240x64xf32, #tpu.memory_space<vmem_shared>>) target(%dma_start3A_66 : memref<128x64xf32, #tpu.memory_space<vmem>>) offsets(%dma_start3A_69 : memref<128xi32, #tpu.memory_space<vmem>>) semaphore(%arg10 : memref<!tpu.dma_semaphore, #tpu.memory_space<semaphore_mem>>)
      %add3A_73 = arith.constant 1 : i32
      %add3A_74 = arith.addi %mul3A_60, %add3A_73 : i32
      %dma_start3A_75 = arith.constant 1 : i32
      %dma_start3A_76 = arith.constant 0 : i32
      %dma_start3A_77 = arith.constant 0 : i32
      %dma_start3A_78 = tpu.memref_slice %arg7[%dma_start3A_75, %dma_start3A_76, %dma_start3A_77] : memref<2x128x64xf32, #tpu.memory_space<vmem>> -> memref<1x128x64xf32, #tpu.memory_space<vmem>>
      %dma_start3A_79 = tpu.memref_squeeze %dma_start3A_78 : memref<1x128x64xf32, #tpu.memory_space<vmem>> -> memref<128x64xf32, #tpu.memory_space<vmem>>
      %dma_start3A_80 = arith.constant 0 : i32
      %dma_start3A_81 = tpu.memref_slice %arg5[%add3A_74, %dma_start3A_80] : memref<81x128xi32, #tpu.memory_space<vmem>> -> memref<1x128xi32, #tpu.memory_space<vmem>>
      %dma_start3A_82 = tpu.memref_squeeze %dma_start3A_81 : memref<1x128xi32, #tpu.memory_space<vmem>> -> memref<128xi32, #tpu.memory_space<vmem>>
      %dma_start3A_83 = arith.constant 0 : i32
      %dma_start3A_84 = arith.constant 0 : i32
      %dma_start3A_85 = tpu.memref_slice %arg8[%dma_start3A_83, %dma_start3A_84] : memref<10240x64xf32, #tpu.memory_space<vmem_shared>> -> memref<10240x64xf32, #tpu.memory_space<vmem_shared>>
      tpu.enqueue_indirect_dma source(%dma_start3A_85 : memref<10240x64xf32, #tpu.memory_space<vmem_shared>>) target(%dma_start3A_79 : memref<128x64xf32, #tpu.memory_space<vmem>>) offsets(%dma_start3A_82 : memref<128xi32, #tpu.memory_space<vmem>>) semaphore(%arg10 : memref<!tpu.dma_semaphore, #tpu.memory_space<semaphore_mem>>)
      %dma_wait3A = arith.constant 0 : i32
      %dma_wait3A_86 = arith.constant 0 : i32
      %dma_wait3A_87 = arith.constant 0 : i32
      %dma_wait3A_88 = tpu.memref_slice %arg7[%dma_wait3A, %dma_wait3A_86, %dma_wait3A_87] : memref<2x128x64xf32, #tpu.memory_space<vmem>> -> memref<1x128x64xf32, #tpu.memory_space<vmem>>
      %dma_wait3A_89 = tpu.memref_squeeze %dma_wait3A_88 : memref<1x128x64xf32, #tpu.memory_space<vmem>> -> memref<128x64xf32, #tpu.memory_space<vmem>>
      %dma_wait3A_90 = arith.constant 0 : i32
      %dma_wait3A_91 = tpu.memref_slice %arg5[%add3A_62, %dma_wait3A_90] : memref<81x128xi32, #tpu.memory_space<vmem>> -> memref<1x128xi32, #tpu.memory_space<vmem>>
      %dma_wait3A_92 = tpu.memref_squeeze %dma_wait3A_91 : memref<1x128xi32, #tpu.memory_space<vmem>> -> memref<128xi32, #tpu.memory_space<vmem>>
      %dma_wait3A_93 = arith.constant 0 : i32
      %dma_wait3A_94 = arith.constant 0 : i32
      %dma_wait3A_95 = tpu.memref_slice %arg8[%dma_wait3A_93, %dma_wait3A_94] : memref<10240x64xf32, #tpu.memory_space<vmem_shared>> -> memref<10240x64xf32, #tpu.memory_space<vmem_shared>>
      tpu.wait_indirect_dma semaphore(%arg10 : memref<!tpu.dma_semaphore, #tpu.memory_space<semaphore_mem>>) src(%dma_wait3A_95 : memref<10240x64xf32, #tpu.memory_space<vmem_shared>>) dst(%dma_wait3A_89 : memref<128x64xf32, #tpu.memory_space<vmem>>)
      %dma_wait3A_96 = arith.constant 1 : i32
      %dma_wait3A_97 = arith.constant 0 : i32
      %dma_wait3A_98 = arith.constant 0 : i32
      %dma_wait3A_99 = tpu.memref_slice %arg7[%dma_wait3A_96, %dma_wait3A_97, %dma_wait3A_98] : memref<2x128x64xf32, #tpu.memory_space<vmem>> -> memref<1x128x64xf32, #tpu.memory_space<vmem>>
      %dma_wait3A_100 = tpu.memref_squeeze %dma_wait3A_99 : memref<1x128x64xf32, #tpu.memory_space<vmem>> -> memref<128x64xf32, #tpu.memory_space<vmem>>
      %dma_wait3A_101 = arith.constant 0 : i32
      %dma_wait3A_102 = tpu.memref_slice %arg5[%add3A_74, %dma_wait3A_101] : memref<81x128xi32, #tpu.memory_space<vmem>> -> memref<1x128xi32, #tpu.memory_space<vmem>>
      %dma_wait3A_103 = tpu.memref_squeeze %dma_wait3A_102 : memref<1x128xi32, #tpu.memory_space<vmem>> -> memref<128xi32, #tpu.memory_space<vmem>>
      %dma_wait3A_104 = arith.constant 0 : i32
      %dma_wait3A_105 = arith.constant 0 : i32
      %dma_wait3A_106 = tpu.memref_slice %arg8[%dma_wait3A_104, %dma_wait3A_105] : memref<10240x64xf32, #tpu.memory_space<vmem_shared>> -> memref<10240x64xf32, #tpu.memory_space<vmem_shared>>
      tpu.wait_indirect_dma semaphore(%arg10 : memref<!tpu.dma_semaphore, #tpu.memory_space<semaphore_mem>>) src(%dma_wait3A_106 : memref<10240x64xf32, #tpu.memory_space<vmem_shared>>) dst(%dma_wait3A_100 : memref<128x64xf32, #tpu.memory_space<vmem>>)
      %add3A_107 = arith.constant 0 : i32
      %add3A_108 = arith.addi %mul3A_60, %add3A_107 : i32
      %dma_start3A_109 = arith.constant 0 : i32
      %dma_start3A_110 = arith.constant 0 : i32
      %dma_start3A_111 = arith.constant 0 : i32
      %dma_start3A_112 = tpu.memref_slice %arg7[%dma_start3A_109, %dma_start3A_110, %dma_start3A_111] : memref<2x128x64xf32, #tpu.memory_space<vmem>> -> memref<1x128x64xf32, #tpu.memory_space<vmem>>
      %dma_start3A_113 = tpu.memref_squeeze %dma_start3A_112 : memref<1x128x64xf32, #tpu.memory_space<vmem>> -> memref<128x64xf32, #tpu.memory_space<vmem>>
      %dma_start3A_114 = arith.constant 0 : i32
      %dma_start3A_115 = tpu.memref_slice %arg6[%add3A_108, %dma_start3A_114] : memref<81x128xi32, #tpu.memory_space<vmem>> -> memref<1x128xi32, #tpu.memory_space<vmem>>
      %dma_start3A_116 = tpu.memref_squeeze %dma_start3A_115 : memref<1x128xi32, #tpu.memory_space<vmem>> -> memref<128xi32, #tpu.memory_space<vmem>>
      %dma_start3A_117 = arith.constant 0 : i32
      %dma_start3A_118 = arith.constant 0 : i32
      %dma_start3A_119 = tpu.memref_slice %arg9[%dma_start3A_117, %dma_start3A_118] : memref<10240x64xf32, #tpu.memory_space<vmem_shared>> -> memref<10240x64xf32, #tpu.memory_space<vmem_shared>>
      tpu.enqueue_indirect_dma source(%dma_start3A_113 : memref<128x64xf32, #tpu.memory_space<vmem>>) target(%dma_start3A_119 : memref<10240x64xf32, #tpu.memory_space<vmem_shared>>) offsets(%dma_start3A_116 : memref<128xi32, #tpu.memory_space<vmem>>) semaphore(%arg11 : memref<!tpu.dma_semaphore, #tpu.memory_space<semaphore_mem>>) {add = true}
      %add3A_120 = arith.constant 1 : i32
      %add3A_121 = arith.addi %mul3A_60, %add3A_120 : i32
      %dma_start3A_122 = arith.constant 1 : i32
      %dma_start3A_123 = arith.constant 0 : i32
      %dma_start3A_124 = arith.constant 0 : i32
      %dma_start3A_125 = tpu.memref_slice %arg7[%dma_start3A_122, %dma_start3A_123, %dma_start3A_124] : memref<2x128x64xf32, #tpu.memory_space<vmem>> -> memref<1x128x64xf32, #tpu.memory_space<vmem>>
      %dma_start3A_126 = tpu.memref_squeeze %dma_start3A_125 : memref<1x128x64xf32, #tpu.memory_space<vmem>> -> memref<128x64xf32, #tpu.memory_space<vmem>>
      %dma_start3A_127 = arith.constant 0 : i32
      %dma_start3A_128 = tpu.memref_slice %arg6[%add3A_121, %dma_start3A_127] : memref<81x128xi32, #tpu.memory_space<vmem>> -> memref<1x128xi32, #tpu.memory_space<vmem>>
      %dma_start3A_129 = tpu.memref_squeeze %dma_start3A_128 : memref<1x128xi32, #tpu.memory_space<vmem>> -> memref<128xi32, #tpu.memory_space<vmem>>
      %dma_start3A_130 = arith.constant 0 : i32
      %dma_start3A_131 = arith.constant 0 : i32
      %dma_start3A_132 = tpu.memref_slice %arg9[%dma_start3A_130, %dma_start3A_131] : memref<10240x64xf32, #tpu.memory_space<vmem_shared>> -> memref<10240x64xf32, #tpu.memory_space<vmem_shared>>
      tpu.enqueue_indirect_dma source(%dma_start3A_126 : memref<128x64xf32, #tpu.memory_space<vmem>>) target(%dma_start3A_132 : memref<10240x64xf32, #tpu.memory_space<vmem_shared>>) offsets(%dma_start3A_129 : memref<128xi32, #tpu.memory_space<vmem>>) semaphore(%arg11 : memref<!tpu.dma_semaphore, #tpu.memory_space<semaphore_mem>>) {add = true}
      %dma_wait3A_133 = arith.constant 0 : i32
      %dma_wait3A_134 = arith.constant 0 : i32
      %dma_wait3A_135 = arith.constant 0 : i32
      %dma_wait3A_136 = tpu.memref_slice %arg7[%dma_wait3A_133, %dma_wait3A_134, %dma_wait3A_135] : memref<2x128x64xf32, #tpu.memory_space<vmem>> -> memref<1x128x64xf32, #tpu.memory_space<vmem>>
      %dma_wait3A_137 = tpu.memref_squeeze %dma_wait3A_136 : memref<1x128x64xf32, #tpu.memory_space<vmem>> -> memref<128x64xf32, #tpu.memory_space<vmem>>
      %dma_wait3A_138 = arith.constant 0 : i32
      %dma_wait3A_139 = tpu.memref_slice %arg6[%add3A_108, %dma_wait3A_138] : memref<81x128xi32, #tpu.memory_space<vmem>> -> memref<1x128xi32, #tpu.memory_space<vmem>>
      %dma_wait3A_140 = tpu.memref_squeeze %dma_wait3A_139 : memref<1x128xi32, #tpu.memory_space<vmem>> -> memref<128xi32, #tpu.memory_space<vmem>>
      %dma_wait3A_141 = arith.constant 0 : i32
      %dma_wait3A_142 = arith.constant 0 : i32
      %dma_wait3A_143 = tpu.memref_slice %arg9[%dma_wait3A_141, %dma_wait3A_142] : memref<10240x64xf32, #tpu.memory_space<vmem_shared>> -> memref<10240x64xf32, #tpu.memory_space<vmem_shared>>
      tpu.wait_indirect_dma semaphore(%arg11 : memref<!tpu.dma_semaphore, #tpu.memory_space<semaphore_mem>>) src(%dma_wait3A_137 : memref<128x64xf32, #tpu.memory_space<vmem>>) dst(%dma_wait3A_143 : memref<10240x64xf32, #tpu.memory_space<vmem_shared>>)
      %dma_wait3A_144 = arith.constant 1 : i32
      %dma_wait3A_145 = arith.constant 0 : i32
      %dma_wait3A_146 = arith.constant 0 : i32
      %dma_wait3A_147 = tpu.memref_slice %arg7[%dma_wait3A_144, %dma_wait3A_145, %dma_wait3A_146] : memref<2x128x64xf32, #tpu.memory_space<vmem>> -> memref<1x128x64xf32, #tpu.memory_space<vmem>>
      %dma_wait3A_148 = tpu.memref_squeeze %dma_wait3A_147 : memref<1x128x64xf32, #tpu.memory_space<vmem>> -> memref<128x64xf32, #tpu.memory_space<vmem>>
      %dma_wait3A_149 = arith.constant 0 : i32
      %dma_wait3A_150 = tpu.memref_slice %arg6[%add3A_121, %dma_wait3A_149] : memref<81x128xi32, #tpu.memory_space<vmem>> -> memref<1x128xi32, #tpu.memory_space<vmem>>
      %dma_wait3A_151 = tpu.memref_squeeze %dma_wait3A_150 : memref<1x128xi32, #tpu.memory_space<vmem>> -> memref<128xi32, #tpu.memory_space<vmem>>
      %dma_wait3A_152 = arith.constant 0 : i32
      %dma_wait3A_153 = arith.constant 0 : i32
      %dma_wait3A_154 = tpu.memref_slice %arg9[%dma_wait3A_152, %dma_wait3A_153] : memref<10240x64xf32, #tpu.memory_space<vmem_shared>> -> memref<10240x64xf32, #tpu.memory_space<vmem_shared>>
      tpu.wait_indirect_dma semaphore(%arg11 : memref<!tpu.dma_semaphore, #tpu.memory_space<semaphore_mem>>) src(%dma_wait3A_148 : memref<128x64xf32, #tpu.memory_space<vmem>>) dst(%dma_wait3A_154 : memref<10240x64xf32, #tpu.memory_space<vmem_shared>>)
    }
    %scan3A_47 = arith.constant 39 : i32
    %lt3A_48 = arith.constant 4 : i32
    %lt3A_49 = arith.cmpi slt, %add3A, %lt3A_48 : i32
    %convert_element_type3A_50 = arith.extui %lt3A_49 : i1 to i32
    %cond3A_51 = arith.constant 0 : i32
    %cond3A_52 = arith.cmpi ne, %convert_element_type3A_50, %cond3A_51 : i32
    scf.if %cond3A_52 {
      %dma_start3A = arith.constant 80 : i32
      %dma_start3A_58 = arith.constant 0 : i32
      %dma_start3A_59 = arith.constant 0 : i32
      %dma_start3A_60 = arith.constant 0 : i32
      %dma_start3A_61 = tpu.memref_slice %arg7[%dma_start3A_58, %dma_start3A_59, %dma_start3A_60] : memref<2x128x64xf32, #tpu.memory_space<vmem>> -> memref<1x128x64xf32, #tpu.memory_space<vmem>>
      %dma_start3A_62 = tpu.memref_squeeze %dma_start3A_61 : memref<1x128x64xf32, #tpu.memory_space<vmem>> -> memref<128x64xf32, #tpu.memory_space<vmem>>
      %dma_start3A_63 = arith.constant 0 : i32
      %dma_start3A_64 = tpu.memref_slice %arg5[%dma_start3A, %dma_start3A_63] : memref<81x128xi32, #tpu.memory_space<vmem>> -> memref<1x128xi32, #tpu.memory_space<vmem>>
      %dma_start3A_65 = tpu.memref_squeeze %dma_start3A_64 : memref<1x128xi32, #tpu.memory_space<vmem>> -> memref<128xi32, #tpu.memory_space<vmem>>
      %dma_start3A_66 = arith.constant 0 : i32
      %dma_start3A_67 = arith.constant 0 : i32
      %dma_start3A_68 = tpu.memref_slice %arg8[%dma_start3A_66, %dma_start3A_67] : memref<10240x64xf32, #tpu.memory_space<vmem_shared>> -> memref<10240x64xf32, #tpu.memory_space<vmem_shared>>
      tpu.enqueue_indirect_dma source(%dma_start3A_68 : memref<10240x64xf32, #tpu.memory_space<vmem_shared>>) target(%dma_start3A_62 : memref<128x64xf32, #tpu.memory_space<vmem>>) offsets(%dma_start3A_65 : memref<128xi32, #tpu.memory_space<vmem>>) semaphore(%arg10 : memref<!tpu.dma_semaphore, #tpu.memory_space<semaphore_mem>>)
      %dma_wait3A = arith.constant 80 : i32
      %dma_wait3A_69 = arith.constant 0 : i32
      %dma_wait3A_70 = arith.constant 0 : i32
      %dma_wait3A_71 = arith.constant 0 : i32
      %dma_wait3A_72 = tpu.memref_slice %arg7[%dma_wait3A_69, %dma_wait3A_70, %dma_wait3A_71] : memref<2x128x64xf32, #tpu.memory_space<vmem>> -> memref<1x128x64xf32, #tpu.memory_space<vmem>>
      %dma_wait3A_73 = tpu.memref_squeeze %dma_wait3A_72 : memref<1x128x64xf32, #tpu.memory_space<vmem>> -> memref<128x64xf32, #tpu.memory_space<vmem>>
      %dma_wait3A_74 = arith.constant 0 : i32
      %dma_wait3A_75 = tpu.memref_slice %arg5[%dma_wait3A, %dma_wait3A_74] : memref<81x128xi32, #tpu.memory_space<vmem>> -> memref<1x128xi32, #tpu.memory_space<vmem>>
      %dma_wait3A_76 = tpu.memref_squeeze %dma_wait3A_75 : memref<1x128xi32, #tpu.memory_space<vmem>> -> memref<128xi32, #tpu.memory_space<vmem>>
      %dma_wait3A_77 = arith.constant 0 : i32
      %dma_wait3A_78 = arith.constant 0 : i32
      %dma_wait3A_79 = tpu.memref_slice %arg8[%dma_wait3A_77, %dma_wait3A_78] : memref<10240x64xf32, #tpu.memory_space<vmem_shared>> -> memref<10240x64xf32, #tpu.memory_space<vmem_shared>>
      tpu.wait_indirect_dma semaphore(%arg10 : memref<!tpu.dma_semaphore, #tpu.memory_space<semaphore_mem>>) src(%dma_wait3A_79 : memref<10240x64xf32, #tpu.memory_space<vmem_shared>>) dst(%dma_wait3A_73 : memref<128x64xf32, #tpu.memory_space<vmem>>)
      %run_scoped3A_80 = arith.constant 0 : i32
      %run_scoped3A_81 = arith.constant 80 : i32
      "tpu.region"() ({
        %run_scoped3A_82 = tpu.sem_alloc : memref<!tpu.dma_semaphore, #tpu.memory_space<semaphore_mem>>
        %dma_start3A_83 = arith.constant 0 : i32
        %dma_start3A_84 = arith.constant 0 : i32
        %dma_start3A_85 = tpu.memref_slice %arg7[%run_scoped3A_80, %dma_start3A_83, %dma_start3A_84] : memref<2x128x64xf32, #tpu.memory_space<vmem>> -> memref<1x128x64xf32, #tpu.memory_space<vmem>>
        %dma_start3A_86 = tpu.memref_squeeze %dma_start3A_85 : memref<1x128x64xf32, #tpu.memory_space<vmem>> -> memref<128x64xf32, #tpu.memory_space<vmem>>
        %dma_start3A_87 = arith.constant 0 : i32
        %dma_start3A_88 = tpu.memref_slice %arg6[%run_scoped3A_81, %dma_start3A_87] : memref<81x128xi32, #tpu.memory_space<vmem>> -> memref<1x128xi32, #tpu.memory_space<vmem>>
        %dma_start3A_89 = tpu.memref_squeeze %dma_start3A_88 : memref<1x128xi32, #tpu.memory_space<vmem>> -> memref<128xi32, #tpu.memory_space<vmem>>
        %dma_start3A_90 = arith.constant 0 : i32
        %dma_start3A_91 = arith.constant 0 : i32
        %dma_start3A_92 = tpu.memref_slice %arg9[%dma_start3A_90, %dma_start3A_91] : memref<10240x64xf32, #tpu.memory_space<vmem_shared>> -> memref<10240x64xf32, #tpu.memory_space<vmem_shared>>
        tpu.enqueue_indirect_dma source(%dma_start3A_86 : memref<128x64xf32, #tpu.memory_space<vmem>>) target(%dma_start3A_92 : memref<10240x64xf32, #tpu.memory_space<vmem_shared>>) offsets(%dma_start3A_89 : memref<128xi32, #tpu.memory_space<vmem>>) semaphore(%run_scoped3A_82 : memref<!tpu.dma_semaphore, #tpu.memory_space<semaphore_mem>>) {add = true}
        %dma_wait3A_93 = arith.constant 0 : i32
        %dma_wait3A_94 = arith.constant 0 : i32
        %dma_wait3A_95 = tpu.memref_slice %arg7[%run_scoped3A_80, %dma_wait3A_93, %dma_wait3A_94] : memref<2x128x64xf32, #tpu.memory_space<vmem>> -> memref<1x128x64xf32, #tpu.memory_space<vmem>>
        %dma_wait3A_96 = tpu.memref_squeeze %dma_wait3A_95 : memref<1x128x64xf32, #tpu.memory_space<vmem>> -> memref<128x64xf32, #tpu.memory_space<vmem>>
        %dma_wait3A_97 = arith.constant 0 : i32
        %dma_wait3A_98 = tpu.memref_slice %arg6[%run_scoped3A_81, %dma_wait3A_97] : memref<81x128xi32, #tpu.memory_space<vmem>> -> memref<1x128xi32, #tpu.memory_space<vmem>>
        %dma_wait3A_99 = tpu.memref_squeeze %dma_wait3A_98 : memref<1x128xi32, #tpu.memory_space<vmem>> -> memref<128xi32, #tpu.memory_space<vmem>>
        %dma_wait3A_100 = arith.constant 0 : i32
        %dma_wait3A_101 = arith.constant 0 : i32
        %dma_wait3A_102 = tpu.memref_slice %arg9[%dma_wait3A_100, %dma_wait3A_101] : memref<10240x64xf32, #tpu.memory_space<vmem_shared>> -> memref<10240x64xf32, #tpu.memory_space<vmem_shared>>
        tpu.wait_indirect_dma semaphore(%run_scoped3A_82 : memref<!tpu.dma_semaphore, #tpu.memory_space<semaphore_mem>>) src(%dma_wait3A_96 : memref<128x64xf32, #tpu.memory_space<vmem>>) dst(%dma_wait3A_102 : memref<10240x64xf32, #tpu.memory_space<vmem_shared>>)
        tpu.yield
      }) : () -> ()
    } else {
    }
    %barrier3A_53 = arith.constant 0 : index
    tpu.barrier barrier_id(%barrier3A_53)
    %mul3A_54 = arith.constant 640 : i32
    %mul3A_55 = arith.muli %arg1, %mul3A_54 : i32
    %mul3A_56 = arith.constant 640 : i32
    %mul3A_57 = arith.muli %arg1, %mul3A_56 : i32
    "tpu.region"() ({
      %run_scoped3A_58 = tpu.sem_alloc : memref<!tpu.dma_semaphore, #tpu.memory_space<semaphore_mem>>
      %dma_start3A = arith.constant 0 : i32
      %dma_start3A_59 = tpu.memref_slice %arg4[%arg0, %mul3A_57, %dma_start3A] : memref<2x10240x64xf32, #tpu.memory_space<hbm>> -> memref<1x640x64xf32, #tpu.memory_space<hbm>>
      %dma_start3A_60 = tpu.memref_squeeze %dma_start3A_59 : memref<1x640x64xf32, #tpu.memory_space<hbm>> -> memref<640x64xf32, #tpu.memory_space<hbm>>
      %dma_start3A_61 = arith.constant 0 : i32
      %dma_start3A_62 = tpu.memref_slice %arg9[%mul3A_55, %dma_start3A_61] : memref<10240x64xf32, #tpu.memory_space<vmem_shared>> -> memref<640x64xf32, #tpu.memory_space<vmem_shared>>
      tpu.enqueue_dma source(%dma_start3A_62 : memref<640x64xf32, #tpu.memory_space<vmem_shared>>) target(%dma_start3A_60 : memref<640x64xf32, #tpu.memory_space<hbm>>) target_semaphore(%run_scoped3A_58 : memref<!tpu.dma_semaphore, #tpu.memory_space<semaphore_mem>>)
      %dma_wait3A = arith.constant 0 : i32
      %dma_wait3A_63 = tpu.memref_slice %arg4[%arg0, %mul3A_57, %dma_wait3A] : memref<2x10240x64xf32, #tpu.memory_space<hbm>> -> memref<1x640x64xf32, #tpu.memory_space<hbm>>
      %dma_wait3A_64 = tpu.memref_squeeze %dma_wait3A_63 : memref<1x640x64xf32, #tpu.memory_space<hbm>> -> memref<640x64xf32, #tpu.memory_space<hbm>>
      %dma_wait3A_65 = arith.constant 0 : i32
      %dma_wait3A_66 = tpu.memref_slice %arg9[%mul3A_55, %dma_wait3A_65] : memref<10240x64xf32, #tpu.memory_space<vmem_shared>> -> memref<640x64xf32, #tpu.memory_space<vmem_shared>>
      tpu.wait_dma2 semaphore(%run_scoped3A_58 : memref<!tpu.dma_semaphore, #tpu.memory_space<semaphore_mem>>) src(%dma_wait3A_66 : memref<640x64xf32, #tpu.memory_space<vmem_shared>>) dst(%dma_wait3A_64 : memref<640x64xf32, #tpu.memory_space<hbm>>)
      tpu.yield
    }) : () -> ()
    return
  }
}

#map = affine_map<(d0, d1) -> (0, 0)>
#map1 = affine_map<(d0, d1) -> (0, 0, 0)>
module attributes {stable_mosaic.version = 14 : i64} {
  func.func @sc_agg(%arg0: i32, %arg1: i32, %arg2: memref<10240x64xf32, #tpu.memory_space<hbm>>, %arg3: memref<2x2500x128xi32, #tpu.memory_space<hbm>>, %arg4: memref<2x10240x64xf32, #tpu.memory_space<hbm>>, %arg5: memref<81x128xi32, #tpu.memory_space<vmem>>, %arg6: memref<81x128xi32, #tpu.memory_space<vmem>>, %arg7: memref<2x128x64xf32, #tpu.memory_space<vmem>>, %arg8: memref<10240x64xf32, #tpu.memory_space<vmem_shared>>, %arg9: memref<10240x64xf32, #tpu.memory_space<vmem_shared>>, %arg10: memref<!tpu.dma_semaphore, #tpu.memory_space<semaphore_mem>>, %arg11: memref<!tpu.dma_semaphore, #tpu.memory_space<semaphore_mem>>) attributes {dimension_semantics = [#tpu.dimension_semantics<core_parallel>, #tpu.dimension_semantics<subcore_parallel>], iteration_bounds = array<i64: 2, 16>, scalar_prefetch = 0 : i64, scratch_operands = 7 : i64, tpu.core_type = #tpu.core_type<sc_vector_subcore>, window_params = [{transform_indices = #map}, {transform_indices = #map1}, {transform_indices = #map1}]} {
    %mul3A = arith.constant 2 : i32
    %mul3A_0 = arith.muli %arg1, %mul3A : i32
    %add3A = arith.addi %mul3A_0, %arg0 : i32
    %scan3A = arith.constant 0 : i32
    %scan3A_1 = arith.constant 0 : i32
    %scan3A_2 = arith.constant 128 : i32
    %scan3A_3 = arith.addi %scan3A_1, %scan3A_2 : i32
    %scan3A_4 = arith.constant 1 : i32
    scf.for %scan3A_58 = %scan3A_1 to %scan3A_3 step %scan3A_4  : i32 {
      %broadcast_in_dim3A = arith.constant 0.000000e+00 : f32
      %broadcast_in_dim3A_59 = vector.broadcast %broadcast_in_dim3A : f32 to vector<16xf32>
      %swap3A = arith.constant 0 : i32
      %swap3A_60 = arith.index_cast %swap3A : i32 to index
      %swap3A_61 = arith.index_cast %scan3A_58 : i32 to index
      %swap3A_62 = arith.constant 0 : index
      %swap3A_63 = tpu.vector_load %arg7[%swap3A_60, %swap3A_61, %swap3A_62] {strides = array<i32>} : memref<2x128x64xf32, #tpu.memory_space<vmem>>, vector<1x1x16xf32>,
      %swap3A_64 = vector.shape_cast %swap3A_63 : vector<1x1x16xf32> to vector<16xf32>
      %swap3A_65 = vector.shape_cast %broadcast_in_dim3A_59 : vector<16xf32> to vector<1x1x16xf32>
      tpu.vector_store %arg7[%swap3A_60, %swap3A_61, %swap3A_62], %swap3A_65 {strides = array<i32>} : memref<2x128x64xf32, #tpu.memory_space<vmem>>, vector<1x1x16xf32>,
      %broadcast_in_dim3A_66 = arith.constant 0.000000e+00 : f32
      %broadcast_in_dim3A_67 = vector.broadcast %broadcast_in_dim3A_66 : f32 to vector<16xf32>
      %swap3A_68 = arith.constant 0 : i32
      %swap3A_69 = arith.index_cast %swap3A_68 : i32 to index
      %swap3A_70 = arith.index_cast %scan3A_58 : i32 to index
      %swap3A_71 = arith.constant 16 : index
      %swap3A_72 = tpu.vector_load %arg7[%swap3A_69, %swap3A_70, %swap3A_71] {strides = array<i32>} : memref<2x128x64xf32, #tpu.memory_space<vmem>>, vector<1x1x16xf32>,
      %swap3A_73 = vector.shape_cast %swap3A_72 : vector<1x1x16xf32> to vector<16xf32>
      %swap3A_74 = vector.shape_cast %broadcast_in_dim3A_67 : vector<16xf32> to vector<1x1x16xf32>
      tpu.vector_store %arg7[%swap3A_69, %swap3A_70, %swap3A_71], %swap3A_74 {strides = array<i32>} : memref<2x128x64xf32, #tpu.memory_space<vmem>>, vector<1x1x16xf32>,
      %broadcast_in_dim3A_75 = arith.constant 0.000000e+00 : f32
      %broadcast_in_dim3A_76 = vector.broadcast %broadcast_in_dim3A_75 : f32 to vector<16xf32>
      %swap3A_77 = arith.constant 0 : i32
      %swap3A_78 = arith.index_cast %swap3A_77 : i32 to index
      %swap3A_79 = arith.index_cast %scan3A_58 : i32 to index
      %swap3A_80 = arith.constant 32 : index
      %swap3A_81 = tpu.vector_load %arg7[%swap3A_78, %swap3A_79, %swap3A_80] {strides = array<i32>} : memref<2x128x64xf32, #tpu.memory_space<vmem>>, vector<1x1x16xf32>,
      %swap3A_82 = vector.shape_cast %swap3A_81 : vector<1x1x16xf32> to vector<16xf32>
      %swap3A_83 = vector.shape_cast %broadcast_in_dim3A_76 : vector<16xf32> to vector<1x1x16xf32>
      tpu.vector_store %arg7[%swap3A_78, %swap3A_79, %swap3A_80], %swap3A_83 {strides = array<i32>} : memref<2x128x64xf32, #tpu.memory_space<vmem>>, vector<1x1x16xf32>,
      %broadcast_in_dim3A_84 = arith.constant 0.000000e+00 : f32
      %broadcast_in_dim3A_85 = vector.broadcast %broadcast_in_dim3A_84 : f32 to vector<16xf32>
      %swap3A_86 = arith.constant 0 : i32
      %swap3A_87 = arith.index_cast %swap3A_86 : i32 to index
      %swap3A_88 = arith.index_cast %scan3A_58 : i32 to index
      %swap3A_89 = arith.constant 48 : index
      %swap3A_90 = tpu.vector_load %arg7[%swap3A_87, %swap3A_88, %swap3A_89] {strides = array<i32>} : memref<2x128x64xf32, #tpu.memory_space<vmem>>, vector<1x1x16xf32>,
      %swap3A_91 = vector.shape_cast %swap3A_90 : vector<1x1x16xf32> to vector<16xf32>
      %swap3A_92 = vector.shape_cast %broadcast_in_dim3A_85 : vector<16xf32> to vector<1x1x16xf32>
      tpu.vector_store %arg7[%swap3A_87, %swap3A_88, %swap3A_89], %swap3A_92 {strides = array<i32>} : memref<2x128x64xf32, #tpu.memory_space<vmem>>, vector<1x1x16xf32>,
    }
    %scan3A_5 = arith.constant 128 : i32
    %mul3A_6 = arith.constant 640 : i32
    %mul3A_7 = arith.muli %arg1, %mul3A_6 : i32
    %add3A_8 = arith.constant 0 : i32
    %add3A_9 = arith.addi %mul3A_7, %add3A_8 : i32
    %run_scoped3A = arith.constant 0 : i32
    "tpu.region"() ({
      %run_scoped3A_58 = tpu.sem_alloc : memref<!tpu.dma_semaphore, #tpu.memory_space<semaphore_mem>>
      %dma_start3A = arith.constant 0 : i32
      %dma_start3A_59 = arith.constant 0 : i32
      %dma_start3A_60 = tpu.memref_slice %arg7[%run_scoped3A, %dma_start3A, %dma_start3A_59] : memref<2x128x64xf32, #tpu.memory_space<vmem>> -> memref<1x128x64xf32, #tpu.memory_space<vmem>>
      %dma_start3A_61 = tpu.memref_squeeze %dma_start3A_60 : memref<1x128x64xf32, #tpu.memory_space<vmem>> -> memref<128x64xf32, #tpu.memory_space<vmem>>
      %dma_start3A_62 = arith.constant 0 : i32
      %dma_start3A_63 = tpu.memref_slice %arg9[%add3A_9, %dma_start3A_62] : memref<10240x64xf32, #tpu.memory_space<vmem_shared>> -> memref<128x64xf32, #tpu.memory_space<vmem_shared>>
      %dma_start3A_64 = arith.constant 0 : i32
      %dma_start3A_65 = tpu.memref_slice %arg9[%add3A_9, %dma_start3A_64] : memref<10240x64xf32, #tpu.memory_space<vmem_shared>> -> memref<128x64xf32, #tpu.memory_space<vmem_shared>>
      %dma_start3A_66 = arith.constant 0 : i32
      %dma_start3A_67 = arith.constant 0 : i32
      %dma_start3A_68 = tpu.memref_slice %arg7[%run_scoped3A, %dma_start3A_66, %dma_start3A_67] : memref<2x128x64xf32, #tpu.memory_space<vmem>> -> memref<1x128x64xf32, #tpu.memory_space<vmem>>
      %dma_start3A_69 = tpu.memref_squeeze %dma_start3A_68 : memref<1x128x64xf32, #tpu.memory_space<vmem>> -> memref<128x64xf32, #tpu.memory_space<vmem>>
      tpu.enqueue_dma source(%dma_start3A_69 : memref<128x64xf32, #tpu.memory_space<vmem>>) target(%dma_start3A_65 : memref<128x64xf32, #tpu.memory_space<vmem_shared>>) target_semaphore(%run_scoped3A_58 : memref<!tpu.dma_semaphore, #tpu.memory_space<semaphore_mem>>)
      %dma_wait3A = arith.constant 0 : i32
      %dma_wait3A_70 = arith.constant 0 : i32
      %dma_wait3A_71 = tpu.memref_slice %arg7[%run_scoped3A, %dma_wait3A, %dma_wait3A_70] : memref<2x128x64xf32, #tpu.memory_space<vmem>> -> memref<1x128x64xf32, #tpu.memory_space<vmem>>
      %dma_wait3A_72 = tpu.memref_squeeze %dma_wait3A_71 : memref<1x128x64xf32, #tpu.memory_space<vmem>> -> memref<128x64xf32, #tpu.memory_space<vmem>>
      %dma_wait3A_73 = arith.constant 0 : i32
      %dma_wait3A_74 = tpu.memref_slice %arg9[%add3A_9, %dma_wait3A_73] : memref<10240x64xf32, #tpu.memory_space<vmem_shared>> -> memref<128x64xf32, #tpu.memory_space<vmem_shared>>
      %dma_wait3A_75 = arith.constant 0 : i32
      %dma_wait3A_76 = tpu.memref_slice %arg9[%add3A_9, %dma_wait3A_75] : memref<10240x64xf32, #tpu.memory_space<vmem_shared>> -> memref<128x64xf32, #tpu.memory_space<vmem_shared>>
      %dma_wait3A_77 = arith.constant 0 : i32
      %dma_wait3A_78 = arith.constant 0 : i32
      %dma_wait3A_79 = tpu.memref_slice %arg7[%run_scoped3A, %dma_wait3A_77, %dma_wait3A_78] : memref<2x128x64xf32, #tpu.memory_space<vmem>> -> memref<1x128x64xf32, #tpu.memory_space<vmem>>
      %dma_wait3A_80 = tpu.memref_squeeze %dma_wait3A_79 : memref<1x128x64xf32, #tpu.memory_space<vmem>> -> memref<128x64xf32, #tpu.memory_space<vmem>>
      tpu.wait_dma2 semaphore(%run_scoped3A_58 : memref<!tpu.dma_semaphore, #tpu.memory_space<semaphore_mem>>) src(%dma_wait3A_80 : memref<128x64xf32, #tpu.memory_space<vmem>>) dst(%dma_wait3A_76 : memref<128x64xf32, #tpu.memory_space<vmem_shared>>)
      tpu.yield
    }) : () -> ()
    %mul3A_10 = arith.constant 640 : i32
    %mul3A_11 = arith.muli %arg1, %mul3A_10 : i32
    %add3A_12 = arith.constant 128 : i32
    %add3A_13 = arith.addi %mul3A_11, %add3A_12 : i32
    %run_scoped3A_14 = arith.constant 0 : i32
    "tpu.region"() ({
      %run_scoped3A_58 = tpu.sem_alloc : memref<!tpu.dma_semaphore, #tpu.memory_space<semaphore_mem>>
      %dma_start3A = arith.constant 0 : i32
      %dma_start3A_59 = arith.constant 0 : i32
      %dma_start3A_60 = tpu.memref_slice %arg7[%run_scoped3A_14, %dma_start3A, %dma_start3A_59] : memref<2x128x64xf32, #tpu.memory_space<vmem>> -> memref<1x128x64xf32, #tpu.memory_space<vmem>>
      %dma_start3A_61 = tpu.memref_squeeze %dma_start3A_60 : memref<1x128x64xf32, #tpu.memory_space<vmem>> -> memref<128x64xf32, #tpu.memory_space<vmem>>
      %dma_start3A_62 = arith.constant 0 : i32
      %dma_start3A_63 = tpu.memref_slice %arg9[%add3A_13, %dma_start3A_62] : memref<10240x64xf32, #tpu.memory_space<vmem_shared>> -> memref<128x64xf32, #tpu.memory_space<vmem_shared>>
      %dma_start3A_64 = arith.constant 0 : i32
      %dma_start3A_65 = tpu.memref_slice %arg9[%add3A_13, %dma_start3A_64] : memref<10240x64xf32, #tpu.memory_space<vmem_shared>> -> memref<128x64xf32, #tpu.memory_space<vmem_shared>>
      %dma_start3A_66 = arith.constant 0 : i32
      %dma_start3A_67 = arith.constant 0 : i32
      %dma_start3A_68 = tpu.memref_slice %arg7[%run_scoped3A_14, %dma_start3A_66, %dma_start3A_67] : memref<2x128x64xf32, #tpu.memory_space<vmem>> -> memref<1x128x64xf32, #tpu.memory_space<vmem>>
      %dma_start3A_69 = tpu.memref_squeeze %dma_start3A_68 : memref<1x128x64xf32, #tpu.memory_space<vmem>> -> memref<128x64xf32, #tpu.memory_space<vmem>>
      tpu.enqueue_dma source(%dma_start3A_69 : memref<128x64xf32, #tpu.memory_space<vmem>>) target(%dma_start3A_65 : memref<128x64xf32, #tpu.memory_space<vmem_shared>>) target_semaphore(%run_scoped3A_58 : memref<!tpu.dma_semaphore, #tpu.memory_space<semaphore_mem>>)
      %dma_wait3A = arith.constant 0 : i32
      %dma_wait3A_70 = arith.constant 0 : i32
      %dma_wait3A_71 = tpu.memref_slice %arg7[%run_scoped3A_14, %dma_wait3A, %dma_wait3A_70] : memref<2x128x64xf32, #tpu.memory_space<vmem>> -> memref<1x128x64xf32, #tpu.memory_space<vmem>>
      %dma_wait3A_72 = tpu.memref_squeeze %dma_wait3A_71 : memref<1x128x64xf32, #tpu.memory_space<vmem>> -> memref<128x64xf32, #tpu.memory_space<vmem>>
      %dma_wait3A_73 = arith.constant 0 : i32
      %dma_wait3A_74 = tpu.memref_slice %arg9[%add3A_13, %dma_wait3A_73] : memref<10240x64xf32, #tpu.memory_space<vmem_shared>> -> memref<128x64xf32, #tpu.memory_space<vmem_shared>>
      %dma_wait3A_75 = arith.constant 0 : i32
      %dma_wait3A_76 = tpu.memref_slice %arg9[%add3A_13, %dma_wait3A_75] : memref<10240x64xf32, #tpu.memory_space<vmem_shared>> -> memref<128x64xf32, #tpu.memory_space<vmem_shared>>
      %dma_wait3A_77 = arith.constant 0 : i32
      %dma_wait3A_78 = arith.constant 0 : i32
      %dma_wait3A_79 = tpu.memref_slice %arg7[%run_scoped3A_14, %dma_wait3A_77, %dma_wait3A_78] : memref<2x128x64xf32, #tpu.memory_space<vmem>> -> memref<1x128x64xf32, #tpu.memory_space<vmem>>
      %dma_wait3A_80 = tpu.memref_squeeze %dma_wait3A_79 : memref<1x128x64xf32, #tpu.memory_space<vmem>> -> memref<128x64xf32, #tpu.memory_space<vmem>>
      tpu.wait_dma2 semaphore(%run_scoped3A_58 : memref<!tpu.dma_semaphore, #tpu.memory_space<semaphore_mem>>) src(%dma_wait3A_80 : memref<128x64xf32, #tpu.memory_space<vmem>>) dst(%dma_wait3A_76 : memref<128x64xf32, #tpu.memory_space<vmem_shared>>)
      tpu.yield
    }) : () -> ()
    %mul3A_15 = arith.constant 640 : i32
    %mul3A_16 = arith.muli %arg1, %mul3A_15 : i32
    %add3A_17 = arith.constant 256 : i32
    %add3A_18 = arith.addi %mul3A_16, %add3A_17 : i32
    %run_scoped3A_19 = arith.constant 0 : i32
    "tpu.region"() ({
      %run_scoped3A_58 = tpu.sem_alloc : memref<!tpu.dma_semaphore, #tpu.memory_space<semaphore_mem>>
      %dma_start3A = arith.constant 0 : i32
      %dma_start3A_59 = arith.constant 0 : i32
      %dma_start3A_60 = tpu.memref_slice %arg7[%run_scoped3A_19, %dma_start3A, %dma_start3A_59] : memref<2x128x64xf32, #tpu.memory_space<vmem>> -> memref<1x128x64xf32, #tpu.memory_space<vmem>>
      %dma_start3A_61 = tpu.memref_squeeze %dma_start3A_60 : memref<1x128x64xf32, #tpu.memory_space<vmem>> -> memref<128x64xf32, #tpu.memory_space<vmem>>
      %dma_start3A_62 = arith.constant 0 : i32
      %dma_start3A_63 = tpu.memref_slice %arg9[%add3A_18, %dma_start3A_62] : memref<10240x64xf32, #tpu.memory_space<vmem_shared>> -> memref<128x64xf32, #tpu.memory_space<vmem_shared>>
      %dma_start3A_64 = arith.constant 0 : i32
      %dma_start3A_65 = tpu.memref_slice %arg9[%add3A_18, %dma_start3A_64] : memref<10240x64xf32, #tpu.memory_space<vmem_shared>> -> memref<128x64xf32, #tpu.memory_space<vmem_shared>>
      %dma_start3A_66 = arith.constant 0 : i32
      %dma_start3A_67 = arith.constant 0 : i32
      %dma_start3A_68 = tpu.memref_slice %arg7[%run_scoped3A_19, %dma_start3A_66, %dma_start3A_67] : memref<2x128x64xf32, #tpu.memory_space<vmem>> -> memref<1x128x64xf32, #tpu.memory_space<vmem>>
      %dma_start3A_69 = tpu.memref_squeeze %dma_start3A_68 : memref<1x128x64xf32, #tpu.memory_space<vmem>> -> memref<128x64xf32, #tpu.memory_space<vmem>>
      tpu.enqueue_dma source(%dma_start3A_69 : memref<128x64xf32, #tpu.memory_space<vmem>>) target(%dma_start3A_65 : memref<128x64xf32, #tpu.memory_space<vmem_shared>>) target_semaphore(%run_scoped3A_58 : memref<!tpu.dma_semaphore, #tpu.memory_space<semaphore_mem>>)
      %dma_wait3A = arith.constant 0 : i32
      %dma_wait3A_70 = arith.constant 0 : i32
      %dma_wait3A_71 = tpu.memref_slice %arg7[%run_scoped3A_19, %dma_wait3A, %dma_wait3A_70] : memref<2x128x64xf32, #tpu.memory_space<vmem>> -> memref<1x128x64xf32, #tpu.memory_space<vmem>>
      %dma_wait3A_72 = tpu.memref_squeeze %dma_wait3A_71 : memref<1x128x64xf32, #tpu.memory_space<vmem>> -> memref<128x64xf32, #tpu.memory_space<vmem>>
      %dma_wait3A_73 = arith.constant 0 : i32
      %dma_wait3A_74 = tpu.memref_slice %arg9[%add3A_18, %dma_wait3A_73] : memref<10240x64xf32, #tpu.memory_space<vmem_shared>> -> memref<128x64xf32, #tpu.memory_space<vmem_shared>>
      %dma_wait3A_75 = arith.constant 0 : i32
      %dma_wait3A_76 = tpu.memref_slice %arg9[%add3A_18, %dma_wait3A_75] : memref<10240x64xf32, #tpu.memory_space<vmem_shared>> -> memref<128x64xf32, #tpu.memory_space<vmem_shared>>
      %dma_wait3A_77 = arith.constant 0 : i32
      %dma_wait3A_78 = arith.constant 0 : i32
      %dma_wait3A_79 = tpu.memref_slice %arg7[%run_scoped3A_19, %dma_wait3A_77, %dma_wait3A_78] : memref<2x128x64xf32, #tpu.memory_space<vmem>> -> memref<1x128x64xf32, #tpu.memory_space<vmem>>
      %dma_wait3A_80 = tpu.memref_squeeze %dma_wait3A_79 : memref<1x128x64xf32, #tpu.memory_space<vmem>> -> memref<128x64xf32, #tpu.memory_space<vmem>>
      tpu.wait_dma2 semaphore(%run_scoped3A_58 : memref<!tpu.dma_semaphore, #tpu.memory_space<semaphore_mem>>) src(%dma_wait3A_80 : memref<128x64xf32, #tpu.memory_space<vmem>>) dst(%dma_wait3A_76 : memref<128x64xf32, #tpu.memory_space<vmem_shared>>)
      tpu.yield
    }) : () -> ()
    %mul3A_20 = arith.constant 640 : i32
    %mul3A_21 = arith.muli %arg1, %mul3A_20 : i32
    %add3A_22 = arith.constant 384 : i32
    %add3A_23 = arith.addi %mul3A_21, %add3A_22 : i32
    %run_scoped3A_24 = arith.constant 0 : i32
    "tpu.region"() ({
      %run_scoped3A_58 = tpu.sem_alloc : memref<!tpu.dma_semaphore, #tpu.memory_space<semaphore_mem>>
      %dma_start3A = arith.constant 0 : i32
      %dma_start3A_59 = arith.constant 0 : i32
      %dma_start3A_60 = tpu.memref_slice %arg7[%run_scoped3A_24, %dma_start3A, %dma_start3A_59] : memref<2x128x64xf32, #tpu.memory_space<vmem>> -> memref<1x128x64xf32, #tpu.memory_space<vmem>>
      %dma_start3A_61 = tpu.memref_squeeze %dma_start3A_60 : memref<1x128x64xf32, #tpu.memory_space<vmem>> -> memref<128x64xf32, #tpu.memory_space<vmem>>
      %dma_start3A_62 = arith.constant 0 : i32
      %dma_start3A_63 = tpu.memref_slice %arg9[%add3A_23, %dma_start3A_62] : memref<10240x64xf32, #tpu.memory_space<vmem_shared>> -> memref<128x64xf32, #tpu.memory_space<vmem_shared>>
      %dma_start3A_64 = arith.constant 0 : i32
      %dma_start3A_65 = tpu.memref_slice %arg9[%add3A_23, %dma_start3A_64] : memref<10240x64xf32, #tpu.memory_space<vmem_shared>> -> memref<128x64xf32, #tpu.memory_space<vmem_shared>>
      %dma_start3A_66 = arith.constant 0 : i32
      %dma_start3A_67 = arith.constant 0 : i32
      %dma_start3A_68 = tpu.memref_slice %arg7[%run_scoped3A_24, %dma_start3A_66, %dma_start3A_67] : memref<2x128x64xf32, #tpu.memory_space<vmem>> -> memref<1x128x64xf32, #tpu.memory_space<vmem>>
      %dma_start3A_69 = tpu.memref_squeeze %dma_start3A_68 : memref<1x128x64xf32, #tpu.memory_space<vmem>> -> memref<128x64xf32, #tpu.memory_space<vmem>>
      tpu.enqueue_dma source(%dma_start3A_69 : memref<128x64xf32, #tpu.memory_space<vmem>>) target(%dma_start3A_65 : memref<128x64xf32, #tpu.memory_space<vmem_shared>>) target_semaphore(%run_scoped3A_58 : memref<!tpu.dma_semaphore, #tpu.memory_space<semaphore_mem>>)
      %dma_wait3A = arith.constant 0 : i32
      %dma_wait3A_70 = arith.constant 0 : i32
      %dma_wait3A_71 = tpu.memref_slice %arg7[%run_scoped3A_24, %dma_wait3A, %dma_wait3A_70] : memref<2x128x64xf32, #tpu.memory_space<vmem>> -> memref<1x128x64xf32, #tpu.memory_space<vmem>>
      %dma_wait3A_72 = tpu.memref_squeeze %dma_wait3A_71 : memref<1x128x64xf32, #tpu.memory_space<vmem>> -> memref<128x64xf32, #tpu.memory_space<vmem>>
      %dma_wait3A_73 = arith.constant 0 : i32
      %dma_wait3A_74 = tpu.memref_slice %arg9[%add3A_23, %dma_wait3A_73] : memref<10240x64xf32, #tpu.memory_space<vmem_shared>> -> memref<128x64xf32, #tpu.memory_space<vmem_shared>>
      %dma_wait3A_75 = arith.constant 0 : i32
      %dma_wait3A_76 = tpu.memref_slice %arg9[%add3A_23, %dma_wait3A_75] : memref<10240x64xf32, #tpu.memory_space<vmem_shared>> -> memref<128x64xf32, #tpu.memory_space<vmem_shared>>
      %dma_wait3A_77 = arith.constant 0 : i32
      %dma_wait3A_78 = arith.constant 0 : i32
      %dma_wait3A_79 = tpu.memref_slice %arg7[%run_scoped3A_24, %dma_wait3A_77, %dma_wait3A_78] : memref<2x128x64xf32, #tpu.memory_space<vmem>> -> memref<1x128x64xf32, #tpu.memory_space<vmem>>
      %dma_wait3A_80 = tpu.memref_squeeze %dma_wait3A_79 : memref<1x128x64xf32, #tpu.memory_space<vmem>> -> memref<128x64xf32, #tpu.memory_space<vmem>>
      tpu.wait_dma2 semaphore(%run_scoped3A_58 : memref<!tpu.dma_semaphore, #tpu.memory_space<semaphore_mem>>) src(%dma_wait3A_80 : memref<128x64xf32, #tpu.memory_space<vmem>>) dst(%dma_wait3A_76 : memref<128x64xf32, #tpu.memory_space<vmem_shared>>)
      tpu.yield
    }) : () -> ()
    %mul3A_25 = arith.constant 640 : i32
    %mul3A_26 = arith.muli %arg1, %mul3A_25 : i32
    %add3A_27 = arith.constant 512 : i32
    %add3A_28 = arith.addi %mul3A_26, %add3A_27 : i32
    %run_scoped3A_29 = arith.constant 0 : i32
    "tpu.region"() ({
      %run_scoped3A_58 = tpu.sem_alloc : memref<!tpu.dma_semaphore, #tpu.memory_space<semaphore_mem>>
      %dma_start3A = arith.constant 0 : i32
      %dma_start3A_59 = arith.constant 0 : i32
      %dma_start3A_60 = tpu.memref_slice %arg7[%run_scoped3A_29, %dma_start3A, %dma_start3A_59] : memref<2x128x64xf32, #tpu.memory_space<vmem>> -> memref<1x128x64xf32, #tpu.memory_space<vmem>>
      %dma_start3A_61 = tpu.memref_squeeze %dma_start3A_60 : memref<1x128x64xf32, #tpu.memory_space<vmem>> -> memref<128x64xf32, #tpu.memory_space<vmem>>
      %dma_start3A_62 = arith.constant 0 : i32
      %dma_start3A_63 = tpu.memref_slice %arg9[%add3A_28, %dma_start3A_62] : memref<10240x64xf32, #tpu.memory_space<vmem_shared>> -> memref<128x64xf32, #tpu.memory_space<vmem_shared>>
      %dma_start3A_64 = arith.constant 0 : i32
      %dma_start3A_65 = tpu.memref_slice %arg9[%add3A_28, %dma_start3A_64] : memref<10240x64xf32, #tpu.memory_space<vmem_shared>> -> memref<128x64xf32, #tpu.memory_space<vmem_shared>>
      %dma_start3A_66 = arith.constant 0 : i32
      %dma_start3A_67 = arith.constant 0 : i32
      %dma_start3A_68 = tpu.memref_slice %arg7[%run_scoped3A_29, %dma_start3A_66, %dma_start3A_67] : memref<2x128x64xf32, #tpu.memory_space<vmem>> -> memref<1x128x64xf32, #tpu.memory_space<vmem>>
      %dma_start3A_69 = tpu.memref_squeeze %dma_start3A_68 : memref<1x128x64xf32, #tpu.memory_space<vmem>> -> memref<128x64xf32, #tpu.memory_space<vmem>>
      tpu.enqueue_dma source(%dma_start3A_69 : memref<128x64xf32, #tpu.memory_space<vmem>>) target(%dma_start3A_65 : memref<128x64xf32, #tpu.memory_space<vmem_shared>>) target_semaphore(%run_scoped3A_58 : memref<!tpu.dma_semaphore, #tpu.memory_space<semaphore_mem>>)
      %dma_wait3A = arith.constant 0 : i32
      %dma_wait3A_70 = arith.constant 0 : i32
      %dma_wait3A_71 = tpu.memref_slice %arg7[%run_scoped3A_29, %dma_wait3A, %dma_wait3A_70] : memref<2x128x64xf32, #tpu.memory_space<vmem>> -> memref<1x128x64xf32, #tpu.memory_space<vmem>>
      %dma_wait3A_72 = tpu.memref_squeeze %dma_wait3A_71 : memref<1x128x64xf32, #tpu.memory_space<vmem>> -> memref<128x64xf32, #tpu.memory_space<vmem>>
      %dma_wait3A_73 = arith.constant 0 : i32
      %dma_wait3A_74 = tpu.memref_slice %arg9[%add3A_28, %dma_wait3A_73] : memref<10240x64xf32, #tpu.memory_space<vmem_shared>> -> memref<128x64xf32, #tpu.memory_space<vmem_shared>>
      %dma_wait3A_75 = arith.constant 0 : i32
      %dma_wait3A_76 = tpu.memref_slice %arg9[%add3A_28, %dma_wait3A_75] : memref<10240x64xf32, #tpu.memory_space<vmem_shared>> -> memref<128x64xf32, #tpu.memory_space<vmem_shared>>
      %dma_wait3A_77 = arith.constant 0 : i32
      %dma_wait3A_78 = arith.constant 0 : i32
      %dma_wait3A_79 = tpu.memref_slice %arg7[%run_scoped3A_29, %dma_wait3A_77, %dma_wait3A_78] : memref<2x128x64xf32, #tpu.memory_space<vmem>> -> memref<1x128x64xf32, #tpu.memory_space<vmem>>
      %dma_wait3A_80 = tpu.memref_squeeze %dma_wait3A_79 : memref<1x128x64xf32, #tpu.memory_space<vmem>> -> memref<128x64xf32, #tpu.memory_space<vmem>>
      tpu.wait_dma2 semaphore(%run_scoped3A_58 : memref<!tpu.dma_semaphore, #tpu.memory_space<semaphore_mem>>) src(%dma_wait3A_80 : memref<128x64xf32, #tpu.memory_space<vmem>>) dst(%dma_wait3A_76 : memref<128x64xf32, #tpu.memory_space<vmem_shared>>)
      tpu.yield
    }) : () -> ()
    %mul3A_30 = arith.constant 640 : i32
    %mul3A_31 = arith.muli %arg1, %mul3A_30 : i32
    %mul3A_32 = arith.constant 640 : i32
    %mul3A_33 = arith.muli %arg1, %mul3A_32 : i32
    "tpu.region"() ({
      %run_scoped3A_58 = tpu.sem_alloc : memref<!tpu.dma_semaphore, #tpu.memory_space<semaphore_mem>>
      %dma_start3A = arith.constant 0 : i32
      %dma_start3A_59 = tpu.memref_slice %arg8[%mul3A_33, %dma_start3A] : memref<10240x64xf32, #tpu.memory_space<vmem_shared>> -> memref<640x64xf32, #tpu.memory_space<vmem_shared>>
      %dma_start3A_60 = arith.constant 0 : i32
      %dma_start3A_61 = tpu.memref_slice %arg2[%mul3A_31, %dma_start3A_60] : memref<10240x64xf32, #tpu.memory_space<hbm>> -> memref<640x64xf32, #tpu.memory_space<hbm>>
      tpu.enqueue_dma source(%dma_start3A_61 : memref<640x64xf32, #tpu.memory_space<hbm>>) target(%dma_start3A_59 : memref<640x64xf32, #tpu.memory_space<vmem_shared>>) target_semaphore(%run_scoped3A_58 : memref<!tpu.dma_semaphore, #tpu.memory_space<semaphore_mem>>)
      %dma_wait3A = arith.constant 0 : i32
      %dma_wait3A_62 = tpu.memref_slice %arg8[%mul3A_33, %dma_wait3A] : memref<10240x64xf32, #tpu.memory_space<vmem_shared>> -> memref<640x64xf32, #tpu.memory_space<vmem_shared>>
      %dma_wait3A_63 = arith.constant 0 : i32
      %dma_wait3A_64 = tpu.memref_slice %arg2[%mul3A_31, %dma_wait3A_63] : memref<10240x64xf32, #tpu.memory_space<hbm>> -> memref<640x64xf32, #tpu.memory_space<hbm>>
      tpu.wait_dma2 semaphore(%run_scoped3A_58 : memref<!tpu.dma_semaphore, #tpu.memory_space<semaphore_mem>>) src(%dma_wait3A_64 : memref<640x64xf32, #tpu.memory_space<hbm>>) dst(%dma_wait3A_62 : memref<640x64xf32, #tpu.memory_space<vmem_shared>>)
      tpu.yield
    }) : () -> ()
    %mul3A_34 = arith.constant 78 : i32
    %mul3A_35 = arith.muli %add3A, %mul3A_34 : i32
    %run_scoped3A_36 = arith.constant 0 : i32
    "tpu.region"() ({
      %run_scoped3A_58 = tpu.sem_alloc : memref<!tpu.dma_semaphore, #tpu.memory_space<semaphore_mem>>
      %dma_start3A = arith.constant 0 : i32
      %dma_start3A_59 = arith.constant 0 : i32
      %dma_start3A_60 = tpu.memref_slice %arg5[%dma_start3A, %dma_start3A_59] : memref<81x128xi32, #tpu.memory_space<vmem>> -> memref<78x128xi32, #tpu.memory_space<vmem>>
      %dma_start3A_61 = arith.constant 0 : i32
      %dma_start3A_62 = tpu.memref_slice %arg3[%run_scoped3A_36, %mul3A_35, %dma_start3A_61] : memref<2x2500x128xi32, #tpu.memory_space<hbm>> -> memref<1x78x128xi32, #tpu.memory_space<hbm>>
      %dma_start3A_63 = tpu.memref_squeeze %dma_start3A_62 : memref<1x78x128xi32, #tpu.memory_space<hbm>> -> memref<78x128xi32, #tpu.memory_space<hbm>>
      %dma_start3A_64 = arith.constant 0 : i32
      %dma_start3A_65 = arith.constant 0 : i32
      %dma_start3A_66 = tpu.memref_slice %arg5[%dma_start3A_64, %dma_start3A_65] : memref<81x128xi32, #tpu.memory_space<vmem>> -> memref<78x128xi32, #tpu.memory_space<vmem>>
      %dma_start3A_67 = arith.constant 0 : i32
      %dma_start3A_68 = tpu.memref_slice %arg3[%run_scoped3A_36, %mul3A_35, %dma_start3A_67] : memref<2x2500x128xi32, #tpu.memory_space<hbm>> -> memref<1x78x128xi32, #tpu.memory_space<hbm>>
      %dma_start3A_69 = tpu.memref_squeeze %dma_start3A_68 : memref<1x78x128xi32, #tpu.memory_space<hbm>> -> memref<78x128xi32, #tpu.memory_space<hbm>>
      tpu.enqueue_dma source(%dma_start3A_69 : memref<78x128xi32, #tpu.memory_space<hbm>>) target(%dma_start3A_66 : memref<78x128xi32, #tpu.memory_space<vmem>>) target_semaphore(%run_scoped3A_58 : memref<!tpu.dma_semaphore, #tpu.memory_space<semaphore_mem>>)
      %dma_wait3A = arith.constant 0 : i32
      %dma_wait3A_70 = arith.constant 0 : i32
      %dma_wait3A_71 = tpu.memref_slice %arg5[%dma_wait3A, %dma_wait3A_70] : memref<81x128xi32, #tpu.memory_space<vmem>> -> memref<78x128xi32, #tpu.memory_space<vmem>>
      %dma_wait3A_72 = arith.constant 0 : i32
      %dma_wait3A_73 = tpu.memref_slice %arg3[%run_scoped3A_36, %mul3A_35, %dma_wait3A_72] : memref<2x2500x128xi32, #tpu.memory_space<hbm>> -> memref<1x78x128xi32, #tpu.memory_space<hbm>>
      %dma_wait3A_74 = tpu.memref_squeeze %dma_wait3A_73 : memref<1x78x128xi32, #tpu.memory_space<hbm>> -> memref<78x128xi32, #tpu.memory_space<hbm>>
      %dma_wait3A_75 = arith.constant 0 : i32
      %dma_wait3A_76 = arith.constant 0 : i32
      %dma_wait3A_77 = tpu.memref_slice %arg5[%dma_wait3A_75, %dma_wait3A_76] : memref<81x128xi32, #tpu.memory_space<vmem>> -> memref<78x128xi32, #tpu.memory_space<vmem>>
      %dma_wait3A_78 = arith.constant 0 : i32
      %dma_wait3A_79 = tpu.memref_slice %arg3[%run_scoped3A_36, %mul3A_35, %dma_wait3A_78] : memref<2x2500x128xi32, #tpu.memory_space<hbm>> -> memref<1x78x128xi32, #tpu.memory_space<hbm>>
      %dma_wait3A_80 = tpu.memref_squeeze %dma_wait3A_79 : memref<1x78x128xi32, #tpu.memory_space<hbm>> -> memref<78x128xi32, #tpu.memory_space<hbm>>
      tpu.wait_dma2 semaphore(%run_scoped3A_58 : memref<!tpu.dma_semaphore, #tpu.memory_space<semaphore_mem>>) src(%dma_wait3A_80 : memref<78x128xi32, #tpu.memory_space<hbm>>) dst(%dma_wait3A_77 : memref<78x128xi32, #tpu.memory_space<vmem>>)
      tpu.yield
    }) : () -> ()
    %mul3A_37 = arith.constant 78 : i32
    %mul3A_38 = arith.muli %add3A, %mul3A_37 : i32
    %run_scoped3A_39 = arith.constant 1 : i32
    "tpu.region"() ({
      %run_scoped3A_58 = tpu.sem_alloc : memref<!tpu.dma_semaphore, #tpu.memory_space<semaphore_mem>>
      %dma_start3A = arith.constant 0 : i32
      %dma_start3A_59 = arith.constant 0 : i32
      %dma_start3A_60 = tpu.memref_slice %arg6[%dma_start3A, %dma_start3A_59] : memref<81x128xi32, #tpu.memory_space<vmem>> -> memref<78x128xi32, #tpu.memory_space<vmem>>
      %dma_start3A_61 = arith.constant 0 : i32
      %dma_start3A_62 = tpu.memref_slice %arg3[%run_scoped3A_39, %mul3A_38, %dma_start3A_61] : memref<2x2500x128xi32, #tpu.memory_space<hbm>> -> memref<1x78x128xi32, #tpu.memory_space<hbm>>
      %dma_start3A_63 = tpu.memref_squeeze %dma_start3A_62 : memref<1x78x128xi32, #tpu.memory_space<hbm>> -> memref<78x128xi32, #tpu.memory_space<hbm>>
      %dma_start3A_64 = arith.constant 0 : i32
      %dma_start3A_65 = arith.constant 0 : i32
      %dma_start3A_66 = tpu.memref_slice %arg6[%dma_start3A_64, %dma_start3A_65] : memref<81x128xi32, #tpu.memory_space<vmem>> -> memref<78x128xi32, #tpu.memory_space<vmem>>
      %dma_start3A_67 = arith.constant 0 : i32
      %dma_start3A_68 = tpu.memref_slice %arg3[%run_scoped3A_39, %mul3A_38, %dma_start3A_67] : memref<2x2500x128xi32, #tpu.memory_space<hbm>> -> memref<1x78x128xi32, #tpu.memory_space<hbm>>
      %dma_start3A_69 = tpu.memref_squeeze %dma_start3A_68 : memref<1x78x128xi32, #tpu.memory_space<hbm>> -> memref<78x128xi32, #tpu.memory_space<hbm>>
      tpu.enqueue_dma source(%dma_start3A_69 : memref<78x128xi32, #tpu.memory_space<hbm>>) target(%dma_start3A_66 : memref<78x128xi32, #tpu.memory_space<vmem>>) target_semaphore(%run_scoped3A_58 : memref<!tpu.dma_semaphore, #tpu.memory_space<semaphore_mem>>)
      %dma_wait3A = arith.constant 0 : i32
      %dma_wait3A_70 = arith.constant 0 : i32
      %dma_wait3A_71 = tpu.memref_slice %arg6[%dma_wait3A, %dma_wait3A_70] : memref<81x128xi32, #tpu.memory_space<vmem>> -> memref<78x128xi32, #tpu.memory_space<vmem>>
      %dma_wait3A_72 = arith.constant 0 : i32
      %dma_wait3A_73 = tpu.memref_slice %arg3[%run_scoped3A_39, %mul3A_38, %dma_wait3A_72] : memref<2x2500x128xi32, #tpu.memory_space<hbm>> -> memref<1x78x128xi32, #tpu.memory_space<hbm>>
      %dma_wait3A_74 = tpu.memref_squeeze %dma_wait3A_73 : memref<1x78x128xi32, #tpu.memory_space<hbm>> -> memref<78x128xi32, #tpu.memory_space<hbm>>
      %dma_wait3A_75 = arith.constant 0 : i32
      %dma_wait3A_76 = arith.constant 0 : i32
      %dma_wait3A_77 = tpu.memref_slice %arg6[%dma_wait3A_75, %dma_wait3A_76] : memref<81x128xi32, #tpu.memory_space<vmem>> -> memref<78x128xi32, #tpu.memory_space<vmem>>
      %dma_wait3A_78 = arith.constant 0 : i32
      %dma_wait3A_79 = tpu.memref_slice %arg3[%run_scoped3A_39, %mul3A_38, %dma_wait3A_78] : memref<2x2500x128xi32, #tpu.memory_space<hbm>> -> memref<1x78x128xi32, #tpu.memory_space<hbm>>
      %dma_wait3A_80 = tpu.memref_squeeze %dma_wait3A_79 : memref<1x78x128xi32, #tpu.memory_space<hbm>> -> memref<78x128xi32, #tpu.memory_space<hbm>>
      tpu.wait_dma2 semaphore(%run_scoped3A_58 : memref<!tpu.dma_semaphore, #tpu.memory_space<semaphore_mem>>) src(%dma_wait3A_80 : memref<78x128xi32, #tpu.memory_space<hbm>>) dst(%dma_wait3A_77 : memref<78x128xi32, #tpu.memory_space<vmem>>)
      tpu.yield
    }) : () -> ()
    %lt3A = arith.constant 4 : i32
    %lt3A_40 = arith.cmpi slt, %add3A, %lt3A : i32
    %convert_element_type3A = arith.extui %lt3A_40 : i1 to i32
    %cond3A = arith.constant 0 : i32
    %cond3A_41 = arith.cmpi ne, %convert_element_type3A, %cond3A : i32
    scf.if %cond3A_41 {
      %add3A_58 = arith.constant 2496 : i32
      %add3A_59 = arith.addi %add3A_58, %add3A : i32
      %run_scoped3A_60 = arith.constant 0 : i32
      "tpu.region"() ({
        %run_scoped3A_64 = tpu.sem_alloc : memref<!tpu.dma_semaphore, #tpu.memory_space<semaphore_mem>>
        %dma_start3A = arith.constant 80 : i32
        %dma_start3A_65 = arith.constant 0 : i32
        %dma_start3A_66 = tpu.memref_slice %arg5[%dma_start3A, %dma_start3A_65] : memref<81x128xi32, #tpu.memory_space<vmem>> -> memref<1x128xi32, #tpu.memory_space<vmem>>
        %dma_start3A_67 = arith.constant 0 : i32
        %dma_start3A_68 = tpu.memref_slice %arg3[%run_scoped3A_60, %add3A_59, %dma_start3A_67] : memref<2x2500x128xi32, #tpu.memory_space<hbm>> -> memref<1x1x128xi32, #tpu.memory_space<hbm>>
        %dma_start3A_69 = tpu.memref_squeeze %dma_start3A_68 : memref<1x1x128xi32, #tpu.memory_space<hbm>> -> memref<1x128xi32, #tpu.memory_space<hbm>>
        %dma_start3A_70 = arith.constant 80 : i32
        %dma_start3A_71 = arith.constant 0 : i32
        %dma_start3A_72 = tpu.memref_slice %arg5[%dma_start3A_70, %dma_start3A_71] : memref<81x128xi32, #tpu.memory_space<vmem>> -> memref<1x128xi32, #tpu.memory_space<vmem>>
        %dma_start3A_73 = arith.constant 0 : i32
        %dma_start3A_74 = tpu.memref_slice %arg3[%run_scoped3A_60, %add3A_59, %dma_start3A_73] : memref<2x2500x128xi32, #tpu.memory_space<hbm>> -> memref<1x1x128xi32, #tpu.memory_space<hbm>>
        %dma_start3A_75 = tpu.memref_squeeze %dma_start3A_74 : memref<1x1x128xi32, #tpu.memory_space<hbm>> -> memref<1x128xi32, #tpu.memory_space<hbm>>
        tpu.enqueue_dma source(%dma_start3A_75 : memref<1x128xi32, #tpu.memory_space<hbm>>) target(%dma_start3A_72 : memref<1x128xi32, #tpu.memory_space<vmem>>) target_semaphore(%run_scoped3A_64 : memref<!tpu.dma_semaphore, #tpu.memory_space<semaphore_mem>>)
        %dma_wait3A = arith.constant 80 : i32
        %dma_wait3A_76 = arith.constant 0 : i32
        %dma_wait3A_77 = tpu.memref_slice %arg5[%dma_wait3A, %dma_wait3A_76] : memref<81x128xi32, #tpu.memory_space<vmem>> -> memref<1x128xi32, #tpu.memory_space<vmem>>
        %dma_wait3A_78 = arith.constant 0 : i32
        %dma_wait3A_79 = tpu.memref_slice %arg3[%run_scoped3A_60, %add3A_59, %dma_wait3A_78] : memref<2x2500x128xi32, #tpu.memory_space<hbm>> -> memref<1x1x128xi32, #tpu.memory_space<hbm>>
        %dma_wait3A_80 = tpu.memref_squeeze %dma_wait3A_79 : memref<1x1x128xi32, #tpu.memory_space<hbm>> -> memref<1x128xi32, #tpu.memory_space<hbm>>
        %dma_wait3A_81 = arith.constant 80 : i32
        %dma_wait3A_82 = arith.constant 0 : i32
        %dma_wait3A_83 = tpu.memref_slice %arg5[%dma_wait3A_81, %dma_wait3A_82] : memref<81x128xi32, #tpu.memory_space<vmem>> -> memref<1x128xi32, #tpu.memory_space<vmem>>
        %dma_wait3A_84 = arith.constant 0 : i32
        %dma_wait3A_85 = tpu.memref_slice %arg3[%run_scoped3A_60, %add3A_59, %dma_wait3A_84] : memref<2x2500x128xi32, #tpu.memory_space<hbm>> -> memref<1x1x128xi32, #tpu.memory_space<hbm>>
        %dma_wait3A_86 = tpu.memref_squeeze %dma_wait3A_85 : memref<1x1x128xi32, #tpu.memory_space<hbm>> -> memref<1x128xi32, #tpu.memory_space<hbm>>
        tpu.wait_dma2 semaphore(%run_scoped3A_64 : memref<!tpu.dma_semaphore, #tpu.memory_space<semaphore_mem>>) src(%dma_wait3A_86 : memref<1x128xi32, #tpu.memory_space<hbm>>) dst(%dma_wait3A_83 : memref<1x128xi32, #tpu.memory_space<vmem>>)
        tpu.yield
      }) : () -> ()
      %add3A_61 = arith.constant 2496 : i32
      %add3A_62 = arith.addi %add3A_61, %add3A : i32
      %run_scoped3A_63 = arith.constant 1 : i32
      "tpu.region"() ({
        %run_scoped3A_64 = tpu.sem_alloc : memref<!tpu.dma_semaphore, #tpu.memory_space<semaphore_mem>>
        %dma_start3A = arith.constant 80 : i32
        %dma_start3A_65 = arith.constant 0 : i32
        %dma_start3A_66 = tpu.memref_slice %arg6[%dma_start3A, %dma_start3A_65] : memref<81x128xi32, #tpu.memory_space<vmem>> -> memref<1x128xi32, #tpu.memory_space<vmem>>
        %dma_start3A_67 = arith.constant 0 : i32
        %dma_start3A_68 = tpu.memref_slice %arg3[%run_scoped3A_63, %add3A_62, %dma_start3A_67] : memref<2x2500x128xi32, #tpu.memory_space<hbm>> -> memref<1x1x128xi32, #tpu.memory_space<hbm>>
        %dma_start3A_69 = tpu.memref_squeeze %dma_start3A_68 : memref<1x1x128xi32, #tpu.memory_space<hbm>> -> memref<1x128xi32, #tpu.memory_space<hbm>>
        %dma_start3A_70 = arith.constant 80 : i32
        %dma_start3A_71 = arith.constant 0 : i32
        %dma_start3A_72 = tpu.memref_slice %arg6[%dma_start3A_70, %dma_start3A_71] : memref<81x128xi32, #tpu.memory_space<vmem>> -> memref<1x128xi32, #tpu.memory_space<vmem>>
        %dma_start3A_73 = arith.constant 0 : i32
        %dma_start3A_74 = tpu.memref_slice %arg3[%run_scoped3A_63, %add3A_62, %dma_start3A_73] : memref<2x2500x128xi32, #tpu.memory_space<hbm>> -> memref<1x1x128xi32, #tpu.memory_space<hbm>>
        %dma_start3A_75 = tpu.memref_squeeze %dma_start3A_74 : memref<1x1x128xi32, #tpu.memory_space<hbm>> -> memref<1x128xi32, #tpu.memory_space<hbm>>
        tpu.enqueue_dma source(%dma_start3A_75 : memref<1x128xi32, #tpu.memory_space<hbm>>) target(%dma_start3A_72 : memref<1x128xi32, #tpu.memory_space<vmem>>) target_semaphore(%run_scoped3A_64 : memref<!tpu.dma_semaphore, #tpu.memory_space<semaphore_mem>>)
        %dma_wait3A = arith.constant 80 : i32
        %dma_wait3A_76 = arith.constant 0 : i32
        %dma_wait3A_77 = tpu.memref_slice %arg6[%dma_wait3A, %dma_wait3A_76] : memref<81x128xi32, #tpu.memory_space<vmem>> -> memref<1x128xi32, #tpu.memory_space<vmem>>
        %dma_wait3A_78 = arith.constant 0 : i32
        %dma_wait3A_79 = tpu.memref_slice %arg3[%run_scoped3A_63, %add3A_62, %dma_wait3A_78] : memref<2x2500x128xi32, #tpu.memory_space<hbm>> -> memref<1x1x128xi32, #tpu.memory_space<hbm>>
        %dma_wait3A_80 = tpu.memref_squeeze %dma_wait3A_79 : memref<1x1x128xi32, #tpu.memory_space<hbm>> -> memref<1x128xi32, #tpu.memory_space<hbm>>
        %dma_wait3A_81 = arith.constant 80 : i32
        %dma_wait3A_82 = arith.constant 0 : i32
        %dma_wait3A_83 = tpu.memref_slice %arg6[%dma_wait3A_81, %dma_wait3A_82] : memref<81x128xi32, #tpu.memory_space<vmem>> -> memref<1x128xi32, #tpu.memory_space<vmem>>
        %dma_wait3A_84 = arith.constant 0 : i32
        %dma_wait3A_85 = tpu.memref_slice %arg3[%run_scoped3A_63, %add3A_62, %dma_wait3A_84] : memref<2x2500x128xi32, #tpu.memory_space<hbm>> -> memref<1x1x128xi32, #tpu.memory_space<hbm>>
        %dma_wait3A_86 = tpu.memref_squeeze %dma_wait3A_85 : memref<1x1x128xi32, #tpu.memory_space<hbm>> -> memref<1x128xi32, #tpu.memory_space<hbm>>
        tpu.wait_dma2 semaphore(%run_scoped3A_64 : memref<!tpu.dma_semaphore, #tpu.memory_space<semaphore_mem>>) src(%dma_wait3A_86 : memref<1x128xi32, #tpu.memory_space<hbm>>) dst(%dma_wait3A_83 : memref<1x128xi32, #tpu.memory_space<vmem>>)
        tpu.yield
      }) : () -> ()
    } else {
    }
    %barrier3A = arith.constant 0 : index
    tpu.barrier barrier_id(%barrier3A)
    %scan3A_42 = arith.constant 0 : i32
    %scan3A_43 = arith.constant 0 : i32
    %scan3A_44 = arith.constant 39 : i32
    %scan3A_45 = arith.addi %scan3A_43, %scan3A_44 : i32
    %scan3A_46 = arith.constant 1 : i32
    scf.for %scan3A_58 = %scan3A_43 to %scan3A_45 step %scan3A_46  : i32 {
      %mul3A_59 = arith.constant 2 : i32
      %mul3A_60 = arith.muli %scan3A_58, %mul3A_59 : i32
      %add3A_61 = arith.constant 0 : i32
      %add3A_62 = arith.addi %mul3A_60, %add3A_61 : i32
      %dma_start3A = arith.constant 0 : i32
      %dma_start3A_63 = arith.constant 0 : i32
      %dma_start3A_64 = arith.constant 0 : i32
      %dma_start3A_65 = tpu.memref_slice %arg7[%dma_start3A, %dma_start3A_63, %dma_start3A_64] : memref<2x128x64xf32, #tpu.memory_space<vmem>> -> memref<1x128x64xf32, #tpu.memory_space<vmem>>
      %dma_start3A_66 = tpu.memref_squeeze %dma_start3A_65 : memref<1x128x64xf32, #tpu.memory_space<vmem>> -> memref<128x64xf32, #tpu.memory_space<vmem>>
      %dma_start3A_67 = arith.constant 0 : i32
      %dma_start3A_68 = tpu.memref_slice %arg5[%add3A_62, %dma_start3A_67] : memref<81x128xi32, #tpu.memory_space<vmem>> -> memref<1x128xi32, #tpu.memory_space<vmem>>
      %dma_start3A_69 = tpu.memref_squeeze %dma_start3A_68 : memref<1x128xi32, #tpu.memory_space<vmem>> -> memref<128xi32, #tpu.memory_space<vmem>>
      %dma_start3A_70 = arith.constant 0 : i32
      %dma_start3A_71 = arith.constant 0 : i32
      %dma_start3A_72 = tpu.memref_slice %arg8[%dma_start3A_70, %dma_start3A_71] : memref<10240x64xf32, #tpu.memory_space<vmem_shared>> -> memref<10240x64xf32, #tpu.memory_space<vmem_shared>>
      tpu.enqueue_indirect_dma source(%dma_start3A_72 : memref<10240x64xf32, #tpu.memory_space<vmem_shared>>) target(%dma_start3A_66 : memref<128x64xf32, #tpu.memory_space<vmem>>) offsets(%dma_start3A_69 : memref<128xi32, #tpu.memory_space<vmem>>) semaphore(%arg10 : memref<!tpu.dma_semaphore, #tpu.memory_space<semaphore_mem>>)
      %add3A_73 = arith.constant 1 : i32
      %add3A_74 = arith.addi %mul3A_60, %add3A_73 : i32
      %dma_start3A_75 = arith.constant 1 : i32
      %dma_start3A_76 = arith.constant 0 : i32
      %dma_start3A_77 = arith.constant 0 : i32
      %dma_start3A_78 = tpu.memref_slice %arg7[%dma_start3A_75, %dma_start3A_76, %dma_start3A_77] : memref<2x128x64xf32, #tpu.memory_space<vmem>> -> memref<1x128x64xf32, #tpu.memory_space<vmem>>
      %dma_start3A_79 = tpu.memref_squeeze %dma_start3A_78 : memref<1x128x64xf32, #tpu.memory_space<vmem>> -> memref<128x64xf32, #tpu.memory_space<vmem>>
      %dma_start3A_80 = arith.constant 0 : i32
      %dma_start3A_81 = tpu.memref_slice %arg5[%add3A_74, %dma_start3A_80] : memref<81x128xi32, #tpu.memory_space<vmem>> -> memref<1x128xi32, #tpu.memory_space<vmem>>
      %dma_start3A_82 = tpu.memref_squeeze %dma_start3A_81 : memref<1x128xi32, #tpu.memory_space<vmem>> -> memref<128xi32, #tpu.memory_space<vmem>>
      %dma_start3A_83 = arith.constant 0 : i32
      %dma_start3A_84 = arith.constant 0 : i32
      %dma_start3A_85 = tpu.memref_slice %arg8[%dma_start3A_83, %dma_start3A_84] : memref<10240x64xf32, #tpu.memory_space<vmem_shared>> -> memref<10240x64xf32, #tpu.memory_space<vmem_shared>>
      tpu.enqueue_indirect_dma source(%dma_start3A_85 : memref<10240x64xf32, #tpu.memory_space<vmem_shared>>) target(%dma_start3A_79 : memref<128x64xf32, #tpu.memory_space<vmem>>) offsets(%dma_start3A_82 : memref<128xi32, #tpu.memory_space<vmem>>) semaphore(%arg10 : memref<!tpu.dma_semaphore, #tpu.memory_space<semaphore_mem>>)
      %dma_wait3A = arith.constant 0 : i32
      %dma_wait3A_86 = arith.constant 0 : i32
      %dma_wait3A_87 = arith.constant 0 : i32
      %dma_wait3A_88 = tpu.memref_slice %arg7[%dma_wait3A, %dma_wait3A_86, %dma_wait3A_87] : memref<2x128x64xf32, #tpu.memory_space<vmem>> -> memref<1x128x64xf32, #tpu.memory_space<vmem>>
      %dma_wait3A_89 = tpu.memref_squeeze %dma_wait3A_88 : memref<1x128x64xf32, #tpu.memory_space<vmem>> -> memref<128x64xf32, #tpu.memory_space<vmem>>
      %dma_wait3A_90 = arith.constant 0 : i32
      %dma_wait3A_91 = tpu.memref_slice %arg5[%add3A_62, %dma_wait3A_90] : memref<81x128xi32, #tpu.memory_space<vmem>> -> memref<1x128xi32, #tpu.memory_space<vmem>>
      %dma_wait3A_92 = tpu.memref_squeeze %dma_wait3A_91 : memref<1x128xi32, #tpu.memory_space<vmem>> -> memref<128xi32, #tpu.memory_space<vmem>>
      %dma_wait3A_93 = arith.constant 0 : i32
      %dma_wait3A_94 = arith.constant 0 : i32
      %dma_wait3A_95 = tpu.memref_slice %arg8[%dma_wait3A_93, %dma_wait3A_94] : memref<10240x64xf32, #tpu.memory_space<vmem_shared>> -> memref<10240x64xf32, #tpu.memory_space<vmem_shared>>
      tpu.wait_indirect_dma semaphore(%arg10 : memref<!tpu.dma_semaphore, #tpu.memory_space<semaphore_mem>>) src(%dma_wait3A_95 : memref<10240x64xf32, #tpu.memory_space<vmem_shared>>) dst(%dma_wait3A_89 : memref<128x64xf32, #tpu.memory_space<vmem>>)
      %dma_wait3A_96 = arith.constant 1 : i32
      %dma_wait3A_97 = arith.constant 0 : i32
      %dma_wait3A_98 = arith.constant 0 : i32
      %dma_wait3A_99 = tpu.memref_slice %arg7[%dma_wait3A_96, %dma_wait3A_97, %dma_wait3A_98] : memref<2x128x64xf32, #tpu.memory_space<vmem>> -> memref<1x128x64xf32, #tpu.memory_space<vmem>>
      %dma_wait3A_100 = tpu.memref_squeeze %dma_wait3A_99 : memref<1x128x64xf32, #tpu.memory_space<vmem>> -> memref<128x64xf32, #tpu.memory_space<vmem>>
      %dma_wait3A_101 = arith.constant 0 : i32
      %dma_wait3A_102 = tpu.memref_slice %arg5[%add3A_74, %dma_wait3A_101] : memref<81x128xi32, #tpu.memory_space<vmem>> -> memref<1x128xi32, #tpu.memory_space<vmem>>
      %dma_wait3A_103 = tpu.memref_squeeze %dma_wait3A_102 : memref<1x128xi32, #tpu.memory_space<vmem>> -> memref<128xi32, #tpu.memory_space<vmem>>
      %dma_wait3A_104 = arith.constant 0 : i32
      %dma_wait3A_105 = arith.constant 0 : i32
      %dma_wait3A_106 = tpu.memref_slice %arg8[%dma_wait3A_104, %dma_wait3A_105] : memref<10240x64xf32, #tpu.memory_space<vmem_shared>> -> memref<10240x64xf32, #tpu.memory_space<vmem_shared>>
      tpu.wait_indirect_dma semaphore(%arg10 : memref<!tpu.dma_semaphore, #tpu.memory_space<semaphore_mem>>) src(%dma_wait3A_106 : memref<10240x64xf32, #tpu.memory_space<vmem_shared>>) dst(%dma_wait3A_100 : memref<128x64xf32, #tpu.memory_space<vmem>>)
      %add3A_107 = arith.constant 0 : i32
      %add3A_108 = arith.addi %mul3A_60, %add3A_107 : i32
      %dma_start3A_109 = arith.constant 0 : i32
      %dma_start3A_110 = arith.constant 0 : i32
      %dma_start3A_111 = arith.constant 0 : i32
      %dma_start3A_112 = tpu.memref_slice %arg7[%dma_start3A_109, %dma_start3A_110, %dma_start3A_111] : memref<2x128x64xf32, #tpu.memory_space<vmem>> -> memref<1x128x64xf32, #tpu.memory_space<vmem>>
      %dma_start3A_113 = tpu.memref_squeeze %dma_start3A_112 : memref<1x128x64xf32, #tpu.memory_space<vmem>> -> memref<128x64xf32, #tpu.memory_space<vmem>>
      %dma_start3A_114 = arith.constant 0 : i32
      %dma_start3A_115 = tpu.memref_slice %arg6[%add3A_108, %dma_start3A_114] : memref<81x128xi32, #tpu.memory_space<vmem>> -> memref<1x128xi32, #tpu.memory_space<vmem>>
      %dma_start3A_116 = tpu.memref_squeeze %dma_start3A_115 : memref<1x128xi32, #tpu.memory_space<vmem>> -> memref<128xi32, #tpu.memory_space<vmem>>
      %dma_start3A_117 = arith.constant 0 : i32
      %dma_start3A_118 = arith.constant 0 : i32
      %dma_start3A_119 = tpu.memref_slice %arg9[%dma_start3A_117, %dma_start3A_118] : memref<10240x64xf32, #tpu.memory_space<vmem_shared>> -> memref<10240x64xf32, #tpu.memory_space<vmem_shared>>
      tpu.enqueue_indirect_dma source(%dma_start3A_113 : memref<128x64xf32, #tpu.memory_space<vmem>>) target(%dma_start3A_119 : memref<10240x64xf32, #tpu.memory_space<vmem_shared>>) offsets(%dma_start3A_116 : memref<128xi32, #tpu.memory_space<vmem>>) semaphore(%arg11 : memref<!tpu.dma_semaphore, #tpu.memory_space<semaphore_mem>>) {add = true}
      %add3A_120 = arith.constant 1 : i32
      %add3A_121 = arith.addi %mul3A_60, %add3A_120 : i32
      %dma_start3A_122 = arith.constant 1 : i32
      %dma_start3A_123 = arith.constant 0 : i32
      %dma_start3A_124 = arith.constant 0 : i32
      %dma_start3A_125 = tpu.memref_slice %arg7[%dma_start3A_122, %dma_start3A_123, %dma_start3A_124] : memref<2x128x64xf32, #tpu.memory_space<vmem>> -> memref<1x128x64xf32, #tpu.memory_space<vmem>>
      %dma_start3A_126 = tpu.memref_squeeze %dma_start3A_125 : memref<1x128x64xf32, #tpu.memory_space<vmem>> -> memref<128x64xf32, #tpu.memory_space<vmem>>
      %dma_start3A_127 = arith.constant 0 : i32
      %dma_start3A_128 = tpu.memref_slice %arg6[%add3A_121, %dma_start3A_127] : memref<81x128xi32, #tpu.memory_space<vmem>> -> memref<1x128xi32, #tpu.memory_space<vmem>>
      %dma_start3A_129 = tpu.memref_squeeze %dma_start3A_128 : memref<1x128xi32, #tpu.memory_space<vmem>> -> memref<128xi32, #tpu.memory_space<vmem>>
      %dma_start3A_130 = arith.constant 0 : i32
      %dma_start3A_131 = arith.constant 0 : i32
      %dma_start3A_132 = tpu.memref_slice %arg9[%dma_start3A_130, %dma_start3A_131] : memref<10240x64xf32, #tpu.memory_space<vmem_shared>> -> memref<10240x64xf32, #tpu.memory_space<vmem_shared>>
      tpu.enqueue_indirect_dma source(%dma_start3A_126 : memref<128x64xf32, #tpu.memory_space<vmem>>) target(%dma_start3A_132 : memref<10240x64xf32, #tpu.memory_space<vmem_shared>>) offsets(%dma_start3A_129 : memref<128xi32, #tpu.memory_space<vmem>>) semaphore(%arg11 : memref<!tpu.dma_semaphore, #tpu.memory_space<semaphore_mem>>) {add = true}
      %dma_wait3A_133 = arith.constant 0 : i32
      %dma_wait3A_134 = arith.constant 0 : i32
      %dma_wait3A_135 = arith.constant 0 : i32
      %dma_wait3A_136 = tpu.memref_slice %arg7[%dma_wait3A_133, %dma_wait3A_134, %dma_wait3A_135] : memref<2x128x64xf32, #tpu.memory_space<vmem>> -> memref<1x128x64xf32, #tpu.memory_space<vmem>>
      %dma_wait3A_137 = tpu.memref_squeeze %dma_wait3A_136 : memref<1x128x64xf32, #tpu.memory_space<vmem>> -> memref<128x64xf32, #tpu.memory_space<vmem>>
      %dma_wait3A_138 = arith.constant 0 : i32
      %dma_wait3A_139 = tpu.memref_slice %arg6[%add3A_108, %dma_wait3A_138] : memref<81x128xi32, #tpu.memory_space<vmem>> -> memref<1x128xi32, #tpu.memory_space<vmem>>
      %dma_wait3A_140 = tpu.memref_squeeze %dma_wait3A_139 : memref<1x128xi32, #tpu.memory_space<vmem>> -> memref<128xi32, #tpu.memory_space<vmem>>
      %dma_wait3A_141 = arith.constant 0 : i32
      %dma_wait3A_142 = arith.constant 0 : i32
      %dma_wait3A_143 = tpu.memref_slice %arg9[%dma_wait3A_141, %dma_wait3A_142] : memref<10240x64xf32, #tpu.memory_space<vmem_shared>> -> memref<10240x64xf32, #tpu.memory_space<vmem_shared>>
      tpu.wait_indirect_dma semaphore(%arg11 : memref<!tpu.dma_semaphore, #tpu.memory_space<semaphore_mem>>) src(%dma_wait3A_137 : memref<128x64xf32, #tpu.memory_space<vmem>>) dst(%dma_wait3A_143 : memref<10240x64xf32, #tpu.memory_space<vmem_shared>>)
      %dma_wait3A_144 = arith.constant 1 : i32
      %dma_wait3A_145 = arith.constant 0 : i32
      %dma_wait3A_146 = arith.constant 0 : i32
      %dma_wait3A_147 = tpu.memref_slice %arg7[%dma_wait3A_144, %dma_wait3A_145, %dma_wait3A_146] : memref<2x128x64xf32, #tpu.memory_space<vmem>> -> memref<1x128x64xf32, #tpu.memory_space<vmem>>
      %dma_wait3A_148 = tpu.memref_squeeze %dma_wait3A_147 : memref<1x128x64xf32, #tpu.memory_space<vmem>> -> memref<128x64xf32, #tpu.memory_space<vmem>>
      %dma_wait3A_149 = arith.constant 0 : i32
      %dma_wait3A_150 = tpu.memref_slice %arg6[%add3A_121, %dma_wait3A_149] : memref<81x128xi32, #tpu.memory_space<vmem>> -> memref<1x128xi32, #tpu.memory_space<vmem>>
      %dma_wait3A_151 = tpu.memref_squeeze %dma_wait3A_150 : memref<1x128xi32, #tpu.memory_space<vmem>> -> memref<128xi32, #tpu.memory_space<vmem>>
      %dma_wait3A_152 = arith.constant 0 : i32
      %dma_wait3A_153 = arith.constant 0 : i32
      %dma_wait3A_154 = tpu.memref_slice %arg9[%dma_wait3A_152, %dma_wait3A_153] : memref<10240x64xf32, #tpu.memory_space<vmem_shared>> -> memref<10240x64xf32, #tpu.memory_space<vmem_shared>>
      tpu.wait_indirect_dma semaphore(%arg11 : memref<!tpu.dma_semaphore, #tpu.memory_space<semaphore_mem>>) src(%dma_wait3A_148 : memref<128x64xf32, #tpu.memory_space<vmem>>) dst(%dma_wait3A_154 : memref<10240x64xf32, #tpu.memory_space<vmem_shared>>)
    }
    %scan3A_47 = arith.constant 39 : i32
    %lt3A_48 = arith.constant 4 : i32
    %lt3A_49 = arith.cmpi slt, %add3A, %lt3A_48 : i32
    %convert_element_type3A_50 = arith.extui %lt3A_49 : i1 to i32
    %cond3A_51 = arith.constant 0 : i32
    %cond3A_52 = arith.cmpi ne, %convert_element_type3A_50, %cond3A_51 : i32
    scf.if %cond3A_52 {
      %dma_start3A = arith.constant 80 : i32
      %dma_start3A_58 = arith.constant 0 : i32
      %dma_start3A_59 = arith.constant 0 : i32
      %dma_start3A_60 = arith.constant 0 : i32
      %dma_start3A_61 = tpu.memref_slice %arg7[%dma_start3A_58, %dma_start3A_59, %dma_start3A_60] : memref<2x128x64xf32, #tpu.memory_space<vmem>> -> memref<1x128x64xf32, #tpu.memory_space<vmem>>
      %dma_start3A_62 = tpu.memref_squeeze %dma_start3A_61 : memref<1x128x64xf32, #tpu.memory_space<vmem>> -> memref<128x64xf32, #tpu.memory_space<vmem>>
      %dma_start3A_63 = arith.constant 0 : i32
      %dma_start3A_64 = tpu.memref_slice %arg5[%dma_start3A, %dma_start3A_63] : memref<81x128xi32, #tpu.memory_space<vmem>> -> memref<1x128xi32, #tpu.memory_space<vmem>>
      %dma_start3A_65 = tpu.memref_squeeze %dma_start3A_64 : memref<1x128xi32, #tpu.memory_space<vmem>> -> memref<128xi32, #tpu.memory_space<vmem>>
      %dma_start3A_66 = arith.constant 0 : i32
      %dma_start3A_67 = arith.constant 0 : i32
      %dma_start3A_68 = tpu.memref_slice %arg8[%dma_start3A_66, %dma_start3A_67] : memref<10240x64xf32, #tpu.memory_space<vmem_shared>> -> memref<10240x64xf32, #tpu.memory_space<vmem_shared>>
      tpu.enqueue_indirect_dma source(%dma_start3A_68 : memref<10240x64xf32, #tpu.memory_space<vmem_shared>>) target(%dma_start3A_62 : memref<128x64xf32, #tpu.memory_space<vmem>>) offsets(%dma_start3A_65 : memref<128xi32, #tpu.memory_space<vmem>>) semaphore(%arg10 : memref<!tpu.dma_semaphore, #tpu.memory_space<semaphore_mem>>)
      %dma_wait3A = arith.constant 80 : i32
      %dma_wait3A_69 = arith.constant 0 : i32
      %dma_wait3A_70 = arith.constant 0 : i32
      %dma_wait3A_71 = arith.constant 0 : i32
      %dma_wait3A_72 = tpu.memref_slice %arg7[%dma_wait3A_69, %dma_wait3A_70, %dma_wait3A_71] : memref<2x128x64xf32, #tpu.memory_space<vmem>> -> memref<1x128x64xf32, #tpu.memory_space<vmem>>
      %dma_wait3A_73 = tpu.memref_squeeze %dma_wait3A_72 : memref<1x128x64xf32, #tpu.memory_space<vmem>> -> memref<128x64xf32, #tpu.memory_space<vmem>>
      %dma_wait3A_74 = arith.constant 0 : i32
      %dma_wait3A_75 = tpu.memref_slice %arg5[%dma_wait3A, %dma_wait3A_74] : memref<81x128xi32, #tpu.memory_space<vmem>> -> memref<1x128xi32, #tpu.memory_space<vmem>>
      %dma_wait3A_76 = tpu.memref_squeeze %dma_wait3A_75 : memref<1x128xi32, #tpu.memory_space<vmem>> -> memref<128xi32, #tpu.memory_space<vmem>>
      %dma_wait3A_77 = arith.constant 0 : i32
      %dma_wait3A_78 = arith.constant 0 : i32
      %dma_wait3A_79 = tpu.memref_slice %arg8[%dma_wait3A_77, %dma_wait3A_78] : memref<10240x64xf32, #tpu.memory_space<vmem_shared>> -> memref<10240x64xf32, #tpu.memory_space<vmem_shared>>
      tpu.wait_indirect_dma semaphore(%arg10 : memref<!tpu.dma_semaphore, #tpu.memory_space<semaphore_mem>>) src(%dma_wait3A_79 : memref<10240x64xf32, #tpu.memory_space<vmem_shared>>) dst(%dma_wait3A_73 : memref<128x64xf32, #tpu.memory_space<vmem>>)
      %run_scoped3A_80 = arith.constant 0 : i32
      %run_scoped3A_81 = arith.constant 80 : i32
      "tpu.region"() ({
        %run_scoped3A_82 = tpu.sem_alloc : memref<!tpu.dma_semaphore, #tpu.memory_space<semaphore_mem>>
        %dma_start3A_83 = arith.constant 0 : i32
        %dma_start3A_84 = arith.constant 0 : i32
        %dma_start3A_85 = tpu.memref_slice %arg7[%run_scoped3A_80, %dma_start3A_83, %dma_start3A_84] : memref<2x128x64xf32, #tpu.memory_space<vmem>> -> memref<1x128x64xf32, #tpu.memory_space<vmem>>
        %dma_start3A_86 = tpu.memref_squeeze %dma_start3A_85 : memref<1x128x64xf32, #tpu.memory_space<vmem>> -> memref<128x64xf32, #tpu.memory_space<vmem>>
        %dma_start3A_87 = arith.constant 0 : i32
        %dma_start3A_88 = tpu.memref_slice %arg6[%run_scoped3A_81, %dma_start3A_87] : memref<81x128xi32, #tpu.memory_space<vmem>> -> memref<1x128xi32, #tpu.memory_space<vmem>>
        %dma_start3A_89 = tpu.memref_squeeze %dma_start3A_88 : memref<1x128xi32, #tpu.memory_space<vmem>> -> memref<128xi32, #tpu.memory_space<vmem>>
        %dma_start3A_90 = arith.constant 0 : i32
        %dma_start3A_91 = arith.constant 0 : i32
        %dma_start3A_92 = tpu.memref_slice %arg9[%dma_start3A_90, %dma_start3A_91] : memref<10240x64xf32, #tpu.memory_space<vmem_shared>> -> memref<10240x64xf32, #tpu.memory_space<vmem_shared>>
        tpu.enqueue_indirect_dma source(%dma_start3A_86 : memref<128x64xf32, #tpu.memory_space<vmem>>) target(%dma_start3A_92 : memref<10240x64xf32, #tpu.memory_space<vmem_shared>>) offsets(%dma_start3A_89 : memref<128xi32, #tpu.memory_space<vmem>>) semaphore(%run_scoped3A_82 : memref<!tpu.dma_semaphore, #tpu.memory_space<semaphore_mem>>) {add = true}
        %dma_wait3A_93 = arith.constant 0 : i32
        %dma_wait3A_94 = arith.constant 0 : i32
        %dma_wait3A_95 = tpu.memref_slice %arg7[%run_scoped3A_80, %dma_wait3A_93, %dma_wait3A_94] : memref<2x128x64xf32, #tpu.memory_space<vmem>> -> memref<1x128x64xf32, #tpu.memory_space<vmem>>
        %dma_wait3A_96 = tpu.memref_squeeze %dma_wait3A_95 : memref<1x128x64xf32, #tpu.memory_space<vmem>> -> memref<128x64xf32, #tpu.memory_space<vmem>>
        %dma_wait3A_97 = arith.constant 0 : i32
        %dma_wait3A_98 = tpu.memref_slice %arg6[%run_scoped3A_81, %dma_wait3A_97] : memref<81x128xi32, #tpu.memory_space<vmem>> -> memref<1x128xi32, #tpu.memory_space<vmem>>
        %dma_wait3A_99 = tpu.memref_squeeze %dma_wait3A_98 : memref<1x128xi32, #tpu.memory_space<vmem>> -> memref<128xi32, #tpu.memory_space<vmem>>
        %dma_wait3A_100 = arith.constant 0 : i32
        %dma_wait3A_101 = arith.constant 0 : i32
        %dma_wait3A_102 = tpu.memref_slice %arg9[%dma_wait3A_100, %dma_wait3A_101] : memref<10240x64xf32, #tpu.memory_space<vmem_shared>> -> memref<10240x64xf32, #tpu.memory_space<vmem_shared>>
        tpu.wait_indirect_dma semaphore(%run_scoped3A_82 : memref<!tpu.dma_semaphore, #tpu.memory_space<semaphore_mem>>) src(%dma_wait3A_96 : memref<128x64xf32, #tpu.memory_space<vmem>>) dst(%dma_wait3A_102 : memref<10240x64xf32, #tpu.memory_space<vmem_shared>>)
        tpu.yield
      }) : () -> ()
    } else {
    }
    %barrier3A_53 = arith.constant 0 : index
    tpu.barrier barrier_id(%barrier3A_53)
    %mul3A_54 = arith.constant 640 : i32
    %mul3A_55 = arith.muli %arg1, %mul3A_54 : i32
    %mul3A_56 = arith.constant 640 : i32
    %mul3A_57 = arith.muli %arg1, %mul3A_56 : i32
    "tpu.region"() ({
      %run_scoped3A_58 = tpu.sem_alloc : memref<!tpu.dma_semaphore, #tpu.memory_space<semaphore_mem>>
      %dma_start3A = arith.constant 0 : i32
      %dma_start3A_59 = tpu.memref_slice %arg4[%arg0, %mul3A_57, %dma_start3A] : memref<2x10240x64xf32, #tpu.memory_space<hbm>> -> memref<1x640x64xf32, #tpu.memory_space<hbm>>
      %dma_start3A_60 = tpu.memref_squeeze %dma_start3A_59 : memref<1x640x64xf32, #tpu.memory_space<hbm>> -> memref<640x64xf32, #tpu.memory_space<hbm>>
      %dma_start3A_61 = arith.constant 0 : i32
      %dma_start3A_62 = tpu.memref_slice %arg9[%mul3A_55, %dma_start3A_61] : memref<10240x64xf32, #tpu.memory_space<vmem_shared>> -> memref<640x64xf32, #tpu.memory_space<vmem_shared>>
      tpu.enqueue_dma source(%dma_start3A_62 : memref<640x64xf32, #tpu.memory_space<vmem_shared>>) target(%dma_start3A_60 : memref<640x64xf32, #tpu.memory_space<hbm>>) target_semaphore(%run_scoped3A_58 : memref<!tpu.dma_semaphore, #tpu.memory_space<semaphore_mem>>)
      %dma_wait3A = arith.constant 0 : i32
      %dma_wait3A_63 = tpu.memref_slice %arg4[%arg0, %mul3A_57, %dma_wait3A] : memref<2x10240x64xf32, #tpu.memory_space<hbm>> -> memref<1x640x64xf32, #tpu.memory_space<hbm>>
      %dma_wait3A_64 = tpu.memref_squeeze %dma_wait3A_63 : memref<1x640x64xf32, #tpu.memory_space<hbm>> -> memref<640x64xf32, #tpu.memory_space<hbm>>
      %dma_wait3A_65 = arith.constant 0 : i32
      %dma_wait3A_66 = tpu.memref_slice %arg9[%mul3A_55, %dma_wait3A_65] : memref<10240x64xf32, #tpu.memory_space<vmem_shared>> -> memref<640x64xf32, #tpu.memory_space<vmem_shared>>
      tpu.wait_dma2 semaphore(%run_scoped3A_58 : memref<!tpu.dma_semaphore, #tpu.memory_space<semaphore_mem>>) src(%dma_wait3A_66 : memref<640x64xf32, #tpu.memory_space<vmem_shared>>) dst(%dma_wait3A_64 : memref<640x64xf32, #tpu.memory_space<hbm>>)
      tpu.yield
    }) : () -> ()
    return
  }
}

module attributes {stable_mosaic.version = 14 : i64} {
  func.func @_tc_mm_body(%arg0: memref<10000x128xf32, #tpu.memory_space<vmem>>, %arg1: memref<128x64xf32, #tpu.memory_space<vmem>>, %arg2: memref<10000x64xf32, #tpu.memory_space<vmem>>) attributes {dimension_semantics = [], scalar_prefetch = 0 : i64, scratch_operands = 0 : i64, tpu.core_type = #tpu.core_type<tc>} {
    %get3A = arith.constant 0 : index
    %get3A_0 = arith.constant 0 : index
    %get3A_1 = vector.load %arg0[%get3A, %get3A_0] : memref<10000x128xf32, #tpu.memory_space<vmem>>, vector<10000x128xf32>
    %get3A_2 = arith.constant 0 : index
    %get3A_3 = arith.constant 0 : index
    %get3A_4 = vector.load %arg1[%get3A_2, %get3A_3] : memref<128x64xf32, #tpu.memory_space<vmem>>, vector<128x64xf32>
    %dot_general3A = arith.constant dense<0.000000e+00> : vector<10000x64xf32>
    %dot_general3A_5 = tpu.matmul %get3A_1, %get3A_4, %dot_general3A {dimension_numbers = #tpu.dot_dimension_numbers<[1], [0], [0], [1], [0, 0, 1, 1], [], []>, transpose_lhs_hint = false} : vector<10000x128xf32>, vector<128x64xf32>, vector<10000x64xf32> -> vector<10000x64xf32>
    %swap3A = arith.constant 0 : index
    %swap3A_6 = arith.constant 0 : index
    %swap3A_7 = vector.load %arg2[%swap3A, %swap3A_6] : memref<10000x64xf32, #tpu.memory_space<vmem>>, vector<10000x64xf32>
    tpu.vector_store %arg2[%swap3A, %swap3A_6], %dot_general3A_5 {strides = array<i32>} : memref<10000x64xf32, #tpu.memory_space<vmem>>, vector<10000x64xf32>,
    return
  }
}

module attributes {stable_mosaic.version = 14 : i64} {
  func.func @_tc_scale_body(%arg0: memref<2x10240x16xf32, #tpu.memory_space<vmem>>, %arg1: memref<10000x64xf32, #tpu.memory_space<vmem>>, %arg2: memref<10240x64xf32, #tpu.memory_space<vmem>>) attributes {dimension_semantics = [], scalar_prefetch = 0 : i64, scratch_operands = 0 : i64, tpu.core_type = #tpu.core_type<tc>} {
    %get3A = arith.constant 0 : index
    %get3A_0 = arith.constant 0 : index
    %get3A_1 = arith.constant 0 : index
    %get3A_2 = vector.load %arg0[%get3A, %get3A_0, %get3A_1] : memref<2x10240x16xf32, #tpu.memory_space<vmem>>, vector<1x10000x1xf32>
    %get3A_3 = vector.shape_cast %get3A_2 : vector<1x10000x1xf32> to vector<10000x1xf32>
    %get3A_4 = arith.constant 1 : index
    %get3A_5 = arith.constant 0 : index
    %get3A_6 = arith.constant 0 : index
    %get3A_7 = vector.load %arg0[%get3A_4, %get3A_5, %get3A_6] : memref<2x10240x16xf32, #tpu.memory_space<vmem>>, vector<1x10000x1xf32>
    %get3A_8 = vector.shape_cast %get3A_7 : vector<1x10000x1xf32> to vector<10000x1xf32>
    %add3A = arith.addf %get3A_3, %get3A_8 : vector<10000x1xf32>
    %add3A_9 = arith.constant 1.000000e+00 : f32
    %add3A_10 = vector.broadcast %add3A_9 : f32 to vector<10000x1xf32>
    %add3A_11 = arith.addf %add3A, %add3A_10 : vector<10000x1xf32>
    %rsqrt3A = math.rsqrt %add3A_11 : vector<10000x1xf32>
    %get3A_12 = arith.constant 0 : index
    %get3A_13 = arith.constant 0 : index
    %get3A_14 = vector.load %arg1[%get3A_12, %get3A_13] : memref<10000x64xf32, #tpu.memory_space<vmem>>, vector<10000x64xf32>
    %mul3A = vector.broadcast %rsqrt3A : vector<10000x1xf32> to vector<10000x64xf32>
    %mul3A_15 = arith.mulf %get3A_14, %mul3A : vector<10000x64xf32>
    %swap3A = arith.constant 0 : index
    %swap3A_16 = arith.constant 0 : index
    %swap3A_17 = vector.load %arg2[%swap3A, %swap3A_16] : memref<10240x64xf32, #tpu.memory_space<vmem>>, vector<10000x64xf32>
    tpu.vector_store %arg2[%swap3A, %swap3A_16], %mul3A_15 {strides = array<i32>} : memref<10240x64xf32, #tpu.memory_space<vmem>>, vector<10000x64xf32>,
    %broadcast_in_dim3A = arith.constant 0.000000e+00 : f32
    %broadcast_in_dim3A_18 = vector.broadcast %broadcast_in_dim3A : f32 to vector<240x64xf32>
    %swap3A_19 = arith.constant 10000 : index
    %swap3A_20 = arith.constant 0 : index
    %swap3A_21 = vector.load %arg2[%swap3A_19, %swap3A_20] : memref<10240x64xf32, #tpu.memory_space<vmem>>, vector<240x64xf32>
    tpu.vector_store %arg2[%swap3A_19, %swap3A_20], %broadcast_in_dim3A_18 {strides = array<i32>} : memref<10240x64xf32, #tpu.memory_space<vmem>>, vector<240x64xf32>,
    return
  }
}

module attributes {stable_mosaic.version = 14 : i64} {
  func.func @_tc_mid_body(%arg0: memref<2x10240x64xf32, #tpu.memory_space<vmem>>, %arg1: memref<10240x64xf32, #tpu.memory_space<vmem>>, %arg2: memref<2x10240x16xf32, #tpu.memory_space<vmem>>, %arg3: memref<1x64xf32, #tpu.memory_space<vmem>>, %arg4: memref<1x64xf32, #tpu.memory_space<vmem>>, %arg5: memref<1x64xf32, #tpu.memory_space<vmem>>, %arg6: memref<64x64xf32, #tpu.memory_space<vmem>>, %arg7: memref<10240x64xf32, #tpu.memory_space<vmem>>) attributes {dimension_semantics = [], scalar_prefetch = 0 : i64, scratch_operands = 0 : i64, tpu.core_type = #tpu.core_type<tc>} {
    %get3A = arith.constant 0 : index
    %get3A_0 = arith.constant 0 : index
    %get3A_1 = arith.constant 0 : index
    %get3A_2 = vector.load %arg2[%get3A, %get3A_0, %get3A_1] : memref<2x10240x16xf32, #tpu.memory_space<vmem>>, vector<1x10000x1xf32>
    %get3A_3 = vector.shape_cast %get3A_2 : vector<1x10000x1xf32> to vector<10000x1xf32>
    %get3A_4 = arith.constant 1 : index
    %get3A_5 = arith.constant 0 : index
    %get3A_6 = arith.constant 0 : index
    %get3A_7 = vector.load %arg2[%get3A_4, %get3A_5, %get3A_6] : memref<2x10240x16xf32, #tpu.memory_space<vmem>>, vector<1x10000x1xf32>
    %get3A_8 = vector.shape_cast %get3A_7 : vector<1x10000x1xf32> to vector<10000x1xf32>
    %add3A = arith.addf %get3A_3, %get3A_8 : vector<10000x1xf32>
    %add3A_9 = arith.constant 1.000000e+00 : f32
    %add3A_10 = vector.broadcast %add3A_9 : f32 to vector<10000x1xf32>
    %add3A_11 = arith.addf %add3A, %add3A_10 : vector<10000x1xf32>
    %rsqrt3A = math.rsqrt %add3A_11 : vector<10000x1xf32>
    %get3A_12 = arith.constant 0 : index
    %get3A_13 = arith.constant 0 : index
    %get3A_14 = arith.constant 0 : index
    %get3A_15 = vector.load %arg0[%get3A_12, %get3A_13, %get3A_14] : memref<2x10240x64xf32, #tpu.memory_space<vmem>>, vector<1x10000x64xf32>
    %get3A_16 = vector.shape_cast %get3A_15 : vector<1x10000x64xf32> to vector<10000x64xf32>
    %get3A_17 = arith.constant 1 : index
    %get3A_18 = arith.constant 0 : index
    %get3A_19 = arith.constant 0 : index
    %get3A_20 = vector.load %arg0[%get3A_17, %get3A_18, %get3A_19] : memref<2x10240x64xf32, #tpu.memory_space<vmem>>, vector<1x10000x64xf32>
    %get3A_21 = vector.shape_cast %get3A_20 : vector<1x10000x64xf32> to vector<10000x64xf32>
    %add3A_22 = arith.addf %get3A_16, %get3A_21 : vector<10000x64xf32>
    %get3A_23 = arith.constant 0 : index
    %get3A_24 = arith.constant 0 : index
    %get3A_25 = vector.load %arg1[%get3A_23, %get3A_24] : memref<10240x64xf32, #tpu.memory_space<vmem>>, vector<10000x64xf32>
    %add3A_26 = arith.addf %add3A_22, %get3A_25 : vector<10000x64xf32>
    %mul3A = vector.broadcast %rsqrt3A : vector<10000x1xf32> to vector<10000x64xf32>
    %mul3A_27 = arith.mulf %add3A_26, %mul3A : vector<10000x64xf32>
    %get3A_28 = arith.constant 0 : index
    %get3A_29 = arith.constant 0 : index
    %get3A_30 = vector.load %arg3[%get3A_28, %get3A_29] : memref<1x64xf32, #tpu.memory_space<vmem>>, vector<1x64xf32>
    %add3A_31 = vector.broadcast %get3A_30 : vector<1x64xf32> to vector<10000x64xf32>
    %add3A_32 = arith.addf %mul3A_27, %add3A_31 : vector<10000x64xf32>
    %reduce_sum3A = arith.constant dense<0.000000e+00> : vector<64xf32>
    %reduce_sum3A_33 = vector.multi_reduction <add>, %add3A_32, %reduce_sum3A [0] : vector<10000x64xf32> to vector<64xf32>
    %broadcast_in_dim3A = vector.shape_cast %reduce_sum3A_33 : vector<64xf32> to vector<1x64xf32>
    %div3A = arith.constant 1.000000e+04 : f32
    %div3A_34 = vector.broadcast %div3A : f32 to vector<1x64xf32>
    %div3A_35 = arith.divf %broadcast_in_dim3A, %div3A_34 : vector<1x64xf32>
    %sub3A = vector.broadcast %div3A_35 : vector<1x64xf32> to vector<10000x64xf32>
    %sub3A_36 = arith.subf %add3A_32, %sub3A : vector<10000x64xf32>
    %square3A = arith.mulf %sub3A_36, %sub3A_36 : vector<10000x64xf32>
    %reduce_sum3A_37 = arith.constant dense<0.000000e+00> : vector<64xf32>
    %reduce_sum3A_38 = vector.multi_reduction <add>, %square3A, %reduce_sum3A_37 [0] : vector<10000x64xf32> to vector<64xf32>
    %broadcast_in_dim3A_39 = vector.shape_cast %reduce_sum3A_38 : vector<64xf32> to vector<1x64xf32>
    %div3A_40 = arith.constant 1.000000e+04 : f32
    %div3A_41 = vector.broadcast %div3A_40 : f32 to vector<1x64xf32>
    %div3A_42 = arith.divf %broadcast_in_dim3A_39, %div3A_41 : vector<1x64xf32>
    %sub3A_43 = vector.broadcast %div3A_35 : vector<1x64xf32> to vector<10000x64xf32>
    %sub3A_44 = arith.subf %add3A_32, %sub3A_43 : vector<10000x64xf32>
    %add3A_45 = arith.constant 9.99999974E-6 : f32
    %add3A_46 = vector.broadcast %add3A_45 : f32 to vector<1x64xf32>
    %add3A_47 = arith.addf %div3A_42, %add3A_46 : vector<1x64xf32>
    %rsqrt3A_48 = math.rsqrt %add3A_47 : vector<1x64xf32>
    %mul3A_49 = vector.broadcast %rsqrt3A_48 : vector<1x64xf32> to vector<10000x64xf32>
    %mul3A_50 = arith.mulf %sub3A_44, %mul3A_49 : vector<10000x64xf32>
    %get3A_51 = arith.constant 0 : index
    %get3A_52 = arith.constant 0 : index
    %get3A_53 = vector.load %arg4[%get3A_51, %get3A_52] : memref<1x64xf32, #tpu.memory_space<vmem>>, vector<1x64xf32>
    %mul3A_54 = vector.broadcast %get3A_53 : vector<1x64xf32> to vector<10000x64xf32>
    %mul3A_55 = arith.mulf %mul3A_50, %mul3A_54 : vector<10000x64xf32>
    %get3A_56 = arith.constant 0 : index
    %get3A_57 = arith.constant 0 : index
    %get3A_58 = vector.load %arg5[%get3A_56, %get3A_57] : memref<1x64xf32, #tpu.memory_space<vmem>>, vector<1x64xf32>
    %add3A_59 = vector.broadcast %get3A_58 : vector<1x64xf32> to vector<10000x64xf32>
    %add3A_60 = arith.addf %mul3A_55, %add3A_59 : vector<10000x64xf32>
    %max3A = arith.constant 0.000000e+00 : f32
    %max3A_61 = vector.broadcast %max3A : f32 to vector<10000x64xf32>
    %max3A_62 = arith.maximumf %add3A_60, %max3A_61 : vector<10000x64xf32>
    %get3A_63 = arith.constant 0 : index
    %get3A_64 = arith.constant 0 : index
    %get3A_65 = vector.load %arg6[%get3A_63, %get3A_64] : memref<64x64xf32, #tpu.memory_space<vmem>>, vector<64x64xf32>
    %dot_general3A = arith.constant dense<0.000000e+00> : vector<10000x64xf32>
    %dot_general3A_66 = tpu.matmul %max3A_62, %get3A_65, %dot_general3A {dimension_numbers = #tpu.dot_dimension_numbers<[1], [0], [0], [1], [0, 0, 1, 1], [], []>, transpose_lhs_hint = false} : vector<10000x64xf32>, vector<64x64xf32>, vector<10000x64xf32> -> vector<10000x64xf32>
    %mul3A_67 = vector.broadcast %rsqrt3A : vector<10000x1xf32> to vector<10000x64xf32>
    %mul3A_68 = arith.mulf %dot_general3A_66, %mul3A_67 : vector<10000x64xf32>
    %swap3A = arith.constant 0 : index
    %swap3A_69 = arith.constant 0 : index
    %swap3A_70 = vector.load %arg7[%swap3A, %swap3A_69] : memref<10240x64xf32, #tpu.memory_space<vmem>>, vector<10000x64xf32>
    tpu.vector_store %arg7[%swap3A, %swap3A_69], %mul3A_68 {strides = array<i32>} : memref<10240x64xf32, #tpu.memory_space<vmem>>, vector<10000x64xf32>,
    %broadcast_in_dim3A_71 = arith.constant 0.000000e+00 : f32
    %broadcast_in_dim3A_72 = vector.broadcast %broadcast_in_dim3A_71 : f32 to vector<240x64xf32>
    %swap3A_73 = arith.constant 10000 : index
    %swap3A_74 = arith.constant 0 : index
    %swap3A_75 = vector.load %arg7[%swap3A_73, %swap3A_74] : memref<10240x64xf32, #tpu.memory_space<vmem>>, vector<240x64xf32>
    tpu.vector_store %arg7[%swap3A_73, %swap3A_74], %broadcast_in_dim3A_72 {strides = array<i32>} : memref<10240x64xf32, #tpu.memory_space<vmem>>, vector<240x64xf32>,
    return
  }
}

module attributes {stable_mosaic.version = 14 : i64} {
  func.func @_tc_final_body(%arg0: memref<2x10240x64xf32, #tpu.memory_space<vmem>>, %arg1: memref<10240x64xf32, #tpu.memory_space<vmem>>, %arg2: memref<2x10240x16xf32, #tpu.memory_space<vmem>>, %arg3: memref<1x64xf32, #tpu.memory_space<vmem>>, %arg4: memref<1x64xf32, #tpu.memory_space<vmem>>, %arg5: memref<1x64xf32, #tpu.memory_space<vmem>>, %arg6: memref<1x10000xi32, #tpu.memory_space<vmem>>, %arg7: memref<64x128xf32, #tpu.memory_space<vmem>>, %arg8: memref<1x128xf32, #tpu.memory_space<vmem>>, %arg9: memref<64x128xf32, #tpu.memory_space<vmem>>) attributes {dimension_semantics = [], scalar_prefetch = 0 : i64, scratch_operands = 0 : i64, tpu.core_type = #tpu.core_type<tc>} {
    %get3A = arith.constant 0 : index
    %get3A_0 = arith.constant 0 : index
    %get3A_1 = arith.constant 0 : index
    %get3A_2 = vector.load %arg2[%get3A, %get3A_0, %get3A_1] : memref<2x10240x16xf32, #tpu.memory_space<vmem>>, vector<1x10000x1xf32>
    %get3A_3 = vector.shape_cast %get3A_2 : vector<1x10000x1xf32> to vector<10000x1xf32>
    %get3A_4 = arith.constant 1 : index
    %get3A_5 = arith.constant 0 : index
    %get3A_6 = arith.constant 0 : index
    %get3A_7 = vector.load %arg2[%get3A_4, %get3A_5, %get3A_6] : memref<2x10240x16xf32, #tpu.memory_space<vmem>>, vector<1x10000x1xf32>
    %get3A_8 = vector.shape_cast %get3A_7 : vector<1x10000x1xf32> to vector<10000x1xf32>
    %add3A = arith.addf %get3A_3, %get3A_8 : vector<10000x1xf32>
    %add3A_9 = arith.constant 1.000000e+00 : f32
    %add3A_10 = vector.broadcast %add3A_9 : f32 to vector<10000x1xf32>
    %add3A_11 = arith.addf %add3A, %add3A_10 : vector<10000x1xf32>
    %rsqrt3A = math.rsqrt %add3A_11 : vector<10000x1xf32>
    %get3A_12 = arith.constant 0 : index
    %get3A_13 = arith.constant 0 : index
    %get3A_14 = arith.constant 0 : index
    %get3A_15 = vector.load %arg0[%get3A_12, %get3A_13, %get3A_14] : memref<2x10240x64xf32, #tpu.memory_space<vmem>>, vector<1x10000x64xf32>
    %get3A_16 = vector.shape_cast %get3A_15 : vector<1x10000x64xf32> to vector<10000x64xf32>
    %get3A_17 = arith.constant 1 : index
    %get3A_18 = arith.constant 0 : index
    %get3A_19 = arith.constant 0 : index
    %get3A_20 = vector.load %arg0[%get3A_17, %get3A_18, %get3A_19] : memref<2x10240x64xf32, #tpu.memory_space<vmem>>, vector<1x10000x64xf32>
    %get3A_21 = vector.shape_cast %get3A_20 : vector<1x10000x64xf32> to vector<10000x64xf32>
    %add3A_22 = arith.addf %get3A_16, %get3A_21 : vector<10000x64xf32>
    %get3A_23 = arith.constant 0 : index
    %get3A_24 = arith.constant 0 : index
    %get3A_25 = vector.load %arg1[%get3A_23, %get3A_24] : memref<10240x64xf32, #tpu.memory_space<vmem>>, vector<10000x64xf32>
    %add3A_26 = arith.addf %add3A_22, %get3A_25 : vector<10000x64xf32>
    %mul3A = vector.broadcast %rsqrt3A : vector<10000x1xf32> to vector<10000x64xf32>
    %mul3A_27 = arith.mulf %add3A_26, %mul3A : vector<10000x64xf32>
    %get3A_28 = arith.constant 0 : index
    %get3A_29 = arith.constant 0 : index
    %get3A_30 = vector.load %arg3[%get3A_28, %get3A_29] : memref<1x64xf32, #tpu.memory_space<vmem>>, vector<1x64xf32>
    %add3A_31 = vector.broadcast %get3A_30 : vector<1x64xf32> to vector<10000x64xf32>
    %add3A_32 = arith.addf %mul3A_27, %add3A_31 : vector<10000x64xf32>
    %reduce_sum3A = arith.constant dense<0.000000e+00> : vector<64xf32>
    %reduce_sum3A_33 = vector.multi_reduction <add>, %add3A_32, %reduce_sum3A [0] : vector<10000x64xf32> to vector<64xf32>
    %broadcast_in_dim3A = vector.shape_cast %reduce_sum3A_33 : vector<64xf32> to vector<1x64xf32>
    %div3A = arith.constant 1.000000e+04 : f32
    %div3A_34 = vector.broadcast %div3A : f32 to vector<1x64xf32>
    %div3A_35 = arith.divf %broadcast_in_dim3A, %div3A_34 : vector<1x64xf32>
    %sub3A = vector.broadcast %div3A_35 : vector<1x64xf32> to vector<10000x64xf32>
    %sub3A_36 = arith.subf %add3A_32, %sub3A : vector<10000x64xf32>
    %square3A = arith.mulf %sub3A_36, %sub3A_36 : vector<10000x64xf32>
    %reduce_sum3A_37 = arith.constant dense<0.000000e+00> : vector<64xf32>
    %reduce_sum3A_38 = vector.multi_reduction <add>, %square3A, %reduce_sum3A_37 [0] : vector<10000x64xf32> to vector<64xf32>
    %broadcast_in_dim3A_39 = vector.shape_cast %reduce_sum3A_38 : vector<64xf32> to vector<1x64xf32>
    %div3A_40 = arith.constant 1.000000e+04 : f32
    %div3A_41 = vector.broadcast %div3A_40 : f32 to vector<1x64xf32>
    %div3A_42 = arith.divf %broadcast_in_dim3A_39, %div3A_41 : vector<1x64xf32>
    %sub3A_43 = vector.broadcast %div3A_35 : vector<1x64xf32> to vector<10000x64xf32>
    %sub3A_44 = arith.subf %add3A_32, %sub3A_43 : vector<10000x64xf32>
    %add3A_45 = arith.constant 9.99999974E-6 : f32
    %add3A_46 = vector.broadcast %add3A_45 : f32 to vector<1x64xf32>
    %add3A_47 = arith.addf %div3A_42, %add3A_46 : vector<1x64xf32>
    %rsqrt3A_48 = math.rsqrt %add3A_47 : vector<1x64xf32>
    %mul3A_49 = vector.broadcast %rsqrt3A_48 : vector<1x64xf32> to vector<10000x64xf32>
    %mul3A_50 = arith.mulf %sub3A_44, %mul3A_49 : vector<10000x64xf32>
    %get3A_51 = arith.constant 0 : index
    %get3A_52 = arith.constant 0 : index
    %get3A_53 = vector.load %arg4[%get3A_51, %get3A_52] : memref<1x64xf32, #tpu.memory_space<vmem>>, vector<1x64xf32>
    %mul3A_54 = vector.broadcast %get3A_53 : vector<1x64xf32> to vector<10000x64xf32>
    %mul3A_55 = arith.mulf %mul3A_50, %mul3A_54 : vector<10000x64xf32>
    %get3A_56 = arith.constant 0 : index
    %get3A_57 = arith.constant 0 : index
    %get3A_58 = vector.load %arg5[%get3A_56, %get3A_57] : memref<1x64xf32, #tpu.memory_space<vmem>>, vector<1x64xf32>
    %add3A_59 = vector.broadcast %get3A_58 : vector<1x64xf32> to vector<10000x64xf32>
    %add3A_60 = arith.addf %mul3A_55, %add3A_59 : vector<10000x64xf32>
    %max3A = arith.constant 0.000000e+00 : f32
    %max3A_61 = vector.broadcast %max3A : f32 to vector<10000x64xf32>
    %max3A_62 = arith.maximumf %add3A_60, %max3A_61 : vector<10000x64xf32>
    %iota3A = tpu.iota {dimensions = array<i32: 0>} : vector<64x10000xi32>
    %get3A_63 = arith.constant 0 : index
    %get3A_64 = arith.constant 0 : index
    %get3A_65 = vector.load %arg6[%get3A_63, %get3A_64] : memref<1x10000xi32, #tpu.memory_space<vmem>>, vector<1x10000xi32>
    %eq3A = vector.broadcast %get3A_65 : vector<1x10000xi32> to vector<64x10000xi32>
    %eq3A_66 = arith.cmpi eq, %eq3A, %iota3A : vector<64x10000xi32>
    %convert_element_type3A = arith.extui %eq3A_66 : vector<64x10000xi1> to vector<64x10000xi32>
    %convert_element_type3A_67 = arith.sitofp %convert_element_type3A : vector<64x10000xi32> to vector<64x10000xf32>
    %dot_general3A = arith.constant dense<0.000000e+00> : vector<64x64xf32>
    %dot_general3A_68 = tpu.matmul %convert_element_type3A_67, %max3A_62, %dot_general3A {dimension_numbers = #tpu.dot_dimension_numbers<[1], [0], [0], [1], [0, 0, 1, 1], [], []>, transpose_lhs_hint = false} : vector<64x10000xf32>, vector<10000x64xf32>, vector<64x64xf32> -> vector<64x64xf32>
    %reduce_sum3A_69 = arith.constant dense<0.000000e+00> : vector<64xf32>
    %reduce_sum3A_70 = vector.multi_reduction <add>, %convert_element_type3A_67, %reduce_sum3A_69 [1] : vector<64x10000xf32> to vector<64xf32>
    %broadcast_in_dim3A_71 = vector.shape_cast %reduce_sum3A_70 : vector<64xf32> to vector<64x1xf32>
    %max3A_72 = arith.constant 1.000000e+00 : f32
    %max3A_73 = vector.broadcast %max3A_72 : f32 to vector<64x1xf32>
    %max3A_74 = arith.maximumf %broadcast_in_dim3A_71, %max3A_73 : vector<64x1xf32>
    %div3A_75 = vector.broadcast %max3A_74 : vector<64x1xf32> to vector<64x64xf32>
    %div3A_76 = arith.divf %dot_general3A_68, %div3A_75 : vector<64x64xf32>
    %get3A_77 = arith.constant 0 : index
    %get3A_78 = arith.constant 0 : index
    %get3A_79 = vector.load %arg7[%get3A_77, %get3A_78] : memref<64x128xf32, #tpu.memory_space<vmem>>, vector<64x128xf32>
    %dot_general3A_80 = arith.constant dense<0.000000e+00> : vector<64x128xf32>
    %dot_general3A_81 = tpu.matmul %div3A_76, %get3A_79, %dot_general3A_80 {dimension_numbers = #tpu.dot_dimension_numbers<[1], [0], [0], [1], [0, 0, 1, 1], [], []>, transpose_lhs_hint = false} : vector<64x64xf32>, vector<64x128xf32>, vector<64x128xf32> -> vector<64x128xf32>
    %get3A_82 = arith.constant 0 : index
    %get3A_83 = arith.constant 0 : index
    %get3A_84 = vector.load %arg8[%get3A_82, %get3A_83] : memref<1x128xf32, #tpu.memory_space<vmem>>, vector<1x128xf32>
    %add3A_85 = vector.broadcast %get3A_84 : vector<1x128xf32> to vector<64x128xf32>
    %add3A_86 = arith.addf %dot_general3A_81, %add3A_85 : vector<64x128xf32>
    %swap3A = arith.constant 0 : index
    %swap3A_87 = arith.constant 0 : index
    %swap3A_88 = vector.load %arg9[%swap3A, %swap3A_87] : memref<64x128xf32, #tpu.memory_space<vmem>>, vector<64x128xf32>
    tpu.vector_store %arg9[%swap3A, %swap3A_87], %add3A_86 {strides = array<i32>} : memref<64x128xf32, #tpu.memory_space<vmem>>, vector<64x128xf32>,
    return
  }
}

</mosaic_0001>

<sc_bundles>
// kernel: kernel.12.cloned.1.call-start
scs
__scs_entry_jumppad:
0x0: {  	(pc) =	sbr.rel $0x88, $3  }
0x1: {  	(tag) =	ssettag $0x0;
	lr =	simm.s32 $0x1  }
0x2: {  	[smem:$0x3F94] =	sst lr;
	_ =	strace $0xD0000000  }
0x3: {  	_ = 	snop  }
0x4: {  	_ = 	snop  }
0x5: {  	_ = 	snop  }
0x6: {  	_ = 	snop  }
0x7: {  	_ = 	snop  }
__scs_overlays_trampoline_lowered:
0x8: {  	[smem:$0x3FA3] =	sst s0  }
0x9: {  	[smem:$0x3FA4] =	sst s1  }
0xa: {  	[smem:$0x3FA5] =	sst s2  }
0xb: {  	[smem:$0x3FA6] =	sst s3  }
0xc: {  	[smem:$0x3FA7] =	sst s4  }
0xd: {  	[smem:$0x3FA8] =	sst s5  }
0xe: {  	[smem:$0x3FA9] =	sst s6  }
0xf: {  	[smem:$0x3FAA] =	sst s7  }
0x10: {  	[smem:$0x3FAB] =	sst s8  }
0x11: {  	[smem:$0x3FAC] =	sst s9;
	s0 =	simm.s32 @!p0 $0x0  }
0x12: {  	s1 =	sld [smem:$0x3F92];
	s0 =	simm.s32 @p0 $0x1  }
0x13: {  	[smem:$0x3FAD] =	sst s0;
	s0 =	simm.s32 @!p1 $0x0  }
0x14: {  	s2 =	sld [smem:$0x3F91];
	s0 =	simm.s32 @p1 $0x1  }
0x15: {  	[smem:$0x3FAE] =	sst s0;
	s0 =	simm.s32 @!p2 $0x0  }
0x16: {  	s3 =	sld [smem:$0x3FDB];
	s0 =	simm.s32 @p2 $0x1  }
0x17: {  	s4 =	simm.s32 $0x1BF5;
	[smem:$0x3FB0] =	sst s0  }
0x18: {  	s0 =	sld [smem:$0x3F93];
	_ =	swait.ge [sflag:s4], $0x0  }
0x19: {  	s7 =	sld [smem:$0x3F94]  }
0x1a: {  	s8 =	sadd.s32 $0xFFFFE003, lr  }
0x1b: {  	s9 =	sadd.s32 $0xFFFFFEF7, lr;
	s5 =	simm.s32 $0xFFFFFFFF;
	p2 =	slt.u32 s8, $0xFFFFF086  }
0x1c: {  	p1 =	slt.u32 s9, $0xF7A;
	s5 =	simm.s32 @!p2 $0x0  }
0x1d: {  	s5 =	simm.s32 @p1 $0x1;
	p0 =	seq.s32 s7, s2  }
0x1e: {  	s7 =	smul.u32 @!p0 $0xF7A, s2;
	p2 =	seq.s32 @!p0 s5, $0x0  }
0x1f: {  	s9 =	smul.u32 $0xF7A, s1;
	s8 =	simm.s32 @!p0 $0x1BF5;
	p2 =	por !p2, p0  }
0x20: {  	[sflag:s8] =	ssyncset.s32 @!p0 $0xFFFFF086;
	s6 =	sadd.s32 @!p0 s3, s7;
	s7 =	simm.s32 @!p0 $0x108  }
0x21: {  	s3 =	sadd.s32 s3, s9;
	s6 =	sadd.s32 @!p0 $0x88, s6;
	s7 =	simm.s32 @p2 $0x1082  }
0x22: {  	[simem:s7], [sflag:s8] =	dma.local @!p0 [hbm:s6], $0xF7A  }
0x23: {  	s9 =	sor.u32 $0xD0000000, s2;
	s6 =	simm.s32 $0x108;
	_ =	swait.ge @!p0 [sflag:s8], $0x0  }
0x24: {  	s3 =	sadd.s32 $0x88, s3;
	s6 =	simm.s32 @!p1 $0x1082;
	[sflag:s4] =	ssyncset.s32 $0xFFFFF086  }
0x25: {  	[simem:s6], [sflag:s4] =	dma.local [hbm:s3], $0xF7A  }
0x26: {  	[smem:$0x3F94] =	sst s1;
	(tag) =	ssettag s2;
	_ =	strace s9  }
0x27: {  	s1 =	sld [smem:$0x3FA4]  }
0x28: {  	s2 =	sld [smem:$0x3FA5]  }
0x29: {  	s4 =	sld [smem:$0x3FA7]  }
0x2a: {  	p0 =	seq.s32 s5, $0x0;
	s5 =	sld [smem:$0x3FA8]  }
0x2b: {  	s6 =	sld [smem:$0x3FA9]  }
0x2c: {  	s7 =	sld [smem:$0x3FAA]  }
0x2d: {  	s3 =	simm.s32 $0x108;
	s8 =	sld [smem:$0x3FAB]  }
0x2e: {  	s3 =	simm.s32 @!p0 $0x1082;
	s9 =	sld [smem:$0x3FAC]  }
0x2f: {  	lr =	sadd.s32 s0, s3;
	s0 =	sld [smem:$0x3FA3]  }
0x30: {  	s3 =	sld [smem:$0x3FA6]  }
0x31: {  	[smem:$0x3FAF] =	sst s10  }
0x32: {  	s10 =	sld [smem:$0x3FAD];
	_ =	sdelay $0x3  }
0x33: {  	p0 =	seq.s32 s10, $0x1;
	s10 =	sld [smem:$0x3FAF];
	_ =	sdelay $0x3  }
0x34: {  	[smem:$0x3FAF] =	sst s10  }
0x35: {  	s10 =	sld [smem:$0x3FAE];
	_ =	sdelay $0x3  }
0x36: {  	p1 =	seq.s32 s10, $0x1;
	s10 =	sld [smem:$0x3FAF];
	_ =	sdelay $0x3  }
0x37: {  	[smem:$0x3FAF] =	sst s10  }
0x38: {  	s10 =	sld [smem:$0x3FB0]  }
0x39: {  	_ = 	snop;
	(pc) =	sbr.ind lr, $3  }
0x3a: {  	_ = 	snop  }
0x3b: {  	_ = 	snop  }
0x3c: {  	p2 =	seq.s32 s10, $0x1;
	s10 =	sld [smem:$0x3FAF]  }
0x3d: {  	_ =	shalt  }
0x3e: {  	_ =	shalt  }
0x3f: {  	_ =	shalt  }
0x40: {  	_ =	shalt  }
0x41: {  	_ =	shalt  }
0x42: {  	_ =	shalt  }
0x43: {  	_ =	shalt  }
0x44: {  	_ =	shalt  }
0x45: {  	_ =	shalt  }
0x46: {  	_ =	shalt  }
0x47: {  	_ =	shalt  }
0x48: {  	_ =	shalt  }
0x49: {  	_ =	shalt  }
0x4a: {  	_ =	shalt  }
0x4b: {  	_ =	shalt  }
0x4c: {  	_ =	shalt  }
0x4d: {  	_ =	shalt  }
0x4e: {  	_ =	shalt  }
0x4f: {  	_ =	shalt  }
0x50: {  	_ =	shalt  }
0x51: {  	_ =	shalt  }
0x52: {  	_ =	shalt  }
0x53: {  	_ =	shalt  }
0x54: {  	_ =	shalt  }
0x55: {  	_ =	shalt  }
0x56: {  	_ =	shalt  }
0x57: {  	_ =	shalt  }
0x58: {  	_ =	shalt  }
0x59: {  	_ =	shalt  }
0x5a: {  	_ =	shalt  }
0x5b: {  	_ =	shalt  }
0x5c: {  	_ =	shalt  }
0x5d: {  	_ =	shalt  }
0x5e: {  	_ =	shalt  }
0x5f: {  	_ =	shalt  }
0x60: {  	_ =	shalt  }
0x61: {  	_ =	shalt  }
0x62: {  	_ =	shalt  }
0x63: {  	_ =	shalt  }
0x64: {  	_ =	shalt  }
0x65: {  	_ =	shalt  }
0x66: {  	_ =	shalt  }
0x67: {  	_ =	shalt  }
0x68: {  	_ =	shalt  }
0x69: {  	_ =	shalt  }
0x6a: {  	_ =	shalt  }
0x6b: {  	_ =	shalt  }
0x6c: {  	_ =	shalt  }
0x6d: {  	_ =	shalt  }
0x6e: {  	_ =	shalt  }
0x6f: {  	_ =	shalt  }
0x70: {  	_ =	shalt  }
0x71: {  	_ =	shalt  }
0x72: {  	_ =	shalt  }
0x73: {  	_ =	shalt  }
0x74: {  	_ =	shalt  }
0x75: {  	_ =	shalt  }
0x76: {  	_ =	shalt  }
0x77: {  	_ =	shalt  }
0x78: {  	_ =	shalt  }
0x79: {  	_ =	shalt  }
0x7a: {  	_ =	shalt  }
0x7b: {  	_ =	shalt  }
0x7c: {  	_ =	shalt  }
0x7d: {  	_ =	shalt  }
0x7e: {  	_ =	shalt  }
0x7f: {  	_ =	shalt  }
0x80: {  	_ =	shalt  }
0x81: {  	_ =	shalt  }
0x82: {  	_ =	shalt  }
0x83: {  	_ =	shalt  }
0x84: {  	_ =	shalt  }
0x85: {  	_ =	shalt  }
0x86: {  	_ =	shalt  }
0x87: {  	_ =	shalt  }
.Lfunc_end0:
.L_simem_size_0:
called_computation.1_lowered:
.L_overlay_start_0:
0x88: {  	s2 =	sld [smem:$0x3FD9]  }
0x89: {  	s3 =	sld [smem:$0x3FFE];
	_ =	sdelay $0x1  }
0x8a: {  	s1 =	srdreg.scid  }
0x8b: {  	s0 =	sand.u32 $0x1, s1  }
0x8c: {  	s16 =	sshll.u32 s0, $0xA;
	s2 =	sadd.s32 s3, s2  }
0x8d: {  	s2 =	sadd.s32 s2, s16  }
0x8e: {  	[smem:$0x3FBB] =	sst s2  }
0x8f: {  	_ = 	snop  }
0x90: {  	(tm) =	ssettm $0x1  }
0x91: {  	s17 =	sld [smem:$0x3FFB];
	_ =	sdelay $0x3  }
0x92: {  	_ =	strace s17  }
0x93: {  	s2 =	sld [smem:$0x3FFC];
	_ =	sdelay $0x3  }
0x94: {  	_ =	strace s2  }
0x95: {  	s2 =	sld [smem:$0x3FFD];
	_ =	sdelay $0x3  }
0x96: {  	_ =	strace s2  }
0x97: {  	_ =	strace $0x8FFFFFFF  }
0x98: {  	s18 =	sld [smem:$0x3FDB];
	_ =	sdelay $0x1  }
0x99: {  	s19 =	simm.s32 $_scs_section_size  }
0x9a: {  	s4 =	simm.s32 $_size__tile_overlayer_lowered;
	s5 =	simm.s32 $_tile_overlayer_lowered  }
0x9b: {  	s22 =	simm.s32 $0x1BFF;
	s21 =	sshll.u32 s5, $0x1;
	s2 =	sadd.s32 s19, s18  }
0x9c: {  	s6 =	simm.s32 $0x0;
	s20 =	sshll.u32 s4, $0x1;
	s4 =	sadd.s32 s21, s2  }
0x9d: {  	[timem:s6], [sflag:s22] =	dma.local [hbm:s4], s20  }
0x9e: {  	_ =	swait.ge [sflag:s22], s20  }
0x9f: {  	s3 =	ssub.s32 $0x0, s20;
	[sflag:s22] =	ssyncset.done $0x0  }
0xa0: {  	[sflag:s22] =	ssyncadd.s32 s3;
	_ =	sdelay $0x1  }
0xa1: {  	s23 =	simm.s32 $0x1B8B  }
0xa2: {  	_ =	swait.ge [sflag:s23], $0x1  }
0xa3: {  	[sflag:s23] =	ssyncset.done $0x0  }
0xa4: {  	s25 =	simm.s32 $0x1B8E;
	s24 =	sld [smem:$0x3FFE];
	[sflag:s23] =	ssyncadd.s32 $0xFFFFFFFF  }
0xa5: {  	s26 =	simm.s32 $execute0_lowered;
	[smem:$0x3FD2] =	sst s25  }
0xa6: {  	s4 =	sshll.u32 s26, $0x1;
	_ =	strace $0x80000049;
	[dreg:$0x1] =	wrdreg $0xFFFFFFFF  }
0xa7: {  	s28 =	simm.s32 $_size_execute0_lowered;
	s2 =	sadd.s32 s2, s4;
	[dreg:$0x0] =	wrdreg $0x0  }
0xa8: {  	s4 =	sshll.u32 s28, $0x1;
	[dreg:$0x2] =	wrdreg s2  }
0xa9: {  	[dreg:$0x3] =	wrdreg s4  }
0xaa: {  	[dreg:$0x4] =	wrdreg $0xC0  }
0xab: {  	_ =	task [dreg:s6], $0x5FFFF  }
0xac: {  	[dreg:$0x1] =	wrdreg $0xFFFFFFFF  }
0xad: {  	[dreg:$0x0] =	wrdreg $0x60  }
0xae: {  	[dreg:$0x2] =	wrdreg s24  }
0xaf: {  	[dreg:$0x3] =	wrdreg $0x131000  }
0xb0: {  	[dreg:$0x4] =	wrdreg $0x91000  }
0xb1: {  	[dreg:$0x5] =	wrdreg $0x9  }
0xb2: {  	_ =	task.clear_ibuf [dreg:s6], $0x6FFFF;
	_ =	strace $0x90000049  }
0xb3: {  	s29 =	simm.s32 $0x9;
	_ =	strace $0x8000004B  }
0xb4: {  	_ =	swait.ge [sflag:s29], $0x1  }
0xb5: {  	[sflag:s29] =	ssyncadd.s32 $0xFFFFFFFF  }
0xb6: {  	_ =	strace $0x9000004B  }
0xb7: {  	_ =	sfence  }
0xb8: {  	s30 =	sld [smem:$0x0];
	_ =	sdelay $0x2  }
0xb9: {  	s31 =	sshll.u32 s1, $0xD;
	s1 =	sshrl.u32 s1, $0x2  }
0xba: {  	s3 =	sand.u32 $0x4000, s31;
	s1 =	sadd.s32 s1, s30  }
0xbb: {  	s0 =	sor.u32 s3, s0;
	s1 =	sshll.u32 s1, $0x11  }
0xbc: {  	s0 =	sor.u32 s1, s0  }
0xbd: {  	s0 =	sadd.s32 $0x8F2B, s0  }
0xbe: {  	[sflag:s0] =	ssyncadd.remote.s32 $0x1  }
0xbf: {  	_ =	sfence.sel $0xFFFF  }
0xc0: {  	[dreg:$0x0] =	wrdreg $0xFFFFFFFF;
	(pc) =	sbr.abs _section_cstart, $3  }
0xc1: {  	[dreg:$0x1] =	wrdreg $0xFFFFFFFF  }
0xc2: {  	_ =	task.clear_ibuf [dreg:s6], $0x2FFFF;
	_ =	strace $0x9FFFFFFF  }
0xc3: {  	(tm) =	ssettm $0x7FFFFFFF  }
tec
execute0_lowered:
.L_overlay_start_1:
0x0: {  	(tag) =	ssettag $0x1  }
0x1: {  	s5 =	rddreg [dreg:$0x0]  }
0x2: {  	s2 =	rddreg [dreg:$0x1];
	s0 =	stileid.u32  }
0x3: {  	s1 =	srdreg.scid;
	s3 =	rddreg [dreg:$0x2]  }
0x4: {  	s4 =	simm.s32 $0x0;
	s17 =	simm.s32 $0x5100;
	s18 =	simm.s32 $0x3  }
0x5: {  	s20 =	simm.s32 $0x2880;
	s21 =	simm.s32 $0x80;
	s22 =	simm.s32 $0x7100  }
0x6: {  	s23 =	simm.s32 $0x1;
	s24 =	simm.s32 $0x2;
	s25 =	simm.s32 $0x0  }
0x7: {  	s10 =	smul.u32 $0xA000, s0;
	s6 =	sand.u32 $0x1, s1;
	s1 =	rddreg [dreg:$0x3]  }
0x8: {  	[smem:$0x7FF] =	sst s4;
	s26 =	smul.u32 $0x28000, s0;
	s12 =	sadd.s32 $0x3000, s5  }
0x9: {  	s9 =	sshll.u32 s0, $0x1;
	p0 =	sgt.u32 s0, $0x1;
	s7 =	smul.u32 $0xA0000, s6  }
0xa: {  	_ =	strace $0x8000004A;
	s28 =	ssub.s32 $0x2, s6;
	s13 =	sor.u32 s6, s9  }
0xb: {  	s8 =	sshrl.u32 s10, $0x3;
	s29 =	sshrl.u32 s28, $0x1;
	s14 =	smul.u32 $0x2700, s13  }
0xc: {  	s19 =	sadd.s32 s10, s3;
	s13 =	sshll.u32 s13, $0x4;
	s7 =	sadd.s32 s10, s7  }
0xd: {  	s11 =	sadd.s32 s8, s5;
	s8 =	sshrl.u32 s26, $0x2;
	s16 =	ssub.s32 s28, s29  }
0xe: {  	s31 =	sadd.s32 s13, s12;
	s19 =	sshrl.u32 s19, $0x3;
	s7 =	sshrl.u32 s7, $0x3  }
0xf: {  	s30 =	sadd.s32 s8, s2;
	s14 =	sshrl.u32 s14, $0x3;
	s13 =	sadd.s32 $0x9C00, s31  }
0x10: {  	s16 =	smax.u32 s16, $0x1;
	s15 =	sadd.s32 s7, s5;
	s5 =	sadd.s32 s10, s2  }
0x11: {  	s6 =	sadd.s32 $0x2000, s30;
	s7 =	sadd.s32 $0x4000, s30;
	s8 =	sadd.s32 $0x6000, s30  }
0x12: {  	s9 =	sadd.s32 $0x8000, s30;
	s10 =	sadd.s32 $0x8EA00, s11;
	s11 =	sadd.s32 s12, s14  }
0x13: {  	v0 =	vimm.f32 $0.0e+00;
	s14 =	sadd.s32 $0x13840, s31;
	s12 =	sadd.s32 $0x9C40, s11;
	s15 =	sadd.s32 $0xA2A00, s15  }
.LBB2_1:
0x14: {  	s28 =	simm.s32 $0x100;
	s26 =	simm.s32 $0x0  }
.LBB2_2:
0x15: {  	p1 =	sne.s32 s28, $0x7F00;
	[tilespmem:s26+$0x5130] =	vst v0;
	s29 =	smov.u32 s28;
	s28 =	sadd.s32 $0x100, s28  }
.Ltmp0:
0x16: {  	[tilespmem:s26+$0x5120] =	vst v0;
	(pc) =	sbr.rel @p1 .LBB2_2-.Ltmp0, $3  }
0x17: {  	[tilespmem:s26+$0x5100] =	vst v0  }
0x18: {  	[tilespmem:s26+$0x5110] =	vst v0;
	_ =	sdelay $0x1  }
0x19: {  	s26 =	sshra.s32 s29, $0x2  }
0x1a: {  	[tilespmem:s26+$0x5130] =	vst v0  }
0x1b: {  	[tilespmem:s26+$0x5120] =	vst v0  }
0x1c: {  	[tilespmem:s26+$0x5100] =	vst v0  }
0x1d: {  	[tilespmem:s26+$0x5110] =	vst v0  }
0x1e: {  	[spmem:s5] =	stream.linear.scatter [tilespmem:s17], [sflag:$0x3], $0x2000, $0x38;
	[tilespmem:$0x1D100] =	vst v63  }
0x1f: {  	_ =	swait.ge [sflag:s18], $0x2000  }
0x20: {  	[sflag:s18] =	ssyncset.done $0x0  }
0x21: {  	[sflag:s18] =	ssyncadd.s32 $0xFFFFE000  }
0x22: {  	[spmem:s6] =	stream.linear.scatter [tilespmem:s17], [sflag:$0x3], $0x2000, $0x38;
	[tilespmem:$0x1D100] =	vst v63  }
0x23: {  	_ =	swait.ge [sflag:s18], $0x2000  }
0x24: {  	[sflag:s18] =	ssyncset.done $0x0  }
0x25: {  	[sflag:s18] =	ssyncadd.s32 $0xFFFFE000  }
0x26: {  	[spmem:s7] =	stream.linear.scatter [tilespmem:s17], [sflag:$0x3], $0x2000, $0x38;
	[tilespmem:$0x1D100] =	vst v63  }
0x27: {  	_ =	swait.ge [sflag:s18], $0x2000  }
0x28: {  	[sflag:s18] =	ssyncset.done $0x0  }
0x29: {  	[sflag:s18] =	ssyncadd.s32 $0xFFFFE000  }
0x2a: {  	[spmem:s8] =	stream.linear.scatter [tilespmem:s17], [sflag:$0x3], $0x2000, $0x38;
	[tilespmem:$0x1D100] =	vst v63  }
0x2b: {  	_ =	swait.ge [sflag:s18], $0x2000  }
0x2c: {  	[sflag:s18] =	ssyncset.done $0x0  }
0x2d: {  	[sflag:s18] =	ssyncadd.s32 $0xFFFFE000  }
0x2e: {  	[spmem:s9] =	stream.linear.scatter [tilespmem:s17], [sflag:$0x3], $0x2000, $0x38;
	[tilespmem:$0x1D100] =	vst v63  }
0x2f: {  	_ =	swait.ge [sflag:s18], $0x2000  }
0x30: {  	s31 =	sshll.u32 s0, $0x6;
	[sflag:s18] =	ssyncset.done $0x0  }
0x31: {  	s26 =	sor.u32 $0x1C03, s31;
	[sflag:s18] =	ssyncadd.s32 $0xFFFFE000  }
0x32: {  	[spmem:s19], [sflag:s26] =	dma.local [hbm:s10], $0x1400  }
0x33: {  	_ =	swait.ge [sflag:s18], $0x1400  }
0x34: {  	[sflag:s18] =	ssyncset.done $0x0  }
0x35: {  	[sflag:s18] =	ssyncadd.s32 $0xFFFFEC00  }
0x36: {  	[tilespmem:s4], [sflag:$0x3] =	stream.linear.gather [hbm4b:s11+s4], $0x2700, $0x38;
	[tilespmem:$0x1D100] =	vst v63  }
0x37: {  	_ =	swait.ge [sflag:s18], $0x2700  }
0x38: {  	[sflag:s18] =	ssyncset.done $0x0  }
0x39: {  	[sflag:s18] =	ssyncadd.s32 $0xFFFFD900  }
0x3a: {  	[tilespmem:s20], [sflag:$0x3] =	stream.linear.gather [hbm4b:s12+s4], $0x2700, $0x38;
	[tilespmem:$0x1D100] =	vst v63  }
0x3b: {  	_ =	swait.ge [sflag:s18], $0x2700  }
0x3c: {  	[sflag:s18] =	ssyncset.done $0x0  }
0x3d: {  	s28 =	simm.s32 @!p0 $0x0;
	s29 =	simm.s32 @!p0 $0x2800;
	[sflag:s18] =	ssyncadd.s32 $0xFFFFD900  }
0x3e: {  	[tilespmem:s29], [sflag:$0x3] =	stream.linear.gather @!p0 [hbm4b:s13+s28], $0x80, $0x38;
	[tilespmem:$0x1D100] =	vst v63  }
0x3f: {  	s29 =	simm.s32 @!p0 $0x3  }
0x40: {  	_ =	swait.ge @!p0 [sflag:s29], $0x80  }
0x41: {  	[sflag:s29] =	ssyncset.done @!p0 $0x0  }
0x42: {  	s30 =	simm.s32 @!p0 $0x5080;
	[sflag:s29] =	ssyncadd.s32 @!p0 $0xFFFFFF80  }
0x43: {  	[tilespmem:s30], [sflag:$0x3] =	stream.linear.gather @!p0 [hbm4b:s14+s28], $0x80, $0x38;
	[tilespmem:$0x1D100] =	vst v63  }
0x44: {  	_ =	swait.ge @!p0 [sflag:s29], $0x80  }
0x45: {  	[sflag:s29] =	ssyncset.done @!p0 $0x0  }
0x46: {  	[sflag:s29] =	ssyncadd.s32 @!p0 $0xFFFFFF80  }
0x47: {  	s28 =	simm.s32 $0x0;
	[bflag:$0x0] =	sbarrier.arrive $0xFFFF  }
0x48: {  	[tilespmem:s17], [sflag:$0x1] =	stream.indirect.gather [spmem:s3], $0x40, s28, s21, $0xb8;
	[tilespmem:$0x1D100] =	vst v63  }
0x49: {  	s28 =	simm.s32 $0x80  }
0x4a: {  	[tilespmem:s22], [sflag:$0x1] =	stream.indirect.gather [spmem:s3], $0x40, s28, s21, $0xb8;
	[tilespmem:$0x1D100] =	vst v63  }
0x4b: {  	_ =	swait.ge [sflag:s23], $0x2000  }
0x4c: {  	[sflag:s23] =	ssyncset.done $0x0  }
0x4d: {  	[sflag:s23] =	ssyncadd.s32 $0xFFFFE000  }
0x4e: {  	_ =	swait.ge [sflag:s23], $0x2000  }
0x4f: {  	[sflag:s23] =	ssyncset.done $0x0  }
0x50: {  	s28 =	simm.s32 $0x2880;
	[sflag:s23] =	ssyncadd.s32 $0xFFFFE000  }
0x51: {  	[spmem:s2] =	stream.indirect.scatter.add.f32 [tilespmem:s17], [sflag:$0x2], $0x40, s28, s21, $0xb8;
	[tilespmem:$0x1D100] =	vst v63  }
0x52: {  	s28 =	simm.s32 $0x2900  }
0x53: {  	[spmem:s2] =	stream.indirect.scatter.add.f32 [tilespmem:s22], [sflag:$0x2], $0x40, s28, s21, $0xb8;
	[tilespmem:$0x1D100] =	vst v63  }
0x54: {  	_ =	swait.ge [sflag:s24], $0x2000  }
0x55: {  	[sflag:s24] =	ssyncset.done $0x0  }
0x56: {  	[sflag:s24] =	ssyncadd.s32 $0xFFFFE000  }
0x57: {  	_ =	swait.ge [sflag:s24], $0x2000  }
0x58: {  	s29 =	simm.s32 $0x800;
	s28 =	simm.s32 $0x400;
	[sflag:s24] =	ssyncset.done $0x0  }
.LBB2_4:
0x59: {  	s30 =	sshra.s32 s28, $0x2  }
0x5a: {  	[sflag:s24] =	ssyncadd.s32 $0xFFFFE000;
	s28 =	smov.u32 s29;
	s31 =	sadd.s32 $0x400, s29  }
0x5b: {  	[tilespmem:s17], [sflag:$0x1] =	stream.indirect.gather [spmem:s3], $0x40, s30, s21, $0xb8;
	[tilespmem:$0x1D100] =	vst v63  }
0x5c: {  	p1 =	sne.s32 s29, $0x9800;
	s29 =	sadd.s32 $0x80, s30  }
0x5d: {  	[tilespmem:s22], [sflag:$0x1] =	stream.indirect.gather [spmem:s3], $0x40, s29, s21, $0xb8;
	[tilespmem:$0x1D100] =	vst v63  }
0x5e: {  	_ =	swait.ge [sflag:s23], $0x2000  }
0x5f: {  	[sflag:s23] =	ssyncset.done $0x0  }
0x60: {  	[sflag:s23] =	ssyncadd.s32 $0xFFFFE000  }
0x61: {  	_ =	swait.ge [sflag:s23], $0x2000  }
0x62: {  	[sflag:s23] =	ssyncset.done $0x0  }
0x63: {  	s29 =	sadd.s32 $0x2880, s30;
	[sflag:s23] =	ssyncadd.s32 $0xFFFFE000  }
0x64: {  	[spmem:s2] =	stream.indirect.scatter.add.f32 [tilespmem:s17], [sflag:$0x2], $0x40, s29, s21, $0xb8;
	[tilespmem:$0x1D100] =	vst v63  }
0x65: {  	s29 =	sadd.s32 $0x2900, s30  }
0x66: {  	[spmem:s2] =	stream.indirect.scatter.add.f32 [tilespmem:s22], [sflag:$0x2], $0x40, s29, s21, $0xb8;
	[tilespmem:$0x1D100] =	vst v63  }
.Ltmp1:
0x67: {  	_ =	swait.ge [sflag:s24], $0x2000;
	(pc) =	sbr.rel @p1 .LBB2_4-.Ltmp1, $4  }
0x68: {  	[sflag:s24] =	ssyncset.done $0x0  }
0x69: {  	[sflag:s24] =	ssyncadd.s32 $0xFFFFE000  }
0x6a: {  	_ =	swait.ge [sflag:s24], $0x2000  }
0x6b: {  	s29 =	smov.u32 s31;
	[sflag:s24] =	ssyncset.done $0x0  }
0x6c: {  	s28 =	sshra.s32 s28, $0x2;
	[sflag:s24] =	ssyncadd.s32 $0xFFFFE000  }
0x6d: {  	[tilespmem:s17], [sflag:$0x1] =	stream.indirect.gather [spmem:s3], $0x40, s28, s21, $0xb8;
	[tilespmem:$0x1D100] =	vst v63  }
0x6e: {  	s29 =	sadd.s32 $0x80, s28  }
0x6f: {  	[tilespmem:s22], [sflag:$0x1] =	stream.indirect.gather [spmem:s3], $0x40, s29, s21, $0xb8;
	[tilespmem:$0x1D100] =	vst v63  }
0x70: {  	_ =	swait.ge [sflag:s23], $0x2000  }
0x71: {  	[sflag:s23] =	ssyncset.done $0x0  }
0x72: {  	[sflag:s23] =	ssyncadd.s32 $0xFFFFE000  }
0x73: {  	_ =	swait.ge [sflag:s23], $0x2000  }
0x74: {  	[sflag:s23] =	ssyncset.done $0x0  }
0x75: {  	s30 =	sadd.s32 $0x2880, s28;
	[sflag:s23] =	ssyncadd.s32 $0xFFFFE000  }
0x76: {  	[spmem:s2] =	stream.indirect.scatter.add.f32 [tilespmem:s17], [sflag:$0x2], $0x40, s30, s21, $0xb8;
	[tilespmem:$0x1D100] =	vst v63  }
0x77: {  	s28 =	sadd.s32 $0x2900, s28  }
0x78: {  	[spmem:s2] =	stream.indirect.scatter.add.f32 [tilespmem:s22], [sflag:$0x2], $0x40, s28, s21, $0xb8;
	[tilespmem:$0x1D100] =	vst v63  }
0x79: {  	_ =	swait.ge [sflag:s24], $0x2000  }
0x7a: {  	[sflag:s24] =	ssyncset.done $0x0  }
0x7b: {  	[sflag:s24] =	ssyncadd.s32 $0xFFFFE000  }
0x7c: {  	_ =	swait.ge [sflag:s24], $0x2000  }
0x7d: {  	s29 =	simm.s32 @!p0 $0x2800;
	[sflag:s24] =	ssyncset.done $0x0  }
0x7e: {  	s30 =	simm.s32 @!p0 $0x5100;
	s28 =	simm.s32 @!p0 $0x80;
	[sflag:s24] =	ssyncadd.s32 $0xFFFFE000  }
0x7f: {  	[tilespmem:s30], [sflag:$0x1] =	stream.indirect.gather @!p0 [spmem:s3], $0x40, s29, s28, $0xb8;
	[tilespmem:$0x1D100] =	vst v63  }
0x80: {  	s29 =	simm.s32 @!p0 $0x1  }
0x81: {  	_ =	swait.ge @!p0 [sflag:s29], $0x2000  }
0x82: {  	[sflag:s29] =	ssyncset.done @!p0 $0x0  }
0x83: {  	[sflag:s29] =	ssyncadd.s32 @!p0 $0xFFFFE000;
	s29 =	simm.s32 @!p0 $0x5080  }
0x84: {  	[spmem:s2] =	stream.indirect.scatter.add.f32 @!p0 [tilespmem:s30], [sflag:$0x3], $0x40, s29, s28, $0xb8;
	[tilespmem:$0x1D100] =	vst v63  }
0x85: {  	s28 =	simm.s32 @!p0 $0x3  }
0x86: {  	_ =	swait.ge @!p0 [sflag:s28], $0x2000  }
0x87: {  	s25 =	sadd.s32 $0x1, s25;
	[sflag:s28] =	ssyncset.done @!p0 $0x0  }
0x88: {  	p1 =	sne.s32 s25, s16;
	[sflag:s28] =	ssyncadd.s32 @!p0 $0xFFFFE000  }
.Ltmp2:
0x89: {  	s31 =	sshrl.u32 s5, $0x3;
	[bflag:$0x0] =	sbarrier.arrive $0xFFFF;
	(pc) =	sbr.rel @p1 .LBB2_1-.Ltmp2, $4  }
0x8a: {  	[hbm:s15], [sflag:s26] =	dma.local [spmem:s31], $0x1400  }
0x8b: {  	_ =	swait.ge [sflag:s18], $0x1400  }
0x8c: {  	[sflag:s18] =	ssyncset.done $0x0  }
0x8d: {  	[sflag:s18] =	ssyncadd.s32 $0xFFFFEC00  }
0x8e: {  	_ =	sfence.sel $0x180000  }
0x8f: {  	[bflag:$0x0] =	sbarrier.arrive $0xFFFF  }
0x90: {  	p0 =	sne.s32 s0, $0x0;
	_ =	strace $0x9000004A  }
0x91: {  	s0 =	sadd.s32 @!p0 $0x100000, s1;
	[bflag:$0x2] =	sbarrier.arrive $0xFFFF  }
0x92: {  	[sflag:s0] =	ssyncadd.tile.s32 @!p0 $0x1;
	_ =	shalt  }
.Lfunc_end2:
_tile_overlayer_lowered:
.L_overlay_start_2:
0x93: {  	(tag) =	ssettag $0x2  }
0x94: {  	s0 =	rddreg [dreg:$0x0];
	s2 =	stileid.u32  }
0x95: {  	s1 =	rddreg [dreg:$0x1];
	p0 =	sne.s32 s2, $0x0  }
0x96: {  	s3 =	rddreg [dreg:$0x2];
	[bflag:$0x3] =	sbarrier.arrive $0xFFFF;
	s2 =	simm.s32 @!p0 $0x1C03  }
0x97: {  	[timem:s3], [sflag:s2] =	dma.local @!p0 [hbm:s0], s1  }
0x98: {  	s0 =	simm.s32 @!p0 $0x3  }
0x99: {  	_ =	swait.ge @!p0 [sflag:s0], s1  }
0x9a: {  	s1 =	ssub.s32 @!p0 $0x0, s1;
	[sflag:s0] =	ssyncset.done @!p0 $0x0  }
0x9b: {  	[sflag:s0] =	ssyncadd.s32 @!p0 s1  }
0x9c: {  	[bflag:$0x3] =	sbarrier.arrive $0xFFFF  }
0x9d: {  	_ =	shalt  }

// kernel: kernel.15.cloned.1.call-start
scs
__scs_entry_jumppad:
0x0: {  	(pc) =	sbr.rel $0x88, $3  }
0x1: {  	(tag) =	ssettag $0x0;
	lr =	simm.s32 $0x1  }
0x2: {  	[smem:$0x3F94] =	sst lr;
	_ =	strace $0xD0000000  }
0x3: {  	_ = 	snop  }
0x4: {  	_ = 	snop  }
0x5: {  	_ = 	snop  }
0x6: {  	_ = 	snop  }
0x7: {  	_ = 	snop  }
__scs_overlays_trampoline_lowered:
0x8: {  	[smem:$0x3FA3] =	sst s0  }
0x9: {  	[smem:$0x3FA4] =	sst s1  }
0xa: {  	[smem:$0x3FA5] =	sst s2  }
0xb: {  	[smem:$0x3FA6] =	sst s3  }
0xc: {  	[smem:$0x3FA7] =	sst s4  }
0xd: {  	[smem:$0x3FA8] =	sst s5  }
0xe: {  	[smem:$0x3FA9] =	sst s6  }
0xf: {  	[smem:$0x3FAA] =	sst s7  }
0x10: {  	[smem:$0x3FAB] =	sst s8  }
0x11: {  	[smem:$0x3FAC] =	sst s9;
	s0 =	simm.s32 @!p0 $0x0  }
0x12: {  	s1 =	sld [smem:$0x3F92];
	s0 =	simm.s32 @p0 $0x1  }
0x13: {  	[smem:$0x3FAD] =	sst s0;
	s0 =	simm.s32 @!p1 $0x0  }
0x14: {  	s2 =	sld [smem:$0x3F91];
	s0 =	simm.s32 @p1 $0x1  }
0x15: {  	[smem:$0x3FAE] =	sst s0;
	s0 =	simm.s32 @!p2 $0x0  }
0x16: {  	s3 =	sld [smem:$0x3FDB];
	s0 =	simm.s32 @p2 $0x1  }
0x17: {  	s4 =	simm.s32 $0x1BF5;
	[smem:$0x3FB0] =	sst s0  }
0x18: {  	s0 =	sld [smem:$0x3F93];
	_ =	swait.ge [sflag:s4], $0x0  }
0x19: {  	s7 =	sld [smem:$0x3F94]  }
0x1a: {  	s8 =	sadd.s32 $0xFFFFE003, lr  }
0x1b: {  	s9 =	sadd.s32 $0xFFFFFEF7, lr;
	s5 =	simm.s32 $0xFFFFFFFF;
	p2 =	slt.u32 s8, $0xFFFFF086  }
0x1c: {  	p1 =	slt.u32 s9, $0xF7A;
	s5 =	simm.s32 @!p2 $0x0  }
0x1d: {  	s5 =	simm.s32 @p1 $0x1;
	p0 =	seq.s32 s7, s2  }
0x1e: {  	s7 =	smul.u32 @!p0 $0xF7A, s2;
	p2 =	seq.s32 @!p0 s5, $0x0  }
0x1f: {  	s9 =	smul.u32 $0xF7A, s1;
	s8 =	simm.s32 @!p0 $0x1BF5;
	p2 =	por !p2, p0  }
0x20: {  	[sflag:s8] =	ssyncset.s32 @!p0 $0xFFFFF086;
	s6 =	sadd.s32 @!p0 s3, s7;
	s7 =	simm.s32 @!p0 $0x108  }
0x21: {  	s3 =	sadd.s32 s3, s9;
	s6 =	sadd.s32 @!p0 $0x88, s6;
	s7 =	simm.s32 @p2 $0x1082  }
0x22: {  	[simem:s7], [sflag:s8] =	dma.local @!p0 [hbm:s6], $0xF7A  }
0x23: {  	s9 =	sor.u32 $0xD0000000, s2;
	s6 =	simm.s32 $0x108;
	_ =	swait.ge @!p0 [sflag:s8], $0x0  }
0x24: {  	s3 =	sadd.s32 $0x88, s3;
	s6 =	simm.s32 @!p1 $0x1082;
	[sflag:s4] =	ssyncset.s32 $0xFFFFF086  }
0x25: {  	[simem:s6], [sflag:s4] =	dma.local [hbm:s3], $0xF7A  }
0x26: {  	[smem:$0x3F94] =	sst s1;
	(tag) =	ssettag s2;
	_ =	strace s9  }
0x27: {  	s1 =	sld [smem:$0x3FA4]  }
0x28: {  	s2 =	sld [smem:$0x3FA5]  }
0x29: {  	s4 =	sld [smem:$0x3FA7]  }
0x2a: {  	p0 =	seq.s32 s5, $0x0;
	s5 =	sld [smem:$0x3FA8]  }
0x2b: {  	s6 =	sld [smem:$0x3FA9]  }
0x2c: {  	s7 =	sld [smem:$0x3FAA]  }
0x2d: {  	s3 =	simm.s32 $0x108;
	s8 =	sld [smem:$0x3FAB]  }
0x2e: {  	s3 =	simm.s32 @!p0 $0x1082;
	s9 =	sld [smem:$0x3FAC]  }
0x2f: {  	lr =	sadd.s32 s0, s3;
	s0 =	sld [smem:$0x3FA3]  }
0x30: {  	s3 =	sld [smem:$0x3FA6]  }
0x31: {  	[smem:$0x3FAF] =	sst s10  }
0x32: {  	s10 =	sld [smem:$0x3FAD];
	_ =	sdelay $0x3  }
0x33: {  	p0 =	seq.s32 s10, $0x1;
	s10 =	sld [smem:$0x3FAF];
	_ =	sdelay $0x3  }
0x34: {  	[smem:$0x3FAF] =	sst s10  }
0x35: {  	s10 =	sld [smem:$0x3FAE];
	_ =	sdelay $0x3  }
0x36: {  	p1 =	seq.s32 s10, $0x1;
	s10 =	sld [smem:$0x3FAF];
	_ =	sdelay $0x3  }
0x37: {  	[smem:$0x3FAF] =	sst s10  }
0x38: {  	s10 =	sld [smem:$0x3FB0]  }
0x39: {  	_ = 	snop;
	(pc) =	sbr.ind lr, $3  }
0x3a: {  	_ = 	snop  }
0x3b: {  	_ = 	snop  }
0x3c: {  	p2 =	seq.s32 s10, $0x1;
	s10 =	sld [smem:$0x3FAF]  }
0x3d: {  	_ =	shalt  }
0x3e: {  	_ =	shalt  }
0x3f: {  	_ =	shalt  }
0x40: {  	_ =	shalt  }
0x41: {  	_ =	shalt  }
0x42: {  	_ =	shalt  }
0x43: {  	_ =	shalt  }
0x44: {  	_ =	shalt  }
0x45: {  	_ =	shalt  }
0x46: {  	_ =	shalt  }
0x47: {  	_ =	shalt  }
0x48: {  	_ =	shalt  }
0x49: {  	_ =	shalt  }
0x4a: {  	_ =	shalt  }
0x4b: {  	_ =	shalt  }
0x4c: {  	_ =	shalt  }
0x4d: {  	_ =	shalt  }
0x4e: {  	_ =	shalt  }
0x4f: {  	_ =	shalt  }
0x50: {  	_ =	shalt  }
0x51: {  	_ =	shalt  }
0x52: {  	_ =	shalt  }
0x53: {  	_ =	shalt  }
0x54: {  	_ =	shalt  }
0x55: {  	_ =	shalt  }
0x56: {  	_ =	shalt  }
0x57: {  	_ =	shalt  }
0x58: {  	_ =	shalt  }
0x59: {  	_ =	shalt  }
0x5a: {  	_ =	shalt  }
0x5b: {  	_ =	shalt  }
0x5c: {  	_ =	shalt  }
0x5d: {  	_ =	shalt  }
0x5e: {  	_ =	shalt  }
0x5f: {  	_ =	shalt  }
0x60: {  	_ =	shalt  }
0x61: {  	_ =	shalt  }
0x62: {  	_ =	shalt  }
0x63: {  	_ =	shalt  }
0x64: {  	_ =	shalt  }
0x65: {  	_ =	shalt  }
0x66: {  	_ =	shalt  }
0x67: {  	_ =	shalt  }
0x68: {  	_ =	shalt  }
0x69: {  	_ =	shalt  }
0x6a: {  	_ =	shalt  }
0x6b: {  	_ =	shalt  }
0x6c: {  	_ =	shalt  }
0x6d: {  	_ =	shalt  }
0x6e: {  	_ =	shalt  }
0x6f: {  	_ =	shalt  }
0x70: {  	_ =	shalt  }
0x71: {  	_ =	shalt  }
0x72: {  	_ =	shalt  }
0x73: {  	_ =	shalt  }
0x74: {  	_ =	shalt  }
0x75: {  	_ =	shalt  }
0x76: {  	_ =	shalt  }
0x77: {  	_ =	shalt  }
0x78: {  	_ =	shalt  }
0x79: {  	_ =	shalt  }
0x7a: {  	_ =	shalt  }
0x7b: {  	_ =	shalt  }
0x7c: {  	_ =	shalt  }
0x7d: {  	_ =	shalt  }
0x7e: {  	_ =	shalt  }
0x7f: {  	_ =	shalt  }
0x80: {  	_ =	shalt  }
0x81: {  	_ =	shalt  }
0x82: {  	_ =	shalt  }
0x83: {  	_ =	shalt  }
0x84: {  	_ =	shalt  }
0x85: {  	_ =	shalt  }
0x86: {  	_ =	shalt  }
0x87: {  	_ =	shalt  }
.Lfunc_end0:
.L_simem_size_0:
called_computation.2_lowered:
.L_overlay_start_0:
0x88: {  	s2 =	sld [smem:$0x3FD9]  }
0x89: {  	s3 =	sld [smem:$0x3FFE];
	_ =	sdelay $0x1  }
0x8a: {  	s1 =	srdreg.scid  }
0x8b: {  	s0 =	sand.u32 $0x1, s1  }
0x8c: {  	s16 =	sshll.u32 s0, $0xA;
	s2 =	sadd.s32 s3, s2  }
0x8d: {  	s2 =	sadd.s32 s2, s16  }
0x8e: {  	[smem:$0x3FBB] =	sst s2  }
0x8f: {  	_ = 	snop  }
0x90: {  	(tm) =	ssettm $0x1  }
0x91: {  	s17 =	sld [smem:$0x3FFB];
	_ =	sdelay $0x3  }
0x92: {  	_ =	strace s17  }
0x93: {  	s2 =	sld [smem:$0x3FFC];
	_ =	sdelay $0x3  }
0x94: {  	_ =	strace s2  }
0x95: {  	s2 =	sld [smem:$0x3FFD];
	_ =	sdelay $0x3  }
0x96: {  	_ =	strace s2  }
0x97: {  	_ =	strace $0x8FFFFFFF  }
0x98: {  	s18 =	sld [smem:$0x3FDB];
	_ =	sdelay $0x1  }
0x99: {  	s19 =	simm.s32 $_scs_section_size  }
0x9a: {  	s4 =	simm.s32 $_size__tile_overlayer_lowered;
	s5 =	simm.s32 $_tile_overlayer_lowered  }
0x9b: {  	s22 =	simm.s32 $0x1BFF;
	s21 =	sshll.u32 s5, $0x1;
	s2 =	sadd.s32 s19, s18  }
0x9c: {  	s6 =	simm.s32 $0x0;
	s20 =	sshll.u32 s4, $0x1;
	s4 =	sadd.s32 s21, s2  }
0x9d: {  	[timem:s6], [sflag:s22] =	dma.local [hbm:s4], s20  }
0x9e: {  	_ =	swait.ge [sflag:s22], s20  }
0x9f: {  	s3 =	ssub.s32 $0x0, s20;
	[sflag:s22] =	ssyncset.done $0x0  }
0xa0: {  	[sflag:s22] =	ssyncadd.s32 s3;
	_ =	sdelay $0x1  }
0xa1: {  	s23 =	simm.s32 $0x1B8B  }
0xa2: {  	_ =	swait.ge [sflag:s23], $0x1  }
0xa3: {  	[sflag:s23] =	ssyncset.done $0x0  }
0xa4: {  	s25 =	simm.s32 $0x1B8E;
	s24 =	sld [smem:$0x3FFE];
	[sflag:s23] =	ssyncadd.s32 $0xFFFFFFFF  }
0xa5: {  	s26 =	simm.s32 $execute0_lowered;
	[smem:$0x3FD2] =	sst s25  }
0xa6: {  	s4 =	sshll.u32 s26, $0x1;
	_ =	strace $0x8000004C;
	[dreg:$0x1] =	wrdreg $0xFFFFFFFF  }
0xa7: {  	s28 =	simm.s32 $_size_execute0_lowered;
	s2 =	sadd.s32 s2, s4;
	[dreg:$0x0] =	wrdreg $0x0  }
0xa8: {  	s4 =	sshll.u32 s28, $0x1;
	[dreg:$0x2] =	wrdreg s2  }
0xa9: {  	[dreg:$0x3] =	wrdreg s4  }
0xaa: {  	[dreg:$0x4] =	wrdreg $0xC0  }
0xab: {  	_ =	task [dreg:s6], $0x5FFFF  }
0xac: {  	[dreg:$0x1] =	wrdreg $0xFFFFFFFF  }
0xad: {  	[dreg:$0x0] =	wrdreg $0x60  }
0xae: {  	[dreg:$0x2] =	wrdreg s24  }
0xaf: {  	[dreg:$0x3] =	wrdreg $0x131000  }
0xb0: {  	[dreg:$0x4] =	wrdreg $0x91000  }
0xb1: {  	[dreg:$0x5] =	wrdreg $0x9  }
0xb2: {  	_ =	task.clear_ibuf [dreg:s6], $0x6FFFF;
	_ =	strace $0x9000004C  }
0xb3: {  	s29 =	simm.s32 $0x9;
	_ =	strace $0x8000004E  }
0xb4: {  	_ =	swait.ge [sflag:s29], $0x1  }
0xb5: {  	[sflag:s29] =	ssyncadd.s32 $0xFFFFFFFF  }
0xb6: {  	_ =	strace $0x9000004E  }
0xb7: {  	_ =	sfence  }
0xb8: {  	s30 =	sld [smem:$0x0];
	_ =	sdelay $0x2  }
0xb9: {  	s31 =	sshll.u32 s1, $0xD;
	s1 =	sshrl.u32 s1, $0x2  }
0xba: {  	s3 =	sand.u32 $0x4000, s31;
	s1 =	sadd.s32 s1, s30  }
0xbb: {  	s0 =	sor.u32 s3, s0;
	s1 =	sshll.u32 s1, $0x11  }
0xbc: {  	s0 =	sor.u32 s1, s0  }
0xbd: {  	s0 =	sadd.s32 $0x8F2B, s0  }
0xbe: {  	[sflag:s0] =	ssyncadd.remote.s32 $0x1  }
0xbf: {  	_ =	sfence.sel $0xFFFF  }
0xc0: {  	[dreg:$0x0] =	wrdreg $0xFFFFFFFF;
	(pc) =	sbr.abs _section_cstart, $3  }
0xc1: {  	[dreg:$0x1] =	wrdreg $0xFFFFFFFF  }
0xc2: {  	_ =	task.clear_ibuf [dreg:s6], $0x2FFFF;
	_ =	strace $0x9FFFFFFF  }
0xc3: {  	(tm) =	ssettm $0x7FFFFFFF  }
tec
execute0_lowered:
.L_overlay_start_1:
0x0: {  	(tag) =	ssettag $0x1  }
0x1: {  	s5 =	rddreg [dreg:$0x0]  }
0x2: {  	s2 =	rddreg [dreg:$0x1];
	s0 =	stileid.u32  }
0x3: {  	s1 =	srdreg.scid;
	s3 =	rddreg [dreg:$0x2]  }
0x4: {  	s4 =	simm.s32 $0x0;
	s17 =	simm.s32 $0x5100;
	s18 =	simm.s32 $0x3  }
0x5: {  	s20 =	simm.s32 $0x2880;
	s21 =	simm.s32 $0x80;
	s22 =	simm.s32 $0x7100  }
0x6: {  	s23 =	simm.s32 $0x1;
	s24 =	simm.s32 $0x2;
	s25 =	simm.s32 $0x0  }
0x7: {  	s10 =	smul.u32 $0xA000, s0;
	s6 =	sand.u32 $0x1, s1;
	s1 =	rddreg [dreg:$0x3]  }
0x8: {  	[smem:$0x7FF] =	sst s4;
	s26 =	smul.u32 $0x28000, s0;
	s12 =	sadd.s32 $0x3000, s5  }
0x9: {  	s9 =	sshll.u32 s0, $0x1;
	p0 =	sgt.u32 s0, $0x1;
	s7 =	smul.u32 $0xA0000, s6  }
0xa: {  	_ =	strace $0x8000004D;
	s28 =	ssub.s32 $0x2, s6;
	s13 =	sor.u32 s6, s9  }
0xb: {  	s8 =	sshrl.u32 s10, $0x3;
	s29 =	sshrl.u32 s28, $0x1;
	s14 =	smul.u32 $0x2700, s13  }
0xc: {  	s19 =	sadd.s32 s10, s3;
	s13 =	sshll.u32 s13, $0x4;
	s7 =	sadd.s32 s10, s7  }
0xd: {  	s11 =	sadd.s32 s8, s5;
	s8 =	sshrl.u32 s26, $0x2;
	s16 =	ssub.s32 s28, s29  }
0xe: {  	s31 =	sadd.s32 s13, s12;
	s19 =	sshrl.u32 s19, $0x3;
	s7 =	sshrl.u32 s7, $0x3  }
0xf: {  	s30 =	sadd.s32 s8, s2;
	s14 =	sshrl.u32 s14, $0x3;
	s13 =	sadd.s32 $0x9C00, s31  }
0x10: {  	s16 =	smax.u32 s16, $0x1;
	s15 =	sadd.s32 s7, s5;
	s5 =	sadd.s32 s10, s2  }
0x11: {  	s6 =	sadd.s32 $0x2000, s30;
	s7 =	sadd.s32 $0x4000, s30;
	s8 =	sadd.s32 $0x6000, s30  }
0x12: {  	s9 =	sadd.s32 $0x8000, s30;
	s10 =	sadd.s32 $0x66A00, s11;
	s11 =	sadd.s32 s12, s14  }
0x13: {  	v0 =	vimm.f32 $0.0e+00;
	s14 =	sadd.s32 $0x13840, s31;
	s12 =	sadd.s32 $0x9C40, s11;
	s15 =	sadd.s32 $0x7AA00, s15  }
.LBB2_1:
0x14: {  	s28 =	simm.s32 $0x100;
	s26 =	simm.s32 $0x0  }
.LBB2_2:
0x15: {  	p1 =	sne.s32 s28, $0x7F00;
	[tilespmem:s26+$0x5130] =	vst v0;
	s29 =	smov.u32 s28;
	s28 =	sadd.s32 $0x100, s28  }
.Ltmp0:
0x16: {  	[tilespmem:s26+$0x5120] =	vst v0;
	(pc) =	sbr.rel @p1 .LBB2_2-.Ltmp0, $3  }
0x17: {  	[tilespmem:s26+$0x5100] =	vst v0  }
0x18: {  	[tilespmem:s26+$0x5110] =	vst v0;
	_ =	sdelay $0x1  }
0x19: {  	s26 =	sshra.s32 s29, $0x2  }
0x1a: {  	[tilespmem:s26+$0x5130] =	vst v0  }
0x1b: {  	[tilespmem:s26+$0x5120] =	vst v0  }
0x1c: {  	[tilespmem:s26+$0x5100] =	vst v0  }
0x1d: {  	[tilespmem:s26+$0x5110] =	vst v0  }
0x1e: {  	[spmem:s5] =	stream.linear.scatter [tilespmem:s17], [sflag:$0x3], $0x2000, $0x38;
	[tilespmem:$0x1D100] =	vst v63  }
0x1f: {  	_ =	swait.ge [sflag:s18], $0x2000  }
0x20: {  	[sflag:s18] =	ssyncset.done $0x0  }
0x21: {  	[sflag:s18] =	ssyncadd.s32 $0xFFFFE000  }
0x22: {  	[spmem:s6] =	stream.linear.scatter [tilespmem:s17], [sflag:$0x3], $0x2000, $0x38;
	[tilespmem:$0x1D100] =	vst v63  }
0x23: {  	_ =	swait.ge [sflag:s18], $0x2000  }
0x24: {  	[sflag:s18] =	ssyncset.done $0x0  }
0x25: {  	[sflag:s18] =	ssyncadd.s32 $0xFFFFE000  }
0x26: {  	[spmem:s7] =	stream.linear.scatter [tilespmem:s17], [sflag:$0x3], $0x2000, $0x38;
	[tilespmem:$0x1D100] =	vst v63  }
0x27: {  	_ =	swait.ge [sflag:s18], $0x2000  }
0x28: {  	[sflag:s18] =	ssyncset.done $0x0  }
0x29: {  	[sflag:s18] =	ssyncadd.s32 $0xFFFFE000  }
0x2a: {  	[spmem:s8] =	stream.linear.scatter [tilespmem:s17], [sflag:$0x3], $0x2000, $0x38;
	[tilespmem:$0x1D100] =	vst v63  }
0x2b: {  	_ =	swait.ge [sflag:s18], $0x2000  }
0x2c: {  	[sflag:s18] =	ssyncset.done $0x0  }
0x2d: {  	[sflag:s18] =	ssyncadd.s32 $0xFFFFE000  }
0x2e: {  	[spmem:s9] =	stream.linear.scatter [tilespmem:s17], [sflag:$0x3], $0x2000, $0x38;
	[tilespmem:$0x1D100] =	vst v63  }
0x2f: {  	_ =	swait.ge [sflag:s18], $0x2000  }
0x30: {  	s31 =	sshll.u32 s0, $0x6;
	[sflag:s18] =	ssyncset.done $0x0  }
0x31: {  	s26 =	sor.u32 $0x1C03, s31;
	[sflag:s18] =	ssyncadd.s32 $0xFFFFE000  }
0x32: {  	[spmem:s19], [sflag:s26] =	dma.local [hbm:s10], $0x1400  }
0x33: {  	_ =	swait.ge [sflag:s18], $0x1400  }
0x34: {  	[sflag:s18] =	ssyncset.done $0x0  }
0x35: {  	[sflag:s18] =	ssyncadd.s32 $0xFFFFEC00  }
0x36: {  	[tilespmem:s4], [sflag:$0x3] =	stream.linear.gather [hbm4b:s11+s4], $0x2700, $0x38;
	[tilespmem:$0x1D100] =	vst v63  }
0x37: {  	_ =	swait.ge [sflag:s18], $0x2700  }
0x38: {  	[sflag:s18] =	ssyncset.done $0x0  }
0x39: {  	[sflag:s18] =	ssyncadd.s32 $0xFFFFD900  }
0x3a: {  	[tilespmem:s20], [sflag:$0x3] =	stream.linear.gather [hbm4b:s12+s4], $0x2700, $0x38;
	[tilespmem:$0x1D100] =	vst v63  }
0x3b: {  	_ =	swait.ge [sflag:s18], $0x2700  }
0x3c: {  	[sflag:s18] =	ssyncset.done $0x0  }
0x3d: {  	s28 =	simm.s32 @!p0 $0x0;
	s29 =	simm.s32 @!p0 $0x2800;
	[sflag:s18] =	ssyncadd.s32 $0xFFFFD900  }
0x3e: {  	[tilespmem:s29], [sflag:$0x3] =	stream.linear.gather @!p0 [hbm4b:s13+s28], $0x80, $0x38;
	[tilespmem:$0x1D100] =	vst v63  }
0x3f: {  	s29 =	simm.s32 @!p0 $0x3  }
0x40: {  	_ =	swait.ge @!p0 [sflag:s29], $0x80  }
0x41: {  	[sflag:s29] =	ssyncset.done @!p0 $0x0  }
0x42: {  	s30 =	simm.s32 @!p0 $0x5080;
	[sflag:s29] =	ssyncadd.s32 @!p0 $0xFFFFFF80  }
0x43: {  	[tilespmem:s30], [sflag:$0x3] =	stream.linear.gather @!p0 [hbm4b:s14+s28], $0x80, $0x38;
	[tilespmem:$0x1D100] =	vst v63  }
0x44: {  	_ =	swait.ge @!p0 [sflag:s29], $0x80  }
0x45: {  	[sflag:s29] =	ssyncset.done @!p0 $0x0  }
0x46: {  	[sflag:s29] =	ssyncadd.s32 @!p0 $0xFFFFFF80  }
0x47: {  	s28 =	simm.s32 $0x0;
	[bflag:$0x0] =	sbarrier.arrive $0xFFFF  }
0x48: {  	[tilespmem:s17], [sflag:$0x1] =	stream.indirect.gather [spmem:s3], $0x40, s28, s21, $0xb8;
	[tilespmem:$0x1D100] =	vst v63  }
0x49: {  	s28 =	simm.s32 $0x80  }
0x4a: {  	[tilespmem:s22], [sflag:$0x1] =	stream.indirect.gather [spmem:s3], $0x40, s28, s21, $0xb8;
	[tilespmem:$0x1D100] =	vst v63  }
0x4b: {  	_ =	swait.ge [sflag:s23], $0x2000  }
0x4c: {  	[sflag:s23] =	ssyncset.done $0x0  }
0x4d: {  	[sflag:s23] =	ssyncadd.s32 $0xFFFFE000  }
0x4e: {  	_ =	swait.ge [sflag:s23], $0x2000  }
0x4f: {  	[sflag:s23] =	ssyncset.done $0x0  }
0x50: {  	s28 =	simm.s32 $0x2880;
	[sflag:s23] =	ssyncadd.s32 $0xFFFFE000  }
0x51: {  	[spmem:s2] =	stream.indirect.scatter.add.f32 [tilespmem:s17], [sflag:$0x2], $0x40, s28, s21, $0xb8;
	[tilespmem:$0x1D100] =	vst v63  }
0x52: {  	s28 =	simm.s32 $0x2900  }
0x53: {  	[spmem:s2] =	stream.indirect.scatter.add.f32 [tilespmem:s22], [sflag:$0x2], $0x40, s28, s21, $0xb8;
	[tilespmem:$0x1D100] =	vst v63  }
0x54: {  	_ =	swait.ge [sflag:s24], $0x2000  }
0x55: {  	[sflag:s24] =	ssyncset.done $0x0  }
0x56: {  	[sflag:s24] =	ssyncadd.s32 $0xFFFFE000  }
0x57: {  	_ =	swait.ge [sflag:s24], $0x2000  }
0x58: {  	s29 =	simm.s32 $0x800;
	s28 =	simm.s32 $0x400;
	[sflag:s24] =	ssyncset.done $0x0  }
.LBB2_4:
0x59: {  	s30 =	sshra.s32 s28, $0x2  }
0x5a: {  	[sflag:s24] =	ssyncadd.s32 $0xFFFFE000;
	s28 =	smov.u32 s29;
	s31 =	sadd.s32 $0x400, s29  }
0x5b: {  	[tilespmem:s17], [sflag:$0x1] =	stream.indirect.gather [spmem:s3], $0x40, s30, s21, $0xb8;
	[tilespmem:$0x1D100] =	vst v63  }
0x5c: {  	p1 =	sne.s32 s29, $0x9800;
	s29 =	sadd.s32 $0x80, s30  }
0x5d: {  	[tilespmem:s22], [sflag:$0x1] =	stream.indirect.gather [spmem:s3], $0x40, s29, s21, $0xb8;
	[tilespmem:$0x1D100] =	vst v63  }
0x5e: {  	_ =	swait.ge [sflag:s23], $0x2000  }
0x5f: {  	[sflag:s23] =	ssyncset.done $0x0  }
0x60: {  	[sflag:s23] =	ssyncadd.s32 $0xFFFFE000  }
0x61: {  	_ =	swait.ge [sflag:s23], $0x2000  }
0x62: {  	[sflag:s23] =	ssyncset.done $0x0  }
0x63: {  	s29 =	sadd.s32 $0x2880, s30;
	[sflag:s23] =	ssyncadd.s32 $0xFFFFE000  }
0x64: {  	[spmem:s2] =	stream.indirect.scatter.add.f32 [tilespmem:s17], [sflag:$0x2], $0x40, s29, s21, $0xb8;
	[tilespmem:$0x1D100] =	vst v63  }
0x65: {  	s29 =	sadd.s32 $0x2900, s30  }
0x66: {  	[spmem:s2] =	stream.indirect.scatter.add.f32 [tilespmem:s22], [sflag:$0x2], $0x40, s29, s21, $0xb8;
	[tilespmem:$0x1D100] =	vst v63  }
.Ltmp1:
0x67: {  	_ =	swait.ge [sflag:s24], $0x2000;
	(pc) =	sbr.rel @p1 .LBB2_4-.Ltmp1, $4  }
0x68: {  	[sflag:s24] =	ssyncset.done $0x0  }
0x69: {  	[sflag:s24] =	ssyncadd.s32 $0xFFFFE000  }
0x6a: {  	_ =	swait.ge [sflag:s24], $0x2000  }
0x6b: {  	s29 =	smov.u32 s31;
	[sflag:s24] =	ssyncset.done $0x0  }
0x6c: {  	s28 =	sshra.s32 s28, $0x2;
	[sflag:s24] =	ssyncadd.s32 $0xFFFFE000  }
0x6d: {  	[tilespmem:s17], [sflag:$0x1] =	stream.indirect.gather [spmem:s3], $0x40, s28, s21, $0xb8;
	[tilespmem:$0x1D100] =	vst v63  }
0x6e: {  	s29 =	sadd.s32 $0x80, s28  }
0x6f: {  	[tilespmem:s22], [sflag:$0x1] =	stream.indirect.gather [spmem:s3], $0x40, s29, s21, $0xb8;
	[tilespmem:$0x1D100] =	vst v63  }
0x70: {  	_ =	swait.ge [sflag:s23], $0x2000  }
0x71: {  	[sflag:s23] =	ssyncset.done $0x0  }
0x72: {  	[sflag:s23] =	ssyncadd.s32 $0xFFFFE000  }
0x73: {  	_ =	swait.ge [sflag:s23], $0x2000  }
0x74: {  	[sflag:s23] =	ssyncset.done $0x0  }
0x75: {  	s30 =	sadd.s32 $0x2880, s28;
	[sflag:s23] =	ssyncadd.s32 $0xFFFFE000  }
0x76: {  	[spmem:s2] =	stream.indirect.scatter.add.f32 [tilespmem:s17], [sflag:$0x2], $0x40, s30, s21, $0xb8;
	[tilespmem:$0x1D100] =	vst v63  }
0x77: {  	s28 =	sadd.s32 $0x2900, s28  }
0x78: {  	[spmem:s2] =	stream.indirect.scatter.add.f32 [tilespmem:s22], [sflag:$0x2], $0x40, s28, s21, $0xb8;
	[tilespmem:$0x1D100] =	vst v63  }
0x79: {  	_ =	swait.ge [sflag:s24], $0x2000  }
0x7a: {  	[sflag:s24] =	ssyncset.done $0x0  }
0x7b: {  	[sflag:s24] =	ssyncadd.s32 $0xFFFFE000  }
0x7c: {  	_ =	swait.ge [sflag:s24], $0x2000  }
0x7d: {  	s29 =	simm.s32 @!p0 $0x2800;
	[sflag:s24] =	ssyncset.done $0x0  }
0x7e: {  	s30 =	simm.s32 @!p0 $0x5100;
	s28 =	simm.s32 @!p0 $0x80;
	[sflag:s24] =	ssyncadd.s32 $0xFFFFE000  }
0x7f: {  	[tilespmem:s30], [sflag:$0x1] =	stream.indirect.gather @!p0 [spmem:s3], $0x40, s29, s28, $0xb8;
	[tilespmem:$0x1D100] =	vst v63  }
0x80: {  	s29 =	simm.s32 @!p0 $0x1  }
0x81: {  	_ =	swait.ge @!p0 [sflag:s29], $0x2000  }
0x82: {  	[sflag:s29] =	ssyncset.done @!p0 $0x0  }
0x83: {  	[sflag:s29] =	ssyncadd.s32 @!p0 $0xFFFFE000;
	s29 =	simm.s32 @!p0 $0x5080  }
0x84: {  	[spmem:s2] =	stream.indirect.scatter.add.f32 @!p0 [tilespmem:s30], [sflag:$0x3], $0x40, s29, s28, $0xb8;
	[tilespmem:$0x1D100] =	vst v63  }
0x85: {  	s28 =	simm.s32 @!p0 $0x3  }
0x86: {  	_ =	swait.ge @!p0 [sflag:s28], $0x2000  }
0x87: {  	s25 =	sadd.s32 $0x1, s25;
	[sflag:s28] =	ssyncset.done @!p0 $0x0  }
0x88: {  	p1 =	sne.s32 s25, s16;
	[sflag:s28] =	ssyncadd.s32 @!p0 $0xFFFFE000  }
.Ltmp2:
0x89: {  	s31 =	sshrl.u32 s5, $0x3;
	[bflag:$0x0] =	sbarrier.arrive $0xFFFF;
	(pc) =	sbr.rel @p1 .LBB2_1-.Ltmp2, $4  }
0x8a: {  	[hbm:s15], [sflag:s26] =	dma.local [spmem:s31], $0x1400  }
0x8b: {  	_ =	swait.ge [sflag:s18], $0x1400  }
0x8c: {  	[sflag:s18] =	ssyncset.done $0x0  }
0x8d: {  	[sflag:s18] =	ssyncadd.s32 $0xFFFFEC00  }
0x8e: {  	_ =	sfence.sel $0x180000  }
0x8f: {  	[bflag:$0x0] =	sbarrier.arrive $0xFFFF  }
0x90: {  	p0 =	sne.s32 s0, $0x0;
	_ =	strace $0x9000004D  }
0x91: {  	s0 =	sadd.s32 @!p0 $0x100000, s1;
	[bflag:$0x2] =	sbarrier.arrive $0xFFFF  }
0x92: {  	[sflag:s0] =	ssyncadd.tile.s32 @!p0 $0x1;
	_ =	shalt  }
.Lfunc_end2:
_tile_overlayer_lowered:
.L_overlay_start_2:
0x93: {  	(tag) =	ssettag $0x2  }
0x94: {  	s0 =	rddreg [dreg:$0x0];
	s2 =	stileid.u32  }
0x95: {  	s1 =	rddreg [dreg:$0x1];
	p0 =	sne.s32 s2, $0x0  }
0x96: {  	s3 =	rddreg [dreg:$0x2];
	[bflag:$0x3] =	sbarrier.arrive $0xFFFF;
	s2 =	simm.s32 @!p0 $0x1C03  }
0x97: {  	[timem:s3], [sflag:s2] =	dma.local @!p0 [hbm:s0], s1  }
0x98: {  	s0 =	simm.s32 @!p0 $0x3  }
0x99: {  	_ =	swait.ge @!p0 [sflag:s0], s1  }
0x9a: {  	s1 =	ssub.s32 @!p0 $0x0, s1;
	[sflag:s0] =	ssyncset.done @!p0 $0x0  }
0x9b: {  	[sflag:s0] =	ssyncadd.s32 @!p0 s1  }
0x9c: {  	[bflag:$0x3] =	sbarrier.arrive $0xFFFF  }
0x9d: {  	_ =	shalt  }

// kernel: kernel.9.cloned.1.call-start
scs
__scs_entry_jumppad:
0x0: {  	(pc) =	sbr.rel $0x88, $3  }
0x1: {  	(tag) =	ssettag $0x0;
	lr =	simm.s32 $0x1  }
0x2: {  	[smem:$0x3F94] =	sst lr;
	_ =	strace $0xD0000000  }
0x3: {  	_ = 	snop  }
0x4: {  	_ = 	snop  }
0x5: {  	_ = 	snop  }
0x6: {  	_ = 	snop  }
0x7: {  	_ = 	snop  }
__scs_overlays_trampoline_lowered:
0x8: {  	[smem:$0x3FA3] =	sst s0  }
0x9: {  	[smem:$0x3FA4] =	sst s1  }
0xa: {  	[smem:$0x3FA5] =	sst s2  }
0xb: {  	[smem:$0x3FA6] =	sst s3  }
0xc: {  	[smem:$0x3FA7] =	sst s4  }
0xd: {  	[smem:$0x3FA8] =	sst s5  }
0xe: {  	[smem:$0x3FA9] =	sst s6  }
0xf: {  	[smem:$0x3FAA] =	sst s7  }
0x10: {  	[smem:$0x3FAB] =	sst s8  }
0x11: {  	[smem:$0x3FAC] =	sst s9;
	s0 =	simm.s32 @!p0 $0x0  }
0x12: {  	s1 =	sld [smem:$0x3F92];
	s0 =	simm.s32 @p0 $0x1  }
0x13: {  	[smem:$0x3FAD] =	sst s0;
	s0 =	simm.s32 @!p1 $0x0  }
0x14: {  	s2 =	sld [smem:$0x3F91];
	s0 =	simm.s32 @p1 $0x1  }
0x15: {  	[smem:$0x3FAE] =	sst s0;
	s0 =	simm.s32 @!p2 $0x0  }
0x16: {  	s3 =	sld [smem:$0x3FDB];
	s0 =	simm.s32 @p2 $0x1  }
0x17: {  	s4 =	simm.s32 $0x1BF5;
	[smem:$0x3FB0] =	sst s0  }
0x18: {  	s0 =	sld [smem:$0x3F93];
	_ =	swait.ge [sflag:s4], $0x0  }
0x19: {  	s7 =	sld [smem:$0x3F94]  }
0x1a: {  	s8 =	sadd.s32 $0xFFFFE003, lr  }
0x1b: {  	s9 =	sadd.s32 $0xFFFFFEF7, lr;
	s5 =	simm.s32 $0xFFFFFFFF;
	p2 =	slt.u32 s8, $0xFFFFF086  }
0x1c: {  	p1 =	slt.u32 s9, $0xF7A;
	s5 =	simm.s32 @!p2 $0x0  }
0x1d: {  	s5 =	simm.s32 @p1 $0x1;
	p0 =	seq.s32 s7, s2  }
0x1e: {  	s7 =	smul.u32 @!p0 $0xF7A, s2;
	p2 =	seq.s32 @!p0 s5, $0x0  }
0x1f: {  	s9 =	smul.u32 $0xF7A, s1;
	s8 =	simm.s32 @!p0 $0x1BF5;
	p2 =	por !p2, p0  }
0x20: {  	[sflag:s8] =	ssyncset.s32 @!p0 $0xFFFFF086;
	s6 =	sadd.s32 @!p0 s3, s7;
	s7 =	simm.s32 @!p0 $0x108  }
0x21: {  	s3 =	sadd.s32 s3, s9;
	s6 =	sadd.s32 @!p0 $0x88, s6;
	s7 =	simm.s32 @p2 $0x1082  }
0x22: {  	[simem:s7], [sflag:s8] =	dma.local @!p0 [hbm:s6], $0xF7A  }
0x23: {  	s9 =	sor.u32 $0xD0000000, s2;
	s6 =	simm.s32 $0x108;
	_ =	swait.ge @!p0 [sflag:s8], $0x0  }
0x24: {  	s3 =	sadd.s32 $0x88, s3;
	s6 =	simm.s32 @!p1 $0x1082;
	[sflag:s4] =	ssyncset.s32 $0xFFFFF086  }
0x25: {  	[simem:s6], [sflag:s4] =	dma.local [hbm:s3], $0xF7A  }
0x26: {  	[smem:$0x3F94] =	sst s1;
	(tag) =	ssettag s2;
	_ =	strace s9  }
0x27: {  	s1 =	sld [smem:$0x3FA4]  }
0x28: {  	s2 =	sld [smem:$0x3FA5]  }
0x29: {  	s4 =	sld [smem:$0x3FA7]  }
0x2a: {  	p0 =	seq.s32 s5, $0x0;
	s5 =	sld [smem:$0x3FA8]  }
0x2b: {  	s6 =	sld [smem:$0x3FA9]  }
0x2c: {  	s7 =	sld [smem:$0x3FAA]  }
0x2d: {  	s3 =	simm.s32 $0x108;
	s8 =	sld [smem:$0x3FAB]  }
0x2e: {  	s3 =	simm.s32 @!p0 $0x1082;
	s9 =	sld [smem:$0x3FAC]  }
0x2f: {  	lr =	sadd.s32 s0, s3;
	s0 =	sld [smem:$0x3FA3]  }
0x30: {  	s3 =	sld [smem:$0x3FA6]  }
0x31: {  	[smem:$0x3FAF] =	sst s10  }
0x32: {  	s10 =	sld [smem:$0x3FAD];
	_ =	sdelay $0x3  }
0x33: {  	p0 =	seq.s32 s10, $0x1;
	s10 =	sld [smem:$0x3FAF];
	_ =	sdelay $0x3  }
0x34: {  	[smem:$0x3FAF] =	sst s10  }
0x35: {  	s10 =	sld [smem:$0x3FAE];
	_ =	sdelay $0x3  }
0x36: {  	p1 =	seq.s32 s10, $0x1;
	s10 =	sld [smem:$0x3FAF];
	_ =	sdelay $0x3  }
0x37: {  	[smem:$0x3FAF] =	sst s10  }
0x38: {  	s10 =	sld [smem:$0x3FB0]  }
0x39: {  	_ = 	snop;
	(pc) =	sbr.ind lr, $3  }
0x3a: {  	_ = 	snop  }
0x3b: {  	_ = 	snop  }
0x3c: {  	p2 =	seq.s32 s10, $0x1;
	s10 =	sld [smem:$0x3FAF]  }
0x3d: {  	_ =	shalt  }
0x3e: {  	_ =	shalt  }
0x3f: {  	_ =	shalt  }
0x40: {  	_ =	shalt  }
0x41: {  	_ =	shalt  }
0x42: {  	_ =	shalt  }
0x43: {  	_ =	shalt  }
0x44: {  	_ =	shalt  }
0x45: {  	_ =	shalt  }
0x46: {  	_ =	shalt  }
0x47: {  	_ =	shalt  }
0x48: {  	_ =	shalt  }
0x49: {  	_ =	shalt  }
0x4a: {  	_ =	shalt  }
0x4b: {  	_ =	shalt  }
0x4c: {  	_ =	shalt  }
0x4d: {  	_ =	shalt  }
0x4e: {  	_ =	shalt  }
0x4f: {  	_ =	shalt  }
0x50: {  	_ =	shalt  }
0x51: {  	_ =	shalt  }
0x52: {  	_ =	shalt  }
0x53: {  	_ =	shalt  }
0x54: {  	_ =	shalt  }
0x55: {  	_ =	shalt  }
0x56: {  	_ =	shalt  }
0x57: {  	_ =	shalt  }
0x58: {  	_ =	shalt  }
0x59: {  	_ =	shalt  }
0x5a: {  	_ =	shalt  }
0x5b: {  	_ =	shalt  }
0x5c: {  	_ =	shalt  }
0x5d: {  	_ =	shalt  }
0x5e: {  	_ =	shalt  }
0x5f: {  	_ =	shalt  }
0x60: {  	_ =	shalt  }
0x61: {  	_ =	shalt  }
0x62: {  	_ =	shalt  }
0x63: {  	_ =	shalt  }
0x64: {  	_ =	shalt  }
0x65: {  	_ =	shalt  }
0x66: {  	_ =	shalt  }
0x67: {  	_ =	shalt  }
0x68: {  	_ =	shalt  }
0x69: {  	_ =	shalt  }
0x6a: {  	_ =	shalt  }
0x6b: {  	_ =	shalt  }
0x6c: {  	_ =	shalt  }
0x6d: {  	_ =	shalt  }
0x6e: {  	_ =	shalt  }
0x6f: {  	_ =	shalt  }
0x70: {  	_ =	shalt  }
0x71: {  	_ =	shalt  }
0x72: {  	_ =	shalt  }
0x73: {  	_ =	shalt  }
0x74: {  	_ =	shalt  }
0x75: {  	_ =	shalt  }
0x76: {  	_ =	shalt  }
0x77: {  	_ =	shalt  }
0x78: {  	_ =	shalt  }
0x79: {  	_ =	shalt  }
0x7a: {  	_ =	shalt  }
0x7b: {  	_ =	shalt  }
0x7c: {  	_ =	shalt  }
0x7d: {  	_ =	shalt  }
0x7e: {  	_ =	shalt  }
0x7f: {  	_ =	shalt  }
0x80: {  	_ =	shalt  }
0x81: {  	_ =	shalt  }
0x82: {  	_ =	shalt  }
0x83: {  	_ =	shalt  }
0x84: {  	_ =	shalt  }
0x85: {  	_ =	shalt  }
0x86: {  	_ =	shalt  }
0x87: {  	_ =	shalt  }
.Lfunc_end0:
.L_simem_size_0:
called_computation_lowered:
.L_overlay_start_0:
0x88: {  	s2 =	sld [smem:$0x3FD9]  }
0x89: {  	s3 =	sld [smem:$0x3FFE];
	_ =	sdelay $0x1  }
0x8a: {  	s1 =	srdreg.scid  }
0x8b: {  	s0 =	sand.u32 $0x1, s1  }
0x8c: {  	s16 =	sshll.u32 s0, $0xA;
	s2 =	sadd.s32 s3, s2  }
0x8d: {  	s2 =	sadd.s32 s2, s16  }
0x8e: {  	[smem:$0x3FBB] =	sst s2  }
0x8f: {  	_ = 	snop  }
0x90: {  	(tm) =	ssettm $0x1  }
0x91: {  	s17 =	sld [smem:$0x3FFB];
	_ =	sdelay $0x3  }
0x92: {  	_ =	strace s17  }
0x93: {  	s2 =	sld [smem:$0x3FFC];
	_ =	sdelay $0x3  }
0x94: {  	_ =	strace s2  }
0x95: {  	s2 =	sld [smem:$0x3FFD];
	_ =	sdelay $0x3  }
0x96: {  	_ =	strace s2  }
0x97: {  	_ =	strace $0x8FFFFFFF  }
0x98: {  	s18 =	sld [smem:$0x3FDB];
	_ =	sdelay $0x1  }
0x99: {  	s19 =	simm.s32 $_scs_section_size  }
0x9a: {  	s4 =	simm.s32 $_size__tile_overlayer_lowered;
	s5 =	simm.s32 $_tile_overlayer_lowered  }
0x9b: {  	s22 =	simm.s32 $0x1BFF;
	s21 =	sshll.u32 s5, $0x1;
	s2 =	sadd.s32 s19, s18  }
0x9c: {  	s6 =	simm.s32 $0x0;
	s20 =	sshll.u32 s4, $0x1;
	s4 =	sadd.s32 s21, s2  }
0x9d: {  	[timem:s6], [sflag:s22] =	dma.local [hbm:s4], s20  }
0x9e: {  	_ =	swait.ge [sflag:s22], s20  }
0x9f: {  	s3 =	ssub.s32 $0x0, s20;
	[sflag:s22] =	ssyncset.done $0x0  }
0xa0: {  	[sflag:s22] =	ssyncadd.s32 s3;
	_ =	sdelay $0x1  }
0xa1: {  	s23 =	simm.s32 $0x1B8B  }
0xa2: {  	_ =	swait.ge [sflag:s23], $0x1  }
0xa3: {  	[sflag:s23] =	ssyncset.done $0x0  }
0xa4: {  	s25 =	simm.s32 $0x1B8E;
	s24 =	sld [smem:$0x3FFE];
	[sflag:s23] =	ssyncadd.s32 $0xFFFFFFFF  }
0xa5: {  	s26 =	simm.s32 $execute0_lowered;
	[smem:$0x3FD2] =	sst s25  }
0xa6: {  	s4 =	sshll.u32 s26, $0x1;
	_ =	strace $0x80000046;
	[dreg:$0x1] =	wrdreg $0xFFFFFFFF  }
0xa7: {  	s28 =	simm.s32 $_size_execute0_lowered;
	s2 =	sadd.s32 s2, s4;
	[dreg:$0x0] =	wrdreg $0x0  }
0xa8: {  	s4 =	sshll.u32 s28, $0x1;
	[dreg:$0x2] =	wrdreg s2  }
0xa9: {  	[dreg:$0x3] =	wrdreg s4  }
0xaa: {  	[dreg:$0x4] =	wrdreg $0xC0  }
0xab: {  	_ =	task [dreg:s6], $0x5FFFF  }
0xac: {  	[dreg:$0x1] =	wrdreg $0xFFFFFFFF  }
0xad: {  	[dreg:$0x0] =	wrdreg $0x60  }
0xae: {  	[dreg:$0x2] =	wrdreg s24  }
0xaf: {  	[dreg:$0x3] =	wrdreg $0x38800  }
0xb0: {  	[dreg:$0x4] =	wrdreg $0x9  }
0xb1: {  	_ =	task.clear_ibuf [dreg:s6], $0x5FFFF;
	_ =	strace $0x90000046  }
0xb2: {  	s29 =	simm.s32 $0x9;
	_ =	strace $0x80000048  }
0xb3: {  	_ =	swait.ge [sflag:s29], $0x1  }
0xb4: {  	[sflag:s29] =	ssyncadd.s32 $0xFFFFFFFF  }
0xb5: {  	_ =	strace $0x90000048  }
0xb6: {  	_ =	sfence  }
0xb7: {  	s30 =	sld [smem:$0x0];
	_ =	sdelay $0x2  }
0xb8: {  	s31 =	sshll.u32 s1, $0xD;
	s1 =	sshrl.u32 s1, $0x2  }
0xb9: {  	s3 =	sand.u32 $0x4000, s31;
	s1 =	sadd.s32 s1, s30  }
0xba: {  	s0 =	sor.u32 s3, s0;
	s1 =	sshll.u32 s1, $0x11  }
0xbb: {  	s0 =	sor.u32 s1, s0  }
0xbc: {  	s0 =	sadd.s32 $0x8F2B, s0  }
0xbd: {  	[sflag:s0] =	ssyncadd.remote.s32 $0x1  }
0xbe: {  	_ =	sfence.sel $0xFFFF  }
0xbf: {  	[dreg:$0x0] =	wrdreg $0xFFFFFFFF;
	(pc) =	sbr.abs _section_cstart, $3  }
0xc0: {  	[dreg:$0x1] =	wrdreg $0xFFFFFFFF  }
0xc1: {  	_ =	task.clear_ibuf [dreg:s6], $0x2FFFF;
	_ =	strace $0x9FFFFFFF  }
0xc2: {  	(tm) =	ssettm $0x7FFFFFFF  }
0xc3: {  	_ =	shalt  }
tec
execute0_lowered:
.L_overlay_start_1:
0x0: {  	(tag) =	ssettag $0x1  }
0x1: {  	s4 =	rddreg [dreg:$0x0];
	s1 =	srdreg.scid  }
0x2: {  	s0 =	stileid.u32;
	s2 =	rddreg [dreg:$0x1]  }
0x3: {  	s3 =	simm.s32 $0x0;
	s15 =	simm.s32 $0x80;
	s16 =	simm.s32 $0x2880  }
0x4: {  	s19 =	simm.s32 $0x0;
	s5 =	sand.u32 $0x1, s1;
	s1 =	rddreg [dreg:$0x2]  }
0x5: {  	s6 =	smul.u32 $0x2800, s0;
	[smem:$0x7FF] =	sst s3;
	s10 =	sadd.s32 $0x3000, s4  }
0x6: {  	s8 =	sshll.u32 s0, $0x1;
	s9 =	smul.u32 $0xA000, s0;
	p0 =	sgt.u32 s0, $0x1  }
0x7: {  	s17 =	sshll.u32 s0, $0x6;
	s7 =	smul.u32 $0x28000, s5;
	_ =	strace $0x80000047  }
0x8: {  	s28 =	ssub.s32 $0x2, s5;
	s8 =	sor.u32 s5, s8;
	s17 =	sor.u32 $0x1C01, s17  }
0x9: {  	s29 =	sshrl.u32 s28, $0x1;
	s30 =	sshrl.u32 s9, $0x2;
	s31 =	smul.u32 $0x2700, s8  }
0xa: {  	s14 =	sshll.u32 s8, $0x4;
	s7 =	sadd.s32 s6, s7;
	s13 =	sadd.s32 s30, s2  }
0xb: {  	s12 =	ssub.s32 s28, s29;
	s7 =	sshrl.u32 s7, $0x3;
	s5 =	sadd.s32 $0x800, s13  }
0xc: {  	s9 =	sshrl.u32 s31, $0x3;
	s8 =	sadd.s32 $0x2000, s13;
	s12 =	smax.u32 s12, $0x1  }
0xd: {  	s11 =	sadd.s32 s7, s4;
	s4 =	sadd.s32 s6, s2;
	s6 =	sadd.s32 $0x1000, s13  }
0xe: {  	s7 =	sadd.s32 $0x1800, s13;
	s9 =	sadd.s32 s10, s9;
	s10 =	sadd.s32 s14, s10  }
0xf: {  	s13 =	simm.s32 $0x3080;
	s14 =	simm.s32 $0x1;
	s9 =	sadd.s32 $0x9C40, s9  }
0x10: {  	v0 =	vimm.f32 $1.000000000e+00;
	v1 =	vimm.f32 $0.0e+00;
	s10 =	sadd.s32 $0x13840, s10;
	s11 =	sadd.s32 $0x16A00, s11;
	s18 =	sshrl.u32 s4, $0x3  }
.LBB2_1:
0x11: {  	s20 =	simm.s32 $0x40;
	s21 =	simm.s32 $0x0  }
.LBB2_2:
0x12: {  	p1 =	sne.s32 s20, $0x1FC0;
	[tilespmem:s21+$0x2880] =	vst v0;
	s22 =	smov.u32 s20;
	s20 =	sadd.s32 $0x40, s20  }
.Ltmp0:
0x13: {  	[tilespmem:s21+$0x3080] =	vst v1;
	(pc) =	sbr.rel @p1 .LBB2_2-.Ltmp0, $2  }
0x14: {  	_ =	sdelay $0x2  }
0x15: {  	s21 =	sshra.s32 s22, $0x2  }
0x16: {  	[tilespmem:s21+$0x2880] =	vst v0  }
0x17: {  	[tilespmem:s21+$0x3080] =	vst v1  }
0x18: {  	[spmem:s4] =	stream.linear.scatter [tilespmem:s13], [sflag:$0x1], $0x800, $0x38;
	[tilespmem:$0x6080] =	vst v63  }
0x19: {  	_ =	swait.ge [sflag:s14], $0x800  }
0x1a: {  	[sflag:s14] =	ssyncset.done $0x0  }
0x1b: {  	[sflag:s14] =	ssyncadd.s32 $0xFFFFF800  }
0x1c: {  	[spmem:s5] =	stream.linear.scatter [tilespmem:s13], [sflag:$0x1], $0x800, $0x38;
	[tilespmem:$0x6080] =	vst v63  }
0x1d: {  	_ =	swait.ge [sflag:s14], $0x800  }
0x1e: {  	[sflag:s14] =	ssyncset.done $0x0  }
0x1f: {  	[sflag:s14] =	ssyncadd.s32 $0xFFFFF800  }
0x20: {  	[spmem:s6] =	stream.linear.scatter [tilespmem:s13], [sflag:$0x1], $0x800, $0x38;
	[tilespmem:$0x6080] =	vst v63  }
0x21: {  	_ =	swait.ge [sflag:s14], $0x800  }
0x22: {  	[sflag:s14] =	ssyncset.done $0x0  }
0x23: {  	[sflag:s14] =	ssyncadd.s32 $0xFFFFF800  }
0x24: {  	[spmem:s7] =	stream.linear.scatter [tilespmem:s13], [sflag:$0x1], $0x800, $0x38;
	[tilespmem:$0x6080] =	vst v63  }
0x25: {  	_ =	swait.ge [sflag:s14], $0x800  }
0x26: {  	[sflag:s14] =	ssyncset.done $0x0  }
0x27: {  	[sflag:s14] =	ssyncadd.s32 $0xFFFFF800  }
0x28: {  	[spmem:s8] =	stream.linear.scatter [tilespmem:s13], [sflag:$0x1], $0x800, $0x38;
	[tilespmem:$0x6080] =	vst v63  }
0x29: {  	_ =	swait.ge [sflag:s14], $0x800  }
0x2a: {  	[sflag:s14] =	ssyncset.done $0x0  }
0x2b: {  	[sflag:s14] =	ssyncadd.s32 $0xFFFFF800  }
0x2c: {  	[tilespmem:s3], [sflag:$0x1] =	stream.linear.gather [hbm4b:s9+s3], $0x2700, $0x38;
	[tilespmem:$0x6080] =	vst v63  }
0x2d: {  	_ =	swait.ge [sflag:s14], $0x2700  }
0x2e: {  	[sflag:s14] =	ssyncset.done $0x0  }
0x2f: {  	s20 =	simm.s32 @!p0 $0x0;
	s21 =	simm.s32 @!p0 $0x2800;
	[sflag:s14] =	ssyncadd.s32 $0xFFFFD900  }
0x30: {  	[tilespmem:s21], [sflag:$0x1] =	stream.linear.gather @!p0 [hbm4b:s10+s20], $0x80, $0x38;
	[tilespmem:$0x6080] =	vst v63  }
0x31: {  	s20 =	simm.s32 @!p0 $0x1  }
0x32: {  	_ =	swait.ge @!p0 [sflag:s20], $0x80  }
0x33: {  	[sflag:s20] =	ssyncset.done @!p0 $0x0  }
0x34: {  	[sflag:s20] =	ssyncadd.s32 @!p0 $0xFFFFFF80  }
0x35: {  	s31 =	simm.s32 $0x0;
	[bflag:$0x0] =	sbarrier.arrive $0xFFFF  }
0x36: {  	[spmem:s2] =	stream.indirect.scatter.add.f32 [tilespmem:s16], [sflag:$0x1], $0x10, s31, s15, $0xb8;
	[tilespmem:$0x6080] =	vst v63  }
0x37: {  	_ =	swait.ge [sflag:s14], $0x800  }
0x38: {  	s20 =	simm.s32 $0x200;
	[sflag:s14] =	ssyncset.done $0x0  }
.LBB2_4:
0x39: {  	s21 =	sshra.s32 s20, $0x2;
	[sflag:s14] =	ssyncadd.s32 $0xFFFFF800;
	p1 =	sne.s32 s20, $0x9A00  }
0x3a: {  	[spmem:s2] =	stream.indirect.scatter.add.f32 [tilespmem:s16], [sflag:$0x1], $0x10, s21, s15, $0xb8;
	[tilespmem:$0x6080] =	vst v63  }
.Ltmp1:
0x3b: {  	_ = 	snop;
	(pc) =	sbr.rel @p1 .LBB2_4-.Ltmp1, $4  }
0x3c: {  	_ = 	snop  }
0x3d: {  	s20 =	sadd.s32 $0x200, s20  }
0x3e: {  	_ =	swait.ge [sflag:s14], $0x800  }
0x3f: {  	[sflag:s14] =	ssyncset.done $0x0  }
0x40: {  	[sflag:s14] =	ssyncadd.s32 $0xFFFFF800  }
0x41: {  	s20 =	simm.s32 @!p0 $0x80;
	s21 =	simm.s32 @!p0 $0x2800;
	s22 =	simm.s32 @!p0 $0x2880  }
0x42: {  	[spmem:s2] =	stream.indirect.scatter.add.f32 @!p0 [tilespmem:s22], [sflag:$0x1], $0x10, s21, s20, $0xb8;
	[tilespmem:$0x6080] =	vst v63  }
0x43: {  	s20 =	simm.s32 @!p0 $0x1  }
0x44: {  	_ =	swait.ge @!p0 [sflag:s20], $0x800  }
0x45: {  	s19 =	sadd.s32 $0x1, s19;
	[sflag:s20] =	ssyncset.done @!p0 $0x0  }
0x46: {  	p1 =	sne.s32 s19, s12;
	[sflag:s20] =	ssyncadd.s32 @!p0 $0xFFFFF800  }
.Ltmp2:
0x47: {  	[bflag:$0x0] =	sbarrier.arrive $0xFFFF;
	(pc) =	sbr.rel @p1 .LBB2_1-.Ltmp2, $4  }
0x48: {  	[hbm:s11], [sflag:s17] =	dma.local [spmem:s18], $0x500  }
0x49: {  	_ =	swait.ge [sflag:s14], $0x500  }
0x4a: {  	[sflag:s14] =	ssyncset.done $0x0  }
0x4b: {  	[sflag:s14] =	ssyncadd.s32 $0xFFFFFB00  }
0x4c: {  	_ =	sfence.sel $0x180000  }
0x4d: {  	[bflag:$0x0] =	sbarrier.arrive $0xFFFF  }
0x4e: {  	p0 =	sne.s32 s0, $0x0;
	_ =	strace $0x90000047  }
0x4f: {  	s0 =	sadd.s32 @!p0 $0x100000, s1;
	[bflag:$0x2] =	sbarrier.arrive $0xFFFF  }
0x50: {  	[sflag:s0] =	ssyncadd.tile.s32 @!p0 $0x1;
	_ =	shalt  }
.Lfunc_end2:
_tile_overlayer_lowered:
.L_overlay_start_2:
0x51: {  	(tag) =	ssettag $0x2  }
0x52: {  	s0 =	rddreg [dreg:$0x0];
	s2 =	stileid.u32  }
0x53: {  	s1 =	rddreg [dreg:$0x1];
	p0 =	sne.s32 s2, $0x0  }
0x54: {  	s3 =	rddreg [dreg:$0x2];
	[bflag:$0x3] =	sbarrier.arrive $0xFFFF;
	s2 =	simm.s32 @!p0 $0x1C01  }
0x55: {  	[timem:s3], [sflag:s2] =	dma.local @!p0 [hbm:s0], s1  }
0x56: {  	s0 =	simm.s32 @!p0 $0x1  }
0x57: {  	_ =	swait.ge @!p0 [sflag:s0], s1  }
0x58: {  	s1 =	ssub.s32 @!p0 $0x0, s1;
	[sflag:s0] =	ssyncset.done @!p0 $0x0  }
0x59: {  	[sflag:s0] =	ssyncadd.s32 @!p0 s1  }
0x5a: {  	[bflag:$0x3] =	sbarrier.arrive $0xFFFF  }
0x5b: {  	_ =	shalt  }

</sc_bundles>
